<compile_context>
chip_gen: v7x
topology: tpu7x:2x2x1
jax: 0.10.2.dev20260603
libtpu: 0.0.44.dev20260713+nightly
codegen_flags: <defaults>
</compile_context>

<pallas_src>
import dataclasses
import functools

import jax
import jax.numpy as jnp
from jax import lax
from jax.experimental import pallas as pl
from jax.experimental.pallas import tpu as pltpu
from jax.experimental.pallas import tpu_sc as plsc

CONTEXT = 16
VOCAB = 256
EMBED = 6
HIDDEN = 64
NOUT = 256
NFEAT = CONTEXT * EMBED

NUM_CORES = 2
NUM_SUBCORES = 16
NW = NUM_CORES * NUM_SUBCORES
LANES = 16


def _sc_gather_body(emb_hbm, xprep_hbm, out_hbm, emb_v, xv, h0t_v, sem):
    bpw = h0t_v.shape[1]
    wid = lax.axis_index("s") * NUM_CORES + lax.axis_index("c")
    pltpu.sync_copy(emb_hbm, emb_v)
    pltpu.sync_copy(xprep_hbm.at[pl.ds(wid * bpw * CONTEXT, bpw * CONTEXT)], xv)

    TCH = 4
    copies = []
    for t0 in range(0, CONTEXT, TCH):

        @plsc.parallel_loop(0, bpw, step=LANES, unroll=8)
        def _(b, t0=t0):
            for t in range(t0, t0 + TCH):
                addr = xv[pl.ds(t * bpw + b, LANES)]
                for d in range(EMBED):
                    v = plsc.load_gather(emb_v, [addr + d] if d else [addr])
                    h0t_v[t * EMBED + d, pl.ds(b, LANES)] = v

        copies.append(pltpu.async_copy(
            h0t_v.at[pl.ds(t0 * EMBED, TCH * EMBED)],
            out_hbm.at[wid, pl.ds(t0 * EMBED, TCH * EMBED)], sem))
    for c in copies:
        c.wait()


def _mlp_body(h0t_ref, w1t_ref, b1_ref, w2t_ref, b2_ref, out_ref):
    nw_blk, _, bpw = h0t_ref.shape
    for k in range(nw_blk):
        h0t = h0t_ref[k].astype(jnp.bfloat16)
        h1 = lax.dot_general(
            h0t, w1t_ref[...], (((0,), (0,)), ((), ())),
            preferred_element_type=jnp.float32,
        )
        h1 = jnp.maximum(h1 + b1_ref[...], 0.0).astype(jnp.bfloat16)
        out_ref[pl.ds(k * bpw, bpw), :] = lax.dot_general(
            h1, w2t_ref[...], (((1,), (0,)), ((), ())),
            preferred_element_type=jnp.float32,
        ) + b2_ref[...]


def kernel(x, embed, W1, b1, W2, b2):
    batch = x.shape[0]
    bpw = batch // NW
    x = x.astype(jnp.int32)
    xprep = (x * EMBED).reshape(NW, bpw, CONTEXT).transpose(0, 2, 1).reshape(-1)
    emb_flat = embed.reshape(VOCAB * EMBED)

    cp = pltpu.CompilerParams()
    if "needs_layout_passes" in pltpu.CompilerParams.__dataclass_fields__:
        cp = dataclasses.replace(cp, needs_layout_passes=False)
    mesh = plsc.VectorSubcoreMesh(core_axis_name="c", subcore_axis_name="s")
    sc_gather = functools.partial(
        pl.kernel,
        mesh=mesh,
        compiler_params=cp,
        out_type=jax.ShapeDtypeStruct((NW, NFEAT, bpw), jnp.float32),
        scratch_types=[
            pltpu.VMEM((VOCAB * EMBED,), jnp.float32),
            pltpu.VMEM((bpw * CONTEXT,), jnp.int32),
            pltpu.VMEM((NFEAT, bpw), jnp.float32),
            pltpu.SemaphoreType.DMA,
        ],
    )(_sc_gather_body)
    h0t = sc_gather(emb_flat, xprep)

    w1t_bf = W1.T.astype(jnp.bfloat16)
    w2t_bf = W2.T.astype(jnp.bfloat16)
    b1_row = b1.reshape(1, HIDDEN)
    b2_row = b2.reshape(1, NOUT)

    wpb = 16
    out = pl.pallas_call(
        _mlp_body,
        grid=(NW // wpb,),
        in_specs=[
            pl.BlockSpec((wpb, NFEAT, bpw), lambda i: (i, 0, 0)),
            pl.BlockSpec((NFEAT, HIDDEN), lambda i: (0, 0)),
            pl.BlockSpec((1, HIDDEN), lambda i: (0, 0)),
            pl.BlockSpec((HIDDEN, NOUT), lambda i: (0, 0)),
            pl.BlockSpec((1, NOUT), lambda i: (0, 0)),
        ],
        out_specs=pl.BlockSpec((wpb * bpw, NOUT), lambda i: (i, 0)),
        out_shape=jax.ShapeDtypeStruct((batch, NOUT), jnp.float32),
    )(h0t, w1t_bf, b1_row, w2t_bf, b2_row)
    return out

# --- scband reference (transcript-rebuilt; emitter-appended) ---
"""Pipeline reference for scband-my-nn-33406255628837 (READ-ONLY COPY).

The authoritative reference and input builder live on the scoring server;
editing this copy changes nothing except your own understanding.
"""

import jax, jax.numpy as jnp
import numpy as np

CONTEXT_LEN = 16
VOCAB = 256
EMBED = 6
HIDDEN = 64
BATCH = 16384


def setup_inputs(seed: int = 0) -> dict:
    key = jax.random.key(seed)
    ks = jax.random.split(key, 6)
    x = jax.random.randint(ks[0], (BATCH, CONTEXT_LEN), 0, VOCAB, dtype=jnp.int64 if jax.config.jax_enable_x64 else jnp.int32)
    embed = jax.random.normal(ks[1], (VOCAB, EMBED), dtype=jnp.float32) * 0.1
    W1 = jax.random.normal(ks[2], (HIDDEN, EMBED * CONTEXT_LEN), dtype=jnp.float32) * 0.05
    b1 = jnp.zeros((HIDDEN,), dtype=jnp.float32)
    W2 = jax.random.normal(ks[3], (VOCAB, HIDDEN), dtype=jnp.float32) * 0.05
    b2 = jnp.zeros((VOCAB,), dtype=jnp.float32)
    return {"x": x, "embed": embed, "W1": W1, "b1": b1, "W2": W2, "b2": b2}


def reference(x, embed, W1, b1, W2, b2):
    # nn.Embedding lookup -> gather
    h = jnp.take(embed, x, axis=0)              # [B, 16, 6]
    h = h.reshape(h.shape[0], -1)                # [B, 96]
    # fc1: torch Linear y = x @ W.T + b
    h = h @ W1.T + b1                            # [B, 64]
    h = jax.nn.relu(h)
    out = h @ W2.T + b2                          # [B, 256]
    return out

if __name__ == "__main__":
    import jax
    _d = setup_inputs()
    print(jax.jit(kernel)(*tuple(_d.values())))

</pallas_src>

<mosaic_0001>
#map = affine_map<(d0, d1) -> (0)>
#map1 = affine_map<(d0, d1) -> (0, 0, 0)>
module attributes {stable_mosaic.version = 14 : i64} {
  func.func @_sc_gather_body(%arg0: i32, %arg1: i32, %arg2: memref<1536xf32, #tpu.memory_space<hbm>>, %arg3: memref<262144xi32, #tpu.memory_space<hbm>>, %arg4: memref<32x96x512xf32, #tpu.memory_space<hbm>>, %arg5: memref<1536xf32, #tpu.memory_space<vmem>>, %arg6: memref<8192xi32, #tpu.memory_space<vmem>>, %arg7: memref<96x512xf32, #tpu.memory_space<vmem>>, %arg8: memref<!tpu.dma_semaphore, #tpu.memory_space<semaphore_mem>>) attributes {dimension_semantics = [#tpu.dimension_semantics<core_parallel>, #tpu.dimension_semantics<subcore_parallel>], iteration_bounds = array<i64: 2, 16>, scalar_prefetch = 0 : i64, scratch_operands = 4 : i64, tpu.core_type = #tpu.core_type<sc_vector_subcore>, window_params = [{transform_indices = #map}, {transform_indices = #map}, {transform_indices = #map1}]} {
    %mul3A = arith.constant 2 : i32
    %mul3A_0 = arith.muli %arg1, %mul3A : i32
    %add3A = arith.addi %mul3A_0, %arg0 : i32
    "tpu.region"() ({
      %run_scoped3A = tpu.sem_alloc : memref<!tpu.dma_semaphore, #tpu.memory_space<semaphore_mem>>
      tpu.enqueue_dma source(%arg2 : memref<1536xf32, #tpu.memory_space<hbm>>) target(%arg5 : memref<1536xf32, #tpu.memory_space<vmem>>) target_semaphore(%run_scoped3A : memref<!tpu.dma_semaphore, #tpu.memory_space<semaphore_mem>>)
      tpu.wait_dma2 semaphore(%run_scoped3A : memref<!tpu.dma_semaphore, #tpu.memory_space<semaphore_mem>>) src(%arg2 : memref<1536xf32, #tpu.memory_space<hbm>>) dst(%arg5 : memref<1536xf32, #tpu.memory_space<vmem>>)
      tpu.yield
    }) : () -> ()
    %mul3A_1 = arith.constant 512 : i32
    %mul3A_2 = arith.muli %add3A, %mul3A_1 : i32
    %mul3A_3 = arith.constant 16 : i32
    %mul3A_4 = arith.muli %mul3A_2, %mul3A_3 : i32
    "tpu.region"() ({
      %run_scoped3A = tpu.sem_alloc : memref<!tpu.dma_semaphore, #tpu.memory_space<semaphore_mem>>
      %dma_start3A_126 = tpu.memref_slice %arg3[%mul3A_4] : memref<262144xi32, #tpu.memory_space<hbm>> -> memref<8192xi32, #tpu.memory_space<hbm>>
      %dma_start3A_127 = tpu.memref_slice %arg3[%mul3A_4] : memref<262144xi32, #tpu.memory_space<hbm>> -> memref<8192xi32, #tpu.memory_space<hbm>>
      tpu.enqueue_dma source(%dma_start3A_127 : memref<8192xi32, #tpu.memory_space<hbm>>) target(%arg6 : memref<8192xi32, #tpu.memory_space<vmem>>) target_semaphore(%run_scoped3A : memref<!tpu.dma_semaphore, #tpu.memory_space<semaphore_mem>>)
      %dma_wait3A_128 = tpu.memref_slice %arg3[%mul3A_4] : memref<262144xi32, #tpu.memory_space<hbm>> -> memref<8192xi32, #tpu.memory_space<hbm>>
      %dma_wait3A_129 = tpu.memref_slice %arg3[%mul3A_4] : memref<262144xi32, #tpu.memory_space<hbm>> -> memref<8192xi32, #tpu.memory_space<hbm>>
      tpu.wait_dma2 semaphore(%run_scoped3A : memref<!tpu.dma_semaphore, #tpu.memory_space<semaphore_mem>>) src(%dma_wait3A_129 : memref<8192xi32, #tpu.memory_space<hbm>>) dst(%arg6 : memref<8192xi32, #tpu.memory_space<vmem>>)
      tpu.yield
    }) : () -> ()
    %parallel_loop3A = arith.constant 0 : i32
    %parallel_loop3A_5 = arith.constant 512 : i32
    %parallel_loop3A_6 = arith.constant 16 : i32
    scf.for %parallel_loop3A_126 = %parallel_loop3A to %parallel_loop3A_5 step %parallel_loop3A_6  : i32 {
      %parallel_loop3A_127 = arith.constant 0 : i32
      %parallel_loop3A_128 = arith.addi %parallel_loop3A_127, %parallel_loop3A_126 : i32
      %parallel_loop3A_129 = arith.index_cast %parallel_loop3A_128 : i32 to index
      %parallel_loop3A_130 = tpu.vector_load %arg6[%parallel_loop3A_129] {strides = array<i32>} : memref<8192xi32, #tpu.memory_space<vmem>>, vector<16xi32>,
      %parallel_loop3A_131 = tpu.vector_load_idx %arg5[%parallel_loop3A_130] : memref<1536xf32, #tpu.memory_space<vmem>>[vector<16xi32>], vector<16xf32>,
      %parallel_loop3A_132 = arith.constant 0 : i32
      %parallel_loop3A_133 = arith.index_cast %parallel_loop3A_132 : i32 to index
      %parallel_loop3A_134 = arith.index_cast %parallel_loop3A_126 : i32 to index
      %parallel_loop3A_135 = tpu.vector_load %arg7[%parallel_loop3A_133, %parallel_loop3A_134] {strides = array<i32>} : memref<96x512xf32, #tpu.memory_space<vmem>>, vector<16xf32>,
      tpu.vector_store %arg7[%parallel_loop3A_133, %parallel_loop3A_134], %parallel_loop3A_131 {strides = array<i32>} : memref<96x512xf32, #tpu.memory_space<vmem>>, vector<16xf32>,
      %parallel_loop3A_136 = arith.constant 1 : i32
      %parallel_loop3A_137 = vector.broadcast %parallel_loop3A_136 : i32 to vector<16xi32>
      %parallel_loop3A_138 = arith.addi %parallel_loop3A_130, %parallel_loop3A_137 : vector<16xi32>
      %parallel_loop3A_139 = tpu.vector_load_idx %arg5[%parallel_loop3A_138] : memref<1536xf32, #tpu.memory_space<vmem>>[vector<16xi32>], vector<16xf32>,
      %parallel_loop3A_140 = arith.constant 1 : i32
      %parallel_loop3A_141 = arith.index_cast %parallel_loop3A_140 : i32 to index
      %parallel_loop3A_142 = arith.index_cast %parallel_loop3A_126 : i32 to index
      %parallel_loop3A_143 = tpu.vector_load %arg7[%parallel_loop3A_141, %parallel_loop3A_142] {strides = array<i32>} : memref<96x512xf32, #tpu.memory_space<vmem>>, vector<16xf32>,
      tpu.vector_store %arg7[%parallel_loop3A_141, %parallel_loop3A_142], %parallel_loop3A_139 {strides = array<i32>} : memref<96x512xf32, #tpu.memory_space<vmem>>, vector<16xf32>,
      %parallel_loop3A_144 = arith.constant 2 : i32
      %parallel_loop3A_145 = vector.broadcast %parallel_loop3A_144 : i32 to vector<16xi32>
      %parallel_loop3A_146 = arith.addi %parallel_loop3A_130, %parallel_loop3A_145 : vector<16xi32>
      %parallel_loop3A_147 = tpu.vector_load_idx %arg5[%parallel_loop3A_146] : memref<1536xf32, #tpu.memory_space<vmem>>[vector<16xi32>], vector<16xf32>,
      %parallel_loop3A_148 = arith.constant 2 : i32
      %parallel_loop3A_149 = arith.index_cast %parallel_loop3A_148 : i32 to index
      %parallel_loop3A_150 = arith.index_cast %parallel_loop3A_126 : i32 to index
      %parallel_loop3A_151 = tpu.vector_load %arg7[%parallel_loop3A_149, %parallel_loop3A_150] {strides = array<i32>} : memref<96x512xf32, #tpu.memory_space<vmem>>, vector<16xf32>,
      tpu.vector_store %arg7[%parallel_loop3A_149, %parallel_loop3A_150], %parallel_loop3A_147 {strides = array<i32>} : memref<96x512xf32, #tpu.memory_space<vmem>>, vector<16xf32>,
      %parallel_loop3A_152 = arith.constant 3 : i32
      %parallel_loop3A_153 = vector.broadcast %parallel_loop3A_152 : i32 to vector<16xi32>
      %parallel_loop3A_154 = arith.addi %parallel_loop3A_130, %parallel_loop3A_153 : vector<16xi32>
      %parallel_loop3A_155 = tpu.vector_load_idx %arg5[%parallel_loop3A_154] : memref<1536xf32, #tpu.memory_space<vmem>>[vector<16xi32>], vector<16xf32>,
      %parallel_loop3A_156 = arith.constant 3 : i32
      %parallel_loop3A_157 = arith.index_cast %parallel_loop3A_156 : i32 to index
      %parallel_loop3A_158 = arith.index_cast %parallel_loop3A_126 : i32 to index
      %parallel_loop3A_159 = tpu.vector_load %arg7[%parallel_loop3A_157, %parallel_loop3A_158] {strides = array<i32>} : memref<96x512xf32, #tpu.memory_space<vmem>>, vector<16xf32>,
      tpu.vector_store %arg7[%parallel_loop3A_157, %parallel_loop3A_158], %parallel_loop3A_155 {strides = array<i32>} : memref<96x512xf32, #tpu.memory_space<vmem>>, vector<16xf32>,
      %parallel_loop3A_160 = arith.constant 4 : i32
      %parallel_loop3A_161 = vector.broadcast %parallel_loop3A_160 : i32 to vector<16xi32>
      %parallel_loop3A_162 = arith.addi %parallel_loop3A_130, %parallel_loop3A_161 : vector<16xi32>
      %parallel_loop3A_163 = tpu.vector_load_idx %arg5[%parallel_loop3A_162] : memref<1536xf32, #tpu.memory_space<vmem>>[vector<16xi32>], vector<16xf32>,
      %parallel_loop3A_164 = arith.constant 4 : i32
      %parallel_loop3A_165 = arith.index_cast %parallel_loop3A_164 : i32 to index
      %parallel_loop3A_166 = arith.index_cast %parallel_loop3A_126 : i32 to index
      %parallel_loop3A_167 = tpu.vector_load %arg7[%parallel_loop3A_165, %parallel_loop3A_166] {strides = array<i32>} : memref<96x512xf32, #tpu.memory_space<vmem>>, vector<16xf32>,
      tpu.vector_store %arg7[%parallel_loop3A_165, %parallel_loop3A_166], %parallel_loop3A_163 {strides = array<i32>} : memref<96x512xf32, #tpu.memory_space<vmem>>, vector<16xf32>,
      %parallel_loop3A_168 = arith.constant 5 : i32
      %parallel_loop3A_169 = vector.broadcast %parallel_loop3A_168 : i32 to vector<16xi32>
      %parallel_loop3A_170 = arith.addi %parallel_loop3A_130, %parallel_loop3A_169 : vector<16xi32>
      %parallel_loop3A_171 = tpu.vector_load_idx %arg5[%parallel_loop3A_170] : memref<1536xf32, #tpu.memory_space<vmem>>[vector<16xi32>], vector<16xf32>,
      %parallel_loop3A_172 = arith.constant 5 : i32
      %parallel_loop3A_173 = arith.index_cast %parallel_loop3A_172 : i32 to index
      %parallel_loop3A_174 = arith.index_cast %parallel_loop3A_126 : i32 to index
      %parallel_loop3A_175 = tpu.vector_load %arg7[%parallel_loop3A_173, %parallel_loop3A_174] {strides = array<i32>} : memref<96x512xf32, #tpu.memory_space<vmem>>, vector<16xf32>,
      tpu.vector_store %arg7[%parallel_loop3A_173, %parallel_loop3A_174], %parallel_loop3A_171 {strides = array<i32>} : memref<96x512xf32, #tpu.memory_space<vmem>>, vector<16xf32>,
      %parallel_loop3A_176 = arith.constant 512 : i32
      %parallel_loop3A_177 = arith.addi %parallel_loop3A_176, %parallel_loop3A_126 : i32
      %parallel_loop3A_178 = arith.index_cast %parallel_loop3A_177 : i32 to index
      %parallel_loop3A_179 = tpu.vector_load %arg6[%parallel_loop3A_178] {strides = array<i32>} : memref<8192xi32, #tpu.memory_space<vmem>>, vector<16xi32>,
      %parallel_loop3A_180 = tpu.vector_load_idx %arg5[%parallel_loop3A_179] : memref<1536xf32, #tpu.memory_space<vmem>>[vector<16xi32>], vector<16xf32>,
      %parallel_loop3A_181 = arith.constant 6 : i32
      %parallel_loop3A_182 = arith.index_cast %parallel_loop3A_181 : i32 to index
      %parallel_loop3A_183 = arith.index_cast %parallel_loop3A_126 : i32 to index
      %parallel_loop3A_184 = tpu.vector_load %arg7[%parallel_loop3A_182, %parallel_loop3A_183] {strides = array<i32>} : memref<96x512xf32, #tpu.memory_space<vmem>>, vector<16xf32>,
      tpu.vector_store %arg7[%parallel_loop3A_182, %parallel_loop3A_183], %parallel_loop3A_180 {strides = array<i32>} : memref<96x512xf32, #tpu.memory_space<vmem>>, vector<16xf32>,
      %parallel_loop3A_185 = arith.constant 1 : i32
      %parallel_loop3A_186 = vector.broadcast %parallel_loop3A_185 : i32 to vector<16xi32>
      %parallel_loop3A_187 = arith.addi %parallel_loop3A_179, %parallel_loop3A_186 : vector<16xi32>
      %parallel_loop3A_188 = tpu.vector_load_idx %arg5[%parallel_loop3A_187] : memref<1536xf32, #tpu.memory_space<vmem>>[vector<16xi32>], vector<16xf32>,
      %parallel_loop3A_189 = arith.constant 7 : i32
      %parallel_loop3A_190 = arith.index_cast %parallel_loop3A_189 : i32 to index
      %parallel_loop3A_191 = arith.index_cast %parallel_loop3A_126 : i32 to index
      %parallel_loop3A_192 = tpu.vector_load %arg7[%parallel_loop3A_190, %parallel_loop3A_191] {strides = array<i32>} : memref<96x512xf32, #tpu.memory_space<vmem>>, vector<16xf32>,
      tpu.vector_store %arg7[%parallel_loop3A_190, %parallel_loop3A_191], %parallel_loop3A_188 {strides = array<i32>} : memref<96x512xf32, #tpu.memory_space<vmem>>, vector<16xf32>,
      %parallel_loop3A_193 = arith.constant 2 : i32
      %parallel_loop3A_194 = vector.broadcast %parallel_loop3A_193 : i32 to vector<16xi32>
      %parallel_loop3A_195 = arith.addi %parallel_loop3A_179, %parallel_loop3A_194 : vector<16xi32>
      %parallel_loop3A_196 = tpu.vector_load_idx %arg5[%parallel_loop3A_195] : memref<1536xf32, #tpu.memory_space<vmem>>[vector<16xi32>], vector<16xf32>,
      %parallel_loop3A_197 = arith.constant 8 : i32
      %parallel_loop3A_198 = arith.index_cast %parallel_loop3A_197 : i32 to index
      %parallel_loop3A_199 = arith.index_cast %parallel_loop3A_126 : i32 to index
      %parallel_loop3A_200 = tpu.vector_load %arg7[%parallel_loop3A_198, %parallel_loop3A_199] {strides = array<i32>} : memref<96x512xf32, #tpu.memory_space<vmem>>, vector<16xf32>,
      tpu.vector_store %arg7[%parallel_loop3A_198, %parallel_loop3A_199], %parallel_loop3A_196 {strides = array<i32>} : memref<96x512xf32, #tpu.memory_space<vmem>>, vector<16xf32>,
      %parallel_loop3A_201 = arith.constant 3 : i32
      %parallel_loop3A_202 = vector.broadcast %parallel_loop3A_201 : i32 to vector<16xi32>
      %parallel_loop3A_203 = arith.addi %parallel_loop3A_179, %parallel_loop3A_202 : vector<16xi32>
      %parallel_loop3A_204 = tpu.vector_load_idx %arg5[%parallel_loop3A_203] : memref<1536xf32, #tpu.memory_space<vmem>>[vector<16xi32>], vector<16xf32>,
      %parallel_loop3A_205 = arith.constant 9 : i32
      %parallel_loop3A_206 = arith.index_cast %parallel_loop3A_205 : i32 to index
      %parallel_loop3A_207 = arith.index_cast %parallel_loop3A_126 : i32 to index
      %parallel_loop3A_208 = tpu.vector_load %arg7[%parallel_loop3A_206, %parallel_loop3A_207] {strides = array<i32>} : memref<96x512xf32, #tpu.memory_space<vmem>>, vector<16xf32>,
      tpu.vector_store %arg7[%parallel_loop3A_206, %parallel_loop3A_207], %parallel_loop3A_204 {strides = array<i32>} : memref<96x512xf32, #tpu.memory_space<vmem>>, vector<16xf32>,
      %parallel_loop3A_209 = arith.constant 4 : i32
      %parallel_loop3A_210 = vector.broadcast %parallel_loop3A_209 : i32 to vector<16xi32>
      %parallel_loop3A_211 = arith.addi %parallel_loop3A_179, %parallel_loop3A_210 : vector<16xi32>
      %parallel_loop3A_212 = tpu.vector_load_idx %arg5[%parallel_loop3A_211] : memref<1536xf32, #tpu.memory_space<vmem>>[vector<16xi32>], vector<16xf32>,
      %parallel_loop3A_213 = arith.constant 10 : i32
      %parallel_loop3A_214 = arith.index_cast %parallel_loop3A_213 : i32 to index
      %parallel_loop3A_215 = arith.index_cast %parallel_loop3A_126 : i32 to index
      %parallel_loop3A_216 = tpu.vector_load %arg7[%parallel_loop3A_214, %parallel_loop3A_215] {strides = array<i32>} : memref<96x512xf32, #tpu.memory_space<vmem>>, vector<16xf32>,
      tpu.vector_store %arg7[%parallel_loop3A_214, %parallel_loop3A_215], %parallel_loop3A_212 {strides = array<i32>} : memref<96x512xf32, #tpu.memory_space<vmem>>, vector<16xf32>,
      %parallel_loop3A_217 = arith.constant 5 : i32
      %parallel_loop3A_218 = vector.broadcast %parallel_loop3A_217 : i32 to vector<16xi32>
      %parallel_loop3A_219 = arith.addi %parallel_loop3A_179, %parallel_loop3A_218 : vector<16xi32>
      %parallel_loop3A_220 = tpu.vector_load_idx %arg5[%parallel_loop3A_219] : memref<1536xf32, #tpu.memory_space<vmem>>[vector<16xi32>], vector<16xf32>,
      %parallel_loop3A_221 = arith.constant 11 : i32
      %parallel_loop3A_222 = arith.index_cast %parallel_loop3A_221 : i32 to index
      %parallel_loop3A_223 = arith.index_cast %parallel_loop3A_126 : i32 to index
      %parallel_loop3A_224 = tpu.vector_load %arg7[%parallel_loop3A_222, %parallel_loop3A_223] {strides = array<i32>} : memref<96x512xf32, #tpu.memory_space<vmem>>, vector<16xf32>,
      tpu.vector_store %arg7[%parallel_loop3A_222, %parallel_loop3A_223], %parallel_loop3A_220 {strides = array<i32>} : memref<96x512xf32, #tpu.memory_space<vmem>>, vector<16xf32>,
      %parallel_loop3A_225 = arith.constant 1024 : i32
      %parallel_loop3A_226 = arith.addi %parallel_loop3A_225, %parallel_loop3A_126 : i32
      %parallel_loop3A_227 = arith.index_cast %parallel_loop3A_226 : i32 to index
      %parallel_loop3A_228 = tpu.vector_load %arg6[%parallel_loop3A_227] {strides = array<i32>} : memref<8192xi32, #tpu.memory_space<vmem>>, vector<16xi32>,
      %parallel_loop3A_229 = tpu.vector_load_idx %arg5[%parallel_loop3A_228] : memref<1536xf32, #tpu.memory_space<vmem>>[vector<16xi32>], vector<16xf32>,
      %parallel_loop3A_230 = arith.constant 12 : i32
      %parallel_loop3A_231 = arith.index_cast %parallel_loop3A_230 : i32 to index
      %parallel_loop3A_232 = arith.index_cast %parallel_loop3A_126 : i32 to index
      %parallel_loop3A_233 = tpu.vector_load %arg7[%parallel_loop3A_231, %parallel_loop3A_232] {strides = array<i32>} : memref<96x512xf32, #tpu.memory_space<vmem>>, vector<16xf32>,
      tpu.vector_store %arg7[%parallel_loop3A_231, %parallel_loop3A_232], %parallel_loop3A_229 {strides = array<i32>} : memref<96x512xf32, #tpu.memory_space<vmem>>, vector<16xf32>,
      %parallel_loop3A_234 = arith.constant 1 : i32
      %parallel_loop3A_235 = vector.broadcast %parallel_loop3A_234 : i32 to vector<16xi32>
      %parallel_loop3A_236 = arith.addi %parallel_loop3A_228, %parallel_loop3A_235 : vector<16xi32>
      %parallel_loop3A_237 = tpu.vector_load_idx %arg5[%parallel_loop3A_236] : memref<1536xf32, #tpu.memory_space<vmem>>[vector<16xi32>], vector<16xf32>,
      %parallel_loop3A_238 = arith.constant 13 : i32
      %parallel_loop3A_239 = arith.index_cast %parallel_loop3A_238 : i32 to index
      %parallel_loop3A_240 = arith.index_cast %parallel_loop3A_126 : i32 to index
      %parallel_loop3A_241 = tpu.vector_load %arg7[%parallel_loop3A_239, %parallel_loop3A_240] {strides = array<i32>} : memref<96x512xf32, #tpu.memory_space<vmem>>, vector<16xf32>,
      tpu.vector_store %arg7[%parallel_loop3A_239, %parallel_loop3A_240], %parallel_loop3A_237 {strides = array<i32>} : memref<96x512xf32, #tpu.memory_space<vmem>>, vector<16xf32>,
      %parallel_loop3A_242 = arith.constant 2 : i32
      %parallel_loop3A_243 = vector.broadcast %parallel_loop3A_242 : i32 to vector<16xi32>
      %parallel_loop3A_244 = arith.addi %parallel_loop3A_228, %parallel_loop3A_243 : vector<16xi32>
      %parallel_loop3A_245 = tpu.vector_load_idx %arg5[%parallel_loop3A_244] : memref<1536xf32, #tpu.memory_space<vmem>>[vector<16xi32>], vector<16xf32>,
      %parallel_loop3A_246 = arith.constant 14 : i32
      %parallel_loop3A_247 = arith.index_cast %parallel_loop3A_246 : i32 to index
      %parallel_loop3A_248 = arith.index_cast %parallel_loop3A_126 : i32 to index
      %parallel_loop3A_249 = tpu.vector_load %arg7[%parallel_loop3A_247, %parallel_loop3A_248] {strides = array<i32>} : memref<96x512xf32, #tpu.memory_space<vmem>>, vector<16xf32>,
      tpu.vector_store %arg7[%parallel_loop3A_247, %parallel_loop3A_248], %parallel_loop3A_245 {strides = array<i32>} : memref<96x512xf32, #tpu.memory_space<vmem>>, vector<16xf32>,
      %parallel_loop3A_250 = arith.constant 3 : i32
      %parallel_loop3A_251 = vector.broadcast %parallel_loop3A_250 : i32 to vector<16xi32>
      %parallel_loop3A_252 = arith.addi %parallel_loop3A_228, %parallel_loop3A_251 : vector<16xi32>
      %parallel_loop3A_253 = tpu.vector_load_idx %arg5[%parallel_loop3A_252] : memref<1536xf32, #tpu.memory_space<vmem>>[vector<16xi32>], vector<16xf32>,
      %parallel_loop3A_254 = arith.constant 15 : i32
      %parallel_loop3A_255 = arith.index_cast %parallel_loop3A_254 : i32 to index
      %parallel_loop3A_256 = arith.index_cast %parallel_loop3A_126 : i32 to index
      %parallel_loop3A_257 = tpu.vector_load %arg7[%parallel_loop3A_255, %parallel_loop3A_256] {strides = array<i32>} : memref<96x512xf32, #tpu.memory_space<vmem>>, vector<16xf32>,
      tpu.vector_store %arg7[%parallel_loop3A_255, %parallel_loop3A_256], %parallel_loop3A_253 {strides = array<i32>} : memref<96x512xf32, #tpu.memory_space<vmem>>, vector<16xf32>,
      %parallel_loop3A_258 = arith.constant 4 : i32
      %parallel_loop3A_259 = vector.broadcast %parallel_loop3A_258 : i32 to vector<16xi32>
      %parallel_loop3A_260 = arith.addi %parallel_loop3A_228, %parallel_loop3A_259 : vector<16xi32>
      %parallel_loop3A_261 = tpu.vector_load_idx %arg5[%parallel_loop3A_260] : memref<1536xf32, #tpu.memory_space<vmem>>[vector<16xi32>], vector<16xf32>,
      %parallel_loop3A_262 = arith.constant 16 : i32
      %parallel_loop3A_263 = arith.index_cast %parallel_loop3A_262 : i32 to index
      %parallel_loop3A_264 = arith.index_cast %parallel_loop3A_126 : i32 to index
      %parallel_loop3A_265 = tpu.vector_load %arg7[%parallel_loop3A_263, %parallel_loop3A_264] {strides = array<i32>} : memref<96x512xf32, #tpu.memory_space<vmem>>, vector<16xf32>,
      tpu.vector_store %arg7[%parallel_loop3A_263, %parallel_loop3A_264], %parallel_loop3A_261 {strides = array<i32>} : memref<96x512xf32, #tpu.memory_space<vmem>>, vector<16xf32>,
      %parallel_loop3A_266 = arith.constant 5 : i32
      %parallel_loop3A_267 = vector.broadcast %parallel_loop3A_266 : i32 to vector<16xi32>
      %parallel_loop3A_268 = arith.addi %parallel_loop3A_228, %parallel_loop3A_267 : vector<16xi32>
      %parallel_loop3A_269 = tpu.vector_load_idx %arg5[%parallel_loop3A_268] : memref<1536xf32, #tpu.memory_space<vmem>>[vector<16xi32>], vector<16xf32>,
      %parallel_loop3A_270 = arith.constant 17 : i32
      %parallel_loop3A_271 = arith.index_cast %parallel_loop3A_270 : i32 to index
      %parallel_loop3A_272 = arith.index_cast %parallel_loop3A_126 : i32 to index
      %parallel_loop3A_273 = tpu.vector_load %arg7[%parallel_loop3A_271, %parallel_loop3A_272] {strides = array<i32>} : memref<96x512xf32, #tpu.memory_space<vmem>>, vector<16xf32>,
      tpu.vector_store %arg7[%parallel_loop3A_271, %parallel_loop3A_272], %parallel_loop3A_269 {strides = array<i32>} : memref<96x512xf32, #tpu.memory_space<vmem>>, vector<16xf32>,
      %parallel_loop3A_274 = arith.constant 1536 : i32
      %parallel_loop3A_275 = arith.addi %parallel_loop3A_274, %parallel_loop3A_126 : i32
      %parallel_loop3A_276 = arith.index_cast %parallel_loop3A_275 : i32 to index
      %parallel_loop3A_277 = tpu.vector_load %arg6[%parallel_loop3A_276] {strides = array<i32>} : memref<8192xi32, #tpu.memory_space<vmem>>, vector<16xi32>,
      %parallel_loop3A_278 = tpu.vector_load_idx %arg5[%parallel_loop3A_277] : memref<1536xf32, #tpu.memory_space<vmem>>[vector<16xi32>], vector<16xf32>,
      %parallel_loop3A_279 = arith.constant 18 : i32
      %parallel_loop3A_280 = arith.index_cast %parallel_loop3A_279 : i32 to index
      %parallel_loop3A_281 = arith.index_cast %parallel_loop3A_126 : i32 to index
      %parallel_loop3A_282 = tpu.vector_load %arg7[%parallel_loop3A_280, %parallel_loop3A_281] {strides = array<i32>} : memref<96x512xf32, #tpu.memory_space<vmem>>, vector<16xf32>,
      tpu.vector_store %arg7[%parallel_loop3A_280, %parallel_loop3A_281], %parallel_loop3A_278 {strides = array<i32>} : memref<96x512xf32, #tpu.memory_space<vmem>>, vector<16xf32>,
      %parallel_loop3A_283 = arith.constant 1 : i32
      %parallel_loop3A_284 = vector.broadcast %parallel_loop3A_283 : i32 to vector<16xi32>
      %parallel_loop3A_285 = arith.addi %parallel_loop3A_277, %parallel_loop3A_284 : vector<16xi32>
      %parallel_loop3A_286 = tpu.vector_load_idx %arg5[%parallel_loop3A_285] : memref<1536xf32, #tpu.memory_space<vmem>>[vector<16xi32>], vector<16xf32>,
      %parallel_loop3A_287 = arith.constant 19 : i32
      %parallel_loop3A_288 = arith.index_cast %parallel_loop3A_287 : i32 to index
      %parallel_loop3A_289 = arith.index_cast %parallel_loop3A_126 : i32 to index
      %parallel_loop3A_290 = tpu.vector_load %arg7[%parallel_loop3A_288, %parallel_loop3A_289] {strides = array<i32>} : memref<96x512xf32, #tpu.memory_space<vmem>>, vector<16xf32>,
      tpu.vector_store %arg7[%parallel_loop3A_288, %parallel_loop3A_289], %parallel_loop3A_286 {strides = array<i32>} : memref<96x512xf32, #tpu.memory_space<vmem>>, vector<16xf32>,
      %parallel_loop3A_291 = arith.constant 2 : i32
      %parallel_loop3A_292 = vector.broadcast %parallel_loop3A_291 : i32 to vector<16xi32>
      %parallel_loop3A_293 = arith.addi %parallel_loop3A_277, %parallel_loop3A_292 : vector<16xi32>
      %parallel_loop3A_294 = tpu.vector_load_idx %arg5[%parallel_loop3A_293] : memref<1536xf32, #tpu.memory_space<vmem>>[vector<16xi32>], vector<16xf32>,
      %parallel_loop3A_295 = arith.constant 20 : i32
      %parallel_loop3A_296 = arith.index_cast %parallel_loop3A_295 : i32 to index
      %parallel_loop3A_297 = arith.index_cast %parallel_loop3A_126 : i32 to index
      %parallel_loop3A_298 = tpu.vector_load %arg7[%parallel_loop3A_296, %parallel_loop3A_297] {strides = array<i32>} : memref<96x512xf32, #tpu.memory_space<vmem>>, vector<16xf32>,
      tpu.vector_store %arg7[%parallel_loop3A_296, %parallel_loop3A_297], %parallel_loop3A_294 {strides = array<i32>} : memref<96x512xf32, #tpu.memory_space<vmem>>, vector<16xf32>,
      %parallel_loop3A_299 = arith.constant 3 : i32
      %parallel_loop3A_300 = vector.broadcast %parallel_loop3A_299 : i32 to vector<16xi32>
      %parallel_loop3A_301 = arith.addi %parallel_loop3A_277, %parallel_loop3A_300 : vector<16xi32>
      %parallel_loop3A_302 = tpu.vector_load_idx %arg5[%parallel_loop3A_301] : memref<1536xf32, #tpu.memory_space<vmem>>[vector<16xi32>], vector<16xf32>,
      %parallel_loop3A_303 = arith.constant 21 : i32
      %parallel_loop3A_304 = arith.index_cast %parallel_loop3A_303 : i32 to index
      %parallel_loop3A_305 = arith.index_cast %parallel_loop3A_126 : i32 to index
      %parallel_loop3A_306 = tpu.vector_load %arg7[%parallel_loop3A_304, %parallel_loop3A_305] {strides = array<i32>} : memref<96x512xf32, #tpu.memory_space<vmem>>, vector<16xf32>,
      tpu.vector_store %arg7[%parallel_loop3A_304, %parallel_loop3A_305], %parallel_loop3A_302 {strides = array<i32>} : memref<96x512xf32, #tpu.memory_space<vmem>>, vector<16xf32>,
      %parallel_loop3A_307 = arith.constant 4 : i32
      %parallel_loop3A_308 = vector.broadcast %parallel_loop3A_307 : i32 to vector<16xi32>
      %parallel_loop3A_309 = arith.addi %parallel_loop3A_277, %parallel_loop3A_308 : vector<16xi32>
      %parallel_loop3A_310 = tpu.vector_load_idx %arg5[%parallel_loop3A_309] : memref<1536xf32, #tpu.memory_space<vmem>>[vector<16xi32>], vector<16xf32>,
      %parallel_loop3A_311 = arith.constant 22 : i32
      %parallel_loop3A_312 = arith.index_cast %parallel_loop3A_311 : i32 to index
      %parallel_loop3A_313 = arith.index_cast %parallel_loop3A_126 : i32 to index
      %parallel_loop3A_314 = tpu.vector_load %arg7[%parallel_loop3A_312, %parallel_loop3A_313] {strides = array<i32>} : memref<96x512xf32, #tpu.memory_space<vmem>>, vector<16xf32>,
      tpu.vector_store %arg7[%parallel_loop3A_312, %parallel_loop3A_313], %parallel_loop3A_310 {strides = array<i32>} : memref<96x512xf32, #tpu.memory_space<vmem>>, vector<16xf32>,
      %parallel_loop3A_315 = arith.constant 5 : i32
      %parallel_loop3A_316 = vector.broadcast %parallel_loop3A_315 : i32 to vector<16xi32>
      %parallel_loop3A_317 = arith.addi %parallel_loop3A_277, %parallel_loop3A_316 : vector<16xi32>
      %parallel_loop3A_318 = tpu.vector_load_idx %arg5[%parallel_loop3A_317] : memref<1536xf32, #tpu.memory_space<vmem>>[vector<16xi32>], vector<16xf32>,
      %parallel_loop3A_319 = arith.constant 23 : i32
      %parallel_loop3A_320 = arith.index_cast %parallel_loop3A_319 : i32 to index
      %parallel_loop3A_321 = arith.index_cast %parallel_loop3A_126 : i32 to index
      %parallel_loop3A_322 = tpu.vector_load %arg7[%parallel_loop3A_320, %parallel_loop3A_321] {strides = array<i32>} : memref<96x512xf32, #tpu.memory_space<vmem>>, vector<16xf32>,
      tpu.vector_store %arg7[%parallel_loop3A_320, %parallel_loop3A_321], %parallel_loop3A_318 {strides = array<i32>} : memref<96x512xf32, #tpu.memory_space<vmem>>, vector<16xf32>,
    } {sc.loop_unroll_factor = 8 : i64, sc.parallel_access}
    %dma_start3A = arith.constant 0 : i32
    %dma_start3A_7 = arith.constant 0 : i32
    %dma_start3A_8 = tpu.memref_slice %arg7[%dma_start3A, %dma_start3A_7] : memref<96x512xf32, #tpu.memory_space<vmem>> -> memref<24x512xf32, #tpu.memory_space<vmem>>
    %dma_start3A_9 = arith.constant 0 : i32
    %dma_start3A_10 = arith.constant 0 : i32
    %dma_start3A_11 = tpu.memref_slice %arg4[%add3A, %dma_start3A_9, %dma_start3A_10] : memref<32x96x512xf32, #tpu.memory_space<hbm>> -> memref<1x24x512xf32, #tpu.memory_space<hbm>>
    %dma_start3A_12 = tpu.memref_squeeze %dma_start3A_11 : memref<1x24x512xf32, #tpu.memory_space<hbm>> -> memref<24x512xf32, #tpu.memory_space<hbm>>
    %dma_start3A_13 = arith.constant 0 : i32
    %dma_start3A_14 = arith.constant 0 : i32
    %dma_start3A_15 = tpu.memref_slice %arg4[%add3A, %dma_start3A_13, %dma_start3A_14] : memref<32x96x512xf32, #tpu.memory_space<hbm>> -> memref<1x24x512xf32, #tpu.memory_space<hbm>>
    %dma_start3A_16 = tpu.memref_squeeze %dma_start3A_15 : memref<1x24x512xf32, #tpu.memory_space<hbm>> -> memref<24x512xf32, #tpu.memory_space<hbm>>
    %dma_start3A_17 = arith.constant 0 : i32
    %dma_start3A_18 = arith.constant 0 : i32
    %dma_start3A_19 = tpu.memref_slice %arg7[%dma_start3A_17, %dma_start3A_18] : memref<96x512xf32, #tpu.memory_space<vmem>> -> memref<24x512xf32, #tpu.memory_space<vmem>>
    tpu.enqueue_dma source(%dma_start3A_19 : memref<24x512xf32, #tpu.memory_space<vmem>>) target(%dma_start3A_16 : memref<24x512xf32, #tpu.memory_space<hbm>>) target_semaphore(%arg8 : memref<!tpu.dma_semaphore, #tpu.memory_space<semaphore_mem>>)
    %parallel_loop3A_20 = arith.constant 0 : i32
    %parallel_loop3A_21 = arith.constant 512 : i32
    %parallel_loop3A_22 = arith.constant 16 : i32
    scf.for %parallel_loop3A_126 = %parallel_loop3A_20 to %parallel_loop3A_21 step %parallel_loop3A_22  : i32 {
      %parallel_loop3A_127 = arith.constant 2048 : i32
      %parallel_loop3A_128 = arith.addi %parallel_loop3A_127, %parallel_loop3A_126 : i32
      %parallel_loop3A_129 = arith.index_cast %parallel_loop3A_128 : i32 to index
      %parallel_loop3A_130 = tpu.vector_load %arg6[%parallel_loop3A_129] {strides = array<i32>} : memref<8192xi32, #tpu.memory_space<vmem>>, vector<16xi32>,
      %parallel_loop3A_131 = tpu.vector_load_idx %arg5[%parallel_loop3A_130] : memref<1536xf32, #tpu.memory_space<vmem>>[vector<16xi32>], vector<16xf32>,
      %parallel_loop3A_132 = arith.constant 24 : i32
      %parallel_loop3A_133 = arith.index_cast %parallel_loop3A_132 : i32 to index
      %parallel_loop3A_134 = arith.index_cast %parallel_loop3A_126 : i32 to index
      %parallel_loop3A_135 = tpu.vector_load %arg7[%parallel_loop3A_133, %parallel_loop3A_134] {strides = array<i32>} : memref<96x512xf32, #tpu.memory_space<vmem>>, vector<16xf32>,
      tpu.vector_store %arg7[%parallel_loop3A_133, %parallel_loop3A_134], %parallel_loop3A_131 {strides = array<i32>} : memref<96x512xf32, #tpu.memory_space<vmem>>, vector<16xf32>,
      %parallel_loop3A_136 = arith.constant 1 : i32
      %parallel_loop3A_137 = vector.broadcast %parallel_loop3A_136 : i32 to vector<16xi32>
      %parallel_loop3A_138 = arith.addi %parallel_loop3A_130, %parallel_loop3A_137 : vector<16xi32>
      %parallel_loop3A_139 = tpu.vector_load_idx %arg5[%parallel_loop3A_138] : memref<1536xf32, #tpu.memory_space<vmem>>[vector<16xi32>], vector<16xf32>,
      %parallel_loop3A_140 = arith.constant 25 : i32
      %parallel_loop3A_141 = arith.index_cast %parallel_loop3A_140 : i32 to index
      %parallel_loop3A_142 = arith.index_cast %parallel_loop3A_126 : i32 to index
      %parallel_loop3A_143 = tpu.vector_load %arg7[%parallel_loop3A_141, %parallel_loop3A_142] {strides = array<i32>} : memref<96x512xf32, #tpu.memory_space<vmem>>, vector<16xf32>,
      tpu.vector_store %arg7[%parallel_loop3A_141, %parallel_loop3A_142], %parallel_loop3A_139 {strides = array<i32>} : memref<96x512xf32, #tpu.memory_space<vmem>>, vector<16xf32>,
      %parallel_loop3A_144 = arith.constant 2 : i32
      %parallel_loop3A_145 = vector.broadcast %parallel_loop3A_144 : i32 to vector<16xi32>
      %parallel_loop3A_146 = arith.addi %parallel_loop3A_130, %parallel_loop3A_145 : vector<16xi32>
      %parallel_loop3A_147 = tpu.vector_load_idx %arg5[%parallel_loop3A_146] : memref<1536xf32, #tpu.memory_space<vmem>>[vector<16xi32>], vector<16xf32>,
      %parallel_loop3A_148 = arith.constant 26 : i32
      %parallel_loop3A_149 = arith.index_cast %parallel_loop3A_148 : i32 to index
      %parallel_loop3A_150 = arith.index_cast %parallel_loop3A_126 : i32 to index
      %parallel_loop3A_151 = tpu.vector_load %arg7[%parallel_loop3A_149, %parallel_loop3A_150] {strides = array<i32>} : memref<96x512xf32, #tpu.memory_space<vmem>>, vector<16xf32>,
      tpu.vector_store %arg7[%parallel_loop3A_149, %parallel_loop3A_150], %parallel_loop3A_147 {strides = array<i32>} : memref<96x512xf32, #tpu.memory_space<vmem>>, vector<16xf32>,
      %parallel_loop3A_152 = arith.constant 3 : i32
      %parallel_loop3A_153 = vector.broadcast %parallel_loop3A_152 : i32 to vector<16xi32>
      %parallel_loop3A_154 = arith.addi %parallel_loop3A_130, %parallel_loop3A_153 : vector<16xi32>
      %parallel_loop3A_155 = tpu.vector_load_idx %arg5[%parallel_loop3A_154] : memref<1536xf32, #tpu.memory_space<vmem>>[vector<16xi32>], vector<16xf32>,
      %parallel_loop3A_156 = arith.constant 27 : i32
      %parallel_loop3A_157 = arith.index_cast %parallel_loop3A_156 : i32 to index
      %parallel_loop3A_158 = arith.index_cast %parallel_loop3A_126 : i32 to index
      %parallel_loop3A_159 = tpu.vector_load %arg7[%parallel_loop3A_157, %parallel_loop3A_158] {strides = array<i32>} : memref<96x512xf32, #tpu.memory_space<vmem>>, vector<16xf32>,
      tpu.vector_store %arg7[%parallel_loop3A_157, %parallel_loop3A_158], %parallel_loop3A_155 {strides = array<i32>} : memref<96x512xf32, #tpu.memory_space<vmem>>, vector<16xf32>,
      %parallel_loop3A_160 = arith.constant 4 : i32
      %parallel_loop3A_161 = vector.broadcast %parallel_loop3A_160 : i32 to vector<16xi32>
      %parallel_loop3A_162 = arith.addi %parallel_loop3A_130, %parallel_loop3A_161 : vector<16xi32>
      %parallel_loop3A_163 = tpu.vector_load_idx %arg5[%parallel_loop3A_162] : memref<1536xf32, #tpu.memory_space<vmem>>[vector<16xi32>], vector<16xf32>,
      %parallel_loop3A_164 = arith.constant 28 : i32
      %parallel_loop3A_165 = arith.index_cast %parallel_loop3A_164 : i32 to index
      %parallel_loop3A_166 = arith.index_cast %parallel_loop3A_126 : i32 to index
      %parallel_loop3A_167 = tpu.vector_load %arg7[%parallel_loop3A_165, %parallel_loop3A_166] {strides = array<i32>} : memref<96x512xf32, #tpu.memory_space<vmem>>, vector<16xf32>,
      tpu.vector_store %arg7[%parallel_loop3A_165, %parallel_loop3A_166], %parallel_loop3A_163 {strides = array<i32>} : memref<96x512xf32, #tpu.memory_space<vmem>>, vector<16xf32>,
      %parallel_loop3A_168 = arith.constant 5 : i32
      %parallel_loop3A_169 = vector.broadcast %parallel_loop3A_168 : i32 to vector<16xi32>
      %parallel_loop3A_170 = arith.addi %parallel_loop3A_130, %parallel_loop3A_169 : vector<16xi32>
      %parallel_loop3A_171 = tpu.vector_load_idx %arg5[%parallel_loop3A_170] : memref<1536xf32, #tpu.memory_space<vmem>>[vector<16xi32>], vector<16xf32>,
      %parallel_loop3A_172 = arith.constant 29 : i32
      %parallel_loop3A_173 = arith.index_cast %parallel_loop3A_172 : i32 to index
      %parallel_loop3A_174 = arith.index_cast %parallel_loop3A_126 : i32 to index
      %parallel_loop3A_175 = tpu.vector_load %arg7[%parallel_loop3A_173, %parallel_loop3A_174] {strides = array<i32>} : memref<96x512xf32, #tpu.memory_space<vmem>>, vector<16xf32>,
      tpu.vector_store %arg7[%parallel_loop3A_173, %parallel_loop3A_174], %parallel_loop3A_171 {strides = array<i32>} : memref<96x512xf32, #tpu.memory_space<vmem>>, vector<16xf32>,
      %parallel_loop3A_176 = arith.constant 2560 : i32
      %parallel_loop3A_177 = arith.addi %parallel_loop3A_176, %parallel_loop3A_126 : i32
      %parallel_loop3A_178 = arith.index_cast %parallel_loop3A_177 : i32 to index
      %parallel_loop3A_179 = tpu.vector_load %arg6[%parallel_loop3A_178] {strides = array<i32>} : memref<8192xi32, #tpu.memory_space<vmem>>, vector<16xi32>,
      %parallel_loop3A_180 = tpu.vector_load_idx %arg5[%parallel_loop3A_179] : memref<1536xf32, #tpu.memory_space<vmem>>[vector<16xi32>], vector<16xf32>,
      %parallel_loop3A_181 = arith.constant 30 : i32
      %parallel_loop3A_182 = arith.index_cast %parallel_loop3A_181 : i32 to index
      %parallel_loop3A_183 = arith.index_cast %parallel_loop3A_126 : i32 to index
      %parallel_loop3A_184 = tpu.vector_load %arg7[%parallel_loop3A_182, %parallel_loop3A_183] {strides = array<i32>} : memref<96x512xf32, #tpu.memory_space<vmem>>, vector<16xf32>,
      tpu.vector_store %arg7[%parallel_loop3A_182, %parallel_loop3A_183], %parallel_loop3A_180 {strides = array<i32>} : memref<96x512xf32, #tpu.memory_space<vmem>>, vector<16xf32>,
      %parallel_loop3A_185 = arith.constant 1 : i32
      %parallel_loop3A_186 = vector.broadcast %parallel_loop3A_185 : i32 to vector<16xi32>
      %parallel_loop3A_187 = arith.addi %parallel_loop3A_179, %parallel_loop3A_186 : vector<16xi32>
      %parallel_loop3A_188 = tpu.vector_load_idx %arg5[%parallel_loop3A_187] : memref<1536xf32, #tpu.memory_space<vmem>>[vector<16xi32>], vector<16xf32>,
      %parallel_loop3A_189 = arith.constant 31 : i32
      %parallel_loop3A_190 = arith.index_cast %parallel_loop3A_189 : i32 to index
      %parallel_loop3A_191 = arith.index_cast %parallel_loop3A_126 : i32 to index
      %parallel_loop3A_192 = tpu.vector_load %arg7[%parallel_loop3A_190, %parallel_loop3A_191] {strides = array<i32>} : memref<96x512xf32, #tpu.memory_space<vmem>>, vector<16xf32>,
      tpu.vector_store %arg7[%parallel_loop3A_190, %parallel_loop3A_191], %parallel_loop3A_188 {strides = array<i32>} : memref<96x512xf32, #tpu.memory_space<vmem>>, vector<16xf32>,
      %parallel_loop3A_193 = arith.constant 2 : i32
      %parallel_loop3A_194 = vector.broadcast %parallel_loop3A_193 : i32 to vector<16xi32>
      %parallel_loop3A_195 = arith.addi %parallel_loop3A_179, %parallel_loop3A_194 : vector<16xi32>
      %parallel_loop3A_196 = tpu.vector_load_idx %arg5[%parallel_loop3A_195] : memref<1536xf32, #tpu.memory_space<vmem>>[vector<16xi32>], vector<16xf32>,
      %parallel_loop3A_197 = arith.constant 32 : i32
      %parallel_loop3A_198 = arith.index_cast %parallel_loop3A_197 : i32 to index
      %parallel_loop3A_199 = arith.index_cast %parallel_loop3A_126 : i32 to index
      %parallel_loop3A_200 = tpu.vector_load %arg7[%parallel_loop3A_198, %parallel_loop3A_199] {strides = array<i32>} : memref<96x512xf32, #tpu.memory_space<vmem>>, vector<16xf32>,
      tpu.vector_store %arg7[%parallel_loop3A_198, %parallel_loop3A_199], %parallel_loop3A_196 {strides = array<i32>} : memref<96x512xf32, #tpu.memory_space<vmem>>, vector<16xf32>,
      %parallel_loop3A_201 = arith.constant 3 : i32
      %parallel_loop3A_202 = vector.broadcast %parallel_loop3A_201 : i32 to vector<16xi32>
      %parallel_loop3A_203 = arith.addi %parallel_loop3A_179, %parallel_loop3A_202 : vector<16xi32>
      %parallel_loop3A_204 = tpu.vector_load_idx %arg5[%parallel_loop3A_203] : memref<1536xf32, #tpu.memory_space<vmem>>[vector<16xi32>], vector<16xf32>,
      %parallel_loop3A_205 = arith.constant 33 : i32
      %parallel_loop3A_206 = arith.index_cast %parallel_loop3A_205 : i32 to index
      %parallel_loop3A_207 = arith.index_cast %parallel_loop3A_126 : i32 to index
      %parallel_loop3A_208 = tpu.vector_load %arg7[%parallel_loop3A_206, %parallel_loop3A_207] {strides = array<i32>} : memref<96x512xf32, #tpu.memory_space<vmem>>, vector<16xf32>,
      tpu.vector_store %arg7[%parallel_loop3A_206, %parallel_loop3A_207], %parallel_loop3A_204 {strides = array<i32>} : memref<96x512xf32, #tpu.memory_space<vmem>>, vector<16xf32>,
      %parallel_loop3A_209 = arith.constant 4 : i32
      %parallel_loop3A_210 = vector.broadcast %parallel_loop3A_209 : i32 to vector<16xi32>
      %parallel_loop3A_211 = arith.addi %parallel_loop3A_179, %parallel_loop3A_210 : vector<16xi32>
      %parallel_loop3A_212 = tpu.vector_load_idx %arg5[%parallel_loop3A_211] : memref<1536xf32, #tpu.memory_space<vmem>>[vector<16xi32>], vector<16xf32>,
      %parallel_loop3A_213 = arith.constant 34 : i32
      %parallel_loop3A_214 = arith.index_cast %parallel_loop3A_213 : i32 to index
      %parallel_loop3A_215 = arith.index_cast %parallel_loop3A_126 : i32 to index
      %parallel_loop3A_216 = tpu.vector_load %arg7[%parallel_loop3A_214, %parallel_loop3A_215] {strides = array<i32>} : memref<96x512xf32, #tpu.memory_space<vmem>>, vector<16xf32>,
      tpu.vector_store %arg7[%parallel_loop3A_214, %parallel_loop3A_215], %parallel_loop3A_212 {strides = array<i32>} : memref<96x512xf32, #tpu.memory_space<vmem>>, vector<16xf32>,
      %parallel_loop3A_217 = arith.constant 5 : i32
      %parallel_loop3A_218 = vector.broadcast %parallel_loop3A_217 : i32 to vector<16xi32>
      %parallel_loop3A_219 = arith.addi %parallel_loop3A_179, %parallel_loop3A_218 : vector<16xi32>
      %parallel_loop3A_220 = tpu.vector_load_idx %arg5[%parallel_loop3A_219] : memref<1536xf32, #tpu.memory_space<vmem>>[vector<16xi32>], vector<16xf32>,
      %parallel_loop3A_221 = arith.constant 35 : i32
      %parallel_loop3A_222 = arith.index_cast %parallel_loop3A_221 : i32 to index
      %parallel_loop3A_223 = arith.index_cast %parallel_loop3A_126 : i32 to index
      %parallel_loop3A_224 = tpu.vector_load %arg7[%parallel_loop3A_222, %parallel_loop3A_223] {strides = array<i32>} : memref<96x512xf32, #tpu.memory_space<vmem>>, vector<16xf32>,
      tpu.vector_store %arg7[%parallel_loop3A_222, %parallel_loop3A_223], %parallel_loop3A_220 {strides = array<i32>} : memref<96x512xf32, #tpu.memory_space<vmem>>, vector<16xf32>,
      %parallel_loop3A_225 = arith.constant 3072 : i32
      %parallel_loop3A_226 = arith.addi %parallel_loop3A_225, %parallel_loop3A_126 : i32
      %parallel_loop3A_227 = arith.index_cast %parallel_loop3A_226 : i32 to index
      %parallel_loop3A_228 = tpu.vector_load %arg6[%parallel_loop3A_227] {strides = array<i32>} : memref<8192xi32, #tpu.memory_space<vmem>>, vector<16xi32>,
      %parallel_loop3A_229 = tpu.vector_load_idx %arg5[%parallel_loop3A_228] : memref<1536xf32, #tpu.memory_space<vmem>>[vector<16xi32>], vector<16xf32>,
      %parallel_loop3A_230 = arith.constant 36 : i32
      %parallel_loop3A_231 = arith.index_cast %parallel_loop3A_230 : i32 to index
      %parallel_loop3A_232 = arith.index_cast %parallel_loop3A_126 : i32 to index
      %parallel_loop3A_233 = tpu.vector_load %arg7[%parallel_loop3A_231, %parallel_loop3A_232] {strides = array<i32>} : memref<96x512xf32, #tpu.memory_space<vmem>>, vector<16xf32>,
      tpu.vector_store %arg7[%parallel_loop3A_231, %parallel_loop3A_232], %parallel_loop3A_229 {strides = array<i32>} : memref<96x512xf32, #tpu.memory_space<vmem>>, vector<16xf32>,
      %parallel_loop3A_234 = arith.constant 1 : i32
      %parallel_loop3A_235 = vector.broadcast %parallel_loop3A_234 : i32 to vector<16xi32>
      %parallel_loop3A_236 = arith.addi %parallel_loop3A_228, %parallel_loop3A_235 : vector<16xi32>
      %parallel_loop3A_237 = tpu.vector_load_idx %arg5[%parallel_loop3A_236] : memref<1536xf32, #tpu.memory_space<vmem>>[vector<16xi32>], vector<16xf32>,
      %parallel_loop3A_238 = arith.constant 37 : i32
      %parallel_loop3A_239 = arith.index_cast %parallel_loop3A_238 : i32 to index
      %parallel_loop3A_240 = arith.index_cast %parallel_loop3A_126 : i32 to index
      %parallel_loop3A_241 = tpu.vector_load %arg7[%parallel_loop3A_239, %parallel_loop3A_240] {strides = array<i32>} : memref<96x512xf32, #tpu.memory_space<vmem>>, vector<16xf32>,
      tpu.vector_store %arg7[%parallel_loop3A_239, %parallel_loop3A_240], %parallel_loop3A_237 {strides = array<i32>} : memref<96x512xf32, #tpu.memory_space<vmem>>, vector<16xf32>,
      %parallel_loop3A_242 = arith.constant 2 : i32
      %parallel_loop3A_243 = vector.broadcast %parallel_loop3A_242 : i32 to vector<16xi32>
      %parallel_loop3A_244 = arith.addi %parallel_loop3A_228, %parallel_loop3A_243 : vector<16xi32>
      %parallel_loop3A_245 = tpu.vector_load_idx %arg5[%parallel_loop3A_244] : memref<1536xf32, #tpu.memory_space<vmem>>[vector<16xi32>], vector<16xf32>,
      %parallel_loop3A_246 = arith.constant 38 : i32
      %parallel_loop3A_247 = arith.index_cast %parallel_loop3A_246 : i32 to index
      %parallel_loop3A_248 = arith.index_cast %parallel_loop3A_126 : i32 to index
      %parallel_loop3A_249 = tpu.vector_load %arg7[%parallel_loop3A_247, %parallel_loop3A_248] {strides = array<i32>} : memref<96x512xf32, #tpu.memory_space<vmem>>, vector<16xf32>,
      tpu.vector_store %arg7[%parallel_loop3A_247, %parallel_loop3A_248], %parallel_loop3A_245 {strides = array<i32>} : memref<96x512xf32, #tpu.memory_space<vmem>>, vector<16xf32>,
      %parallel_loop3A_250 = arith.constant 3 : i32
      %parallel_loop3A_251 = vector.broadcast %parallel_loop3A_250 : i32 to vector<16xi32>
      %parallel_loop3A_252 = arith.addi %parallel_loop3A_228, %parallel_loop3A_251 : vector<16xi32>
      %parallel_loop3A_253 = tpu.vector_load_idx %arg5[%parallel_loop3A_252] : memref<1536xf32, #tpu.memory_space<vmem>>[vector<16xi32>], vector<16xf32>,
      %parallel_loop3A_254 = arith.constant 39 : i32
      %parallel_loop3A_255 = arith.index_cast %parallel_loop3A_254 : i32 to index
      %parallel_loop3A_256 = arith.index_cast %parallel_loop3A_126 : i32 to index
      %parallel_loop3A_257 = tpu.vector_load %arg7[%parallel_loop3A_255, %parallel_loop3A_256] {strides = array<i32>} : memref<96x512xf32, #tpu.memory_space<vmem>>, vector<16xf32>,
      tpu.vector_store %arg7[%parallel_loop3A_255, %parallel_loop3A_256], %parallel_loop3A_253 {strides = array<i32>} : memref<96x512xf32, #tpu.memory_space<vmem>>, vector<16xf32>,
      %parallel_loop3A_258 = arith.constant 4 : i32
      %parallel_loop3A_259 = vector.broadcast %parallel_loop3A_258 : i32 to vector<16xi32>
      %parallel_loop3A_260 = arith.addi %parallel_loop3A_228, %parallel_loop3A_259 : vector<16xi32>
      %parallel_loop3A_261 = tpu.vector_load_idx %arg5[%parallel_loop3A_260] : memref<1536xf32, #tpu.memory_space<vmem>>[vector<16xi32>], vector<16xf32>,
      %parallel_loop3A_262 = arith.constant 40 : i32
      %parallel_loop3A_263 = arith.index_cast %parallel_loop3A_262 : i32 to index
      %parallel_loop3A_264 = arith.index_cast %parallel_loop3A_126 : i32 to index
      %parallel_loop3A_265 = tpu.vector_load %arg7[%parallel_loop3A_263, %parallel_loop3A_264] {strides = array<i32>} : memref<96x512xf32, #tpu.memory_space<vmem>>, vector<16xf32>,
      tpu.vector_store %arg7[%parallel_loop3A_263, %parallel_loop3A_264], %parallel_loop3A_261 {strides = array<i32>} : memref<96x512xf32, #tpu.memory_space<vmem>>, vector<16xf32>,
      %parallel_loop3A_266 = arith.constant 5 : i32
      %parallel_loop3A_267 = vector.broadcast %parallel_loop3A_266 : i32 to vector<16xi32>
      %parallel_loop3A_268 = arith.addi %parallel_loop3A_228, %parallel_loop3A_267 : vector<16xi32>
      %parallel_loop3A_269 = tpu.vector_load_idx %arg5[%parallel_loop3A_268] : memref<1536xf32, #tpu.memory_space<vmem>>[vector<16xi32>], vector<16xf32>,
      %parallel_loop3A_270 = arith.constant 41 : i32
      %parallel_loop3A_271 = arith.index_cast %parallel_loop3A_270 : i32 to index
      %parallel_loop3A_272 = arith.index_cast %parallel_loop3A_126 : i32 to index
      %parallel_loop3A_273 = tpu.vector_load %arg7[%parallel_loop3A_271, %parallel_loop3A_272] {strides = array<i32>} : memref<96x512xf32, #tpu.memory_space<vmem>>, vector<16xf32>,
      tpu.vector_store %arg7[%parallel_loop3A_271, %parallel_loop3A_272], %parallel_loop3A_269 {strides = array<i32>} : memref<96x512xf32, #tpu.memory_space<vmem>>, vector<16xf32>,
      %parallel_loop3A_274 = arith.constant 3584 : i32
      %parallel_loop3A_275 = arith.addi %parallel_loop3A_274, %parallel_loop3A_126 : i32
      %parallel_loop3A_276 = arith.index_cast %parallel_loop3A_275 : i32 to index
      %parallel_loop3A_277 = tpu.vector_load %arg6[%parallel_loop3A_276] {strides = array<i32>} : memref<8192xi32, #tpu.memory_space<vmem>>, vector<16xi32>,
      %parallel_loop3A_278 = tpu.vector_load_idx %arg5[%parallel_loop3A_277] : memref<1536xf32, #tpu.memory_space<vmem>>[vector<16xi32>], vector<16xf32>,
      %parallel_loop3A_279 = arith.constant 42 : i32
      %parallel_loop3A_280 = arith.index_cast %parallel_loop3A_279 : i32 to index
      %parallel_loop3A_281 = arith.index_cast %parallel_loop3A_126 : i32 to index
      %parallel_loop3A_282 = tpu.vector_load %arg7[%parallel_loop3A_280, %parallel_loop3A_281] {strides = array<i32>} : memref<96x512xf32, #tpu.memory_space<vmem>>, vector<16xf32>,
      tpu.vector_store %arg7[%parallel_loop3A_280, %parallel_loop3A_281], %parallel_loop3A_278 {strides = array<i32>} : memref<96x512xf32, #tpu.memory_space<vmem>>, vector<16xf32>,
      %parallel_loop3A_283 = arith.constant 1 : i32
      %parallel_loop3A_284 = vector.broadcast %parallel_loop3A_283 : i32 to vector<16xi32>
      %parallel_loop3A_285 = arith.addi %parallel_loop3A_277, %parallel_loop3A_284 : vector<16xi32>
      %parallel_loop3A_286 = tpu.vector_load_idx %arg5[%parallel_loop3A_285] : memref<1536xf32, #tpu.memory_space<vmem>>[vector<16xi32>], vector<16xf32>,
      %parallel_loop3A_287 = arith.constant 43 : i32
      %parallel_loop3A_288 = arith.index_cast %parallel_loop3A_287 : i32 to index
      %parallel_loop3A_289 = arith.index_cast %parallel_loop3A_126 : i32 to index
      %parallel_loop3A_290 = tpu.vector_load %arg7[%parallel_loop3A_288, %parallel_loop3A_289] {strides = array<i32>} : memref<96x512xf32, #tpu.memory_space<vmem>>, vector<16xf32>,
      tpu.vector_store %arg7[%parallel_loop3A_288, %parallel_loop3A_289], %parallel_loop3A_286 {strides = array<i32>} : memref<96x512xf32, #tpu.memory_space<vmem>>, vector<16xf32>,
      %parallel_loop3A_291 = arith.constant 2 : i32
      %parallel_loop3A_292 = vector.broadcast %parallel_loop3A_291 : i32 to vector<16xi32>
      %parallel_loop3A_293 = arith.addi %parallel_loop3A_277, %parallel_loop3A_292 : vector<16xi32>
      %parallel_loop3A_294 = tpu.vector_load_idx %arg5[%parallel_loop3A_293] : memref<1536xf32, #tpu.memory_space<vmem>>[vector<16xi32>], vector<16xf32>,
      %parallel_loop3A_295 = arith.constant 44 : i32
      %parallel_loop3A_296 = arith.index_cast %parallel_loop3A_295 : i32 to index
      %parallel_loop3A_297 = arith.index_cast %parallel_loop3A_126 : i32 to index
      %parallel_loop3A_298 = tpu.vector_load %arg7[%parallel_loop3A_296, %parallel_loop3A_297] {strides = array<i32>} : memref<96x512xf32, #tpu.memory_space<vmem>>, vector<16xf32>,
      tpu.vector_store %arg7[%parallel_loop3A_296, %parallel_loop3A_297], %parallel_loop3A_294 {strides = array<i32>} : memref<96x512xf32, #tpu.memory_space<vmem>>, vector<16xf32>,
      %parallel_loop3A_299 = arith.constant 3 : i32
      %parallel_loop3A_300 = vector.broadcast %parallel_loop3A_299 : i32 to vector<16xi32>
      %parallel_loop3A_301 = arith.addi %parallel_loop3A_277, %parallel_loop3A_300 : vector<16xi32>
      %parallel_loop3A_302 = tpu.vector_load_idx %arg5[%parallel_loop3A_301] : memref<1536xf32, #tpu.memory_space<vmem>>[vector<16xi32>], vector<16xf32>,
      %parallel_loop3A_303 = arith.constant 45 : i32
      %parallel_loop3A_304 = arith.index_cast %parallel_loop3A_303 : i32 to index
      %parallel_loop3A_305 = arith.index_cast %parallel_loop3A_126 : i32 to index
      %parallel_loop3A_306 = tpu.vector_load %arg7[%parallel_loop3A_304, %parallel_loop3A_305] {strides = array<i32>} : memref<96x512xf32, #tpu.memory_space<vmem>>, vector<16xf32>,
      tpu.vector_store %arg7[%parallel_loop3A_304, %parallel_loop3A_305], %parallel_loop3A_302 {strides = array<i32>} : memref<96x512xf32, #tpu.memory_space<vmem>>, vector<16xf32>,
      %parallel_loop3A_307 = arith.constant 4 : i32
      %parallel_loop3A_308 = vector.broadcast %parallel_loop3A_307 : i32 to vector<16xi32>
      %parallel_loop3A_309 = arith.addi %parallel_loop3A_277, %parallel_loop3A_308 : vector<16xi32>
      %parallel_loop3A_310 = tpu.vector_load_idx %arg5[%parallel_loop3A_309] : memref<1536xf32, #tpu.memory_space<vmem>>[vector<16xi32>], vector<16xf32>,
      %parallel_loop3A_311 = arith.constant 46 : i32
      %parallel_loop3A_312 = arith.index_cast %parallel_loop3A_311 : i32 to index
      %parallel_loop3A_313 = arith.index_cast %parallel_loop3A_126 : i32 to index
      %parallel_loop3A_314 = tpu.vector_load %arg7[%parallel_loop3A_312, %parallel_loop3A_313] {strides = array<i32>} : memref<96x512xf32, #tpu.memory_space<vmem>>, vector<16xf32>,
      tpu.vector_store %arg7[%parallel_loop3A_312, %parallel_loop3A_313], %parallel_loop3A_310 {strides = array<i32>} : memref<96x512xf32, #tpu.memory_space<vmem>>, vector<16xf32>,
      %parallel_loop3A_315 = arith.constant 5 : i32
      %parallel_loop3A_316 = vector.broadcast %parallel_loop3A_315 : i32 to vector<16xi32>
      %parallel_loop3A_317 = arith.addi %parallel_loop3A_277, %parallel_loop3A_316 : vector<16xi32>
      %parallel_loop3A_318 = tpu.vector_load_idx %arg5[%parallel_loop3A_317] : memref<1536xf32, #tpu.memory_space<vmem>>[vector<16xi32>], vector<16xf32>,
      %parallel_loop3A_319 = arith.constant 47 : i32
      %parallel_loop3A_320 = arith.index_cast %parallel_loop3A_319 : i32 to index
      %parallel_loop3A_321 = arith.index_cast %parallel_loop3A_126 : i32 to index
      %parallel_loop3A_322 = tpu.vector_load %arg7[%parallel_loop3A_320, %parallel_loop3A_321] {strides = array<i32>} : memref<96x512xf32, #tpu.memory_space<vmem>>, vector<16xf32>,
      tpu.vector_store %arg7[%parallel_loop3A_320, %parallel_loop3A_321], %parallel_loop3A_318 {strides = array<i32>} : memref<96x512xf32, #tpu.memory_space<vmem>>, vector<16xf32>,
    } {sc.loop_unroll_factor = 8 : i64, sc.parallel_access}
    %dma_start3A_23 = arith.constant 24 : i32
    %dma_start3A_24 = arith.constant 0 : i32
    %dma_start3A_25 = tpu.memref_slice %arg7[%dma_start3A_23, %dma_start3A_24] : memref<96x512xf32, #tpu.memory_space<vmem>> -> memref<24x512xf32, #tpu.memory_space<vmem>>
    %dma_start3A_26 = arith.constant 24 : i32
    %dma_start3A_27 = arith.constant 0 : i32
    %dma_start3A_28 = tpu.memref_slice %arg4[%add3A, %dma_start3A_26, %dma_start3A_27] : memref<32x96x512xf32, #tpu.memory_space<hbm>> -> memref<1x24x512xf32, #tpu.memory_space<hbm>>
    %dma_start3A_29 = tpu.memref_squeeze %dma_start3A_28 : memref<1x24x512xf32, #tpu.memory_space<hbm>> -> memref<24x512xf32, #tpu.memory_space<hbm>>
    %dma_start3A_30 = arith.constant 24 : i32
    %dma_start3A_31 = arith.constant 0 : i32
    %dma_start3A_32 = tpu.memref_slice %arg4[%add3A, %dma_start3A_30, %dma_start3A_31] : memref<32x96x512xf32, #tpu.memory_space<hbm>> -> memref<1x24x512xf32, #tpu.memory_space<hbm>>
    %dma_start3A_33 = tpu.memref_squeeze %dma_start3A_32 : memref<1x24x512xf32, #tpu.memory_space<hbm>> -> memref<24x512xf32, #tpu.memory_space<hbm>>
    %dma_start3A_34 = arith.constant 24 : i32
    %dma_start3A_35 = arith.constant 0 : i32
    %dma_start3A_36 = tpu.memref_slice %arg7[%dma_start3A_34, %dma_start3A_35] : memref<96x512xf32, #tpu.memory_space<vmem>> -> memref<24x512xf32, #tpu.memory_space<vmem>>
    tpu.enqueue_dma source(%dma_start3A_36 : memref<24x512xf32, #tpu.memory_space<vmem>>) target(%dma_start3A_33 : memref<24x512xf32, #tpu.memory_space<hbm>>) target_semaphore(%arg8 : memref<!tpu.dma_semaphore, #tpu.memory_space<semaphore_mem>>)
    %parallel_loop3A_37 = arith.constant 0 : i32
    %parallel_loop3A_38 = arith.constant 512 : i32
    %parallel_loop3A_39 = arith.constant 16 : i32
    scf.for %parallel_loop3A_126 = %parallel_loop3A_37 to %parallel_loop3A_38 step %parallel_loop3A_39  : i32 {
      %parallel_loop3A_127 = arith.constant 4096 : i32
      %parallel_loop3A_128 = arith.addi %parallel_loop3A_127, %parallel_loop3A_126 : i32
      %parallel_loop3A_129 = arith.index_cast %parallel_loop3A_128 : i32 to index
      %parallel_loop3A_130 = tpu.vector_load %arg6[%parallel_loop3A_129] {strides = array<i32>} : memref<8192xi32, #tpu.memory_space<vmem>>, vector<16xi32>,
      %parallel_loop3A_131 = tpu.vector_load_idx %arg5[%parallel_loop3A_130] : memref<1536xf32, #tpu.memory_space<vmem>>[vector<16xi32>], vector<16xf32>,
      %parallel_loop3A_132 = arith.constant 48 : i32
      %parallel_loop3A_133 = arith.index_cast %parallel_loop3A_132 : i32 to index
      %parallel_loop3A_134 = arith.index_cast %parallel_loop3A_126 : i32 to index
      %parallel_loop3A_135 = tpu.vector_load %arg7[%parallel_loop3A_133, %parallel_loop3A_134] {strides = array<i32>} : memref<96x512xf32, #tpu.memory_space<vmem>>, vector<16xf32>,
      tpu.vector_store %arg7[%parallel_loop3A_133, %parallel_loop3A_134], %parallel_loop3A_131 {strides = array<i32>} : memref<96x512xf32, #tpu.memory_space<vmem>>, vector<16xf32>,
      %parallel_loop3A_136 = arith.constant 1 : i32
      %parallel_loop3A_137 = vector.broadcast %parallel_loop3A_136 : i32 to vector<16xi32>
      %parallel_loop3A_138 = arith.addi %parallel_loop3A_130, %parallel_loop3A_137 : vector<16xi32>
      %parallel_loop3A_139 = tpu.vector_load_idx %arg5[%parallel_loop3A_138] : memref<1536xf32, #tpu.memory_space<vmem>>[vector<16xi32>], vector<16xf32>,
      %parallel_loop3A_140 = arith.constant 49 : i32
      %parallel_loop3A_141 = arith.index_cast %parallel_loop3A_140 : i32 to index
      %parallel_loop3A_142 = arith.index_cast %parallel_loop3A_126 : i32 to index
      %parallel_loop3A_143 = tpu.vector_load %arg7[%parallel_loop3A_141, %parallel_loop3A_142] {strides = array<i32>} : memref<96x512xf32, #tpu.memory_space<vmem>>, vector<16xf32>,
      tpu.vector_store %arg7[%parallel_loop3A_141, %parallel_loop3A_142], %parallel_loop3A_139 {strides = array<i32>} : memref<96x512xf32, #tpu.memory_space<vmem>>, vector<16xf32>,
      %parallel_loop3A_144 = arith.constant 2 : i32
      %parallel_loop3A_145 = vector.broadcast %parallel_loop3A_144 : i32 to vector<16xi32>
      %parallel_loop3A_146 = arith.addi %parallel_loop3A_130, %parallel_loop3A_145 : vector<16xi32>
      %parallel_loop3A_147 = tpu.vector_load_idx %arg5[%parallel_loop3A_146] : memref<1536xf32, #tpu.memory_space<vmem>>[vector<16xi32>], vector<16xf32>,
      %parallel_loop3A_148 = arith.constant 50 : i32
      %parallel_loop3A_149 = arith.index_cast %parallel_loop3A_148 : i32 to index
      %parallel_loop3A_150 = arith.index_cast %parallel_loop3A_126 : i32 to index
      %parallel_loop3A_151 = tpu.vector_load %arg7[%parallel_loop3A_149, %parallel_loop3A_150] {strides = array<i32>} : memref<96x512xf32, #tpu.memory_space<vmem>>, vector<16xf32>,
      tpu.vector_store %arg7[%parallel_loop3A_149, %parallel_loop3A_150], %parallel_loop3A_147 {strides = array<i32>} : memref<96x512xf32, #tpu.memory_space<vmem>>, vector<16xf32>,
      %parallel_loop3A_152 = arith.constant 3 : i32
      %parallel_loop3A_153 = vector.broadcast %parallel_loop3A_152 : i32 to vector<16xi32>
      %parallel_loop3A_154 = arith.addi %parallel_loop3A_130, %parallel_loop3A_153 : vector<16xi32>
      %parallel_loop3A_155 = tpu.vector_load_idx %arg5[%parallel_loop3A_154] : memref<1536xf32, #tpu.memory_space<vmem>>[vector<16xi32>], vector<16xf32>,
      %parallel_loop3A_156 = arith.constant 51 : i32
      %parallel_loop3A_157 = arith.index_cast %parallel_loop3A_156 : i32 to index
      %parallel_loop3A_158 = arith.index_cast %parallel_loop3A_126 : i32 to index
      %parallel_loop3A_159 = tpu.vector_load %arg7[%parallel_loop3A_157, %parallel_loop3A_158] {strides = array<i32>} : memref<96x512xf32, #tpu.memory_space<vmem>>, vector<16xf32>,
      tpu.vector_store %arg7[%parallel_loop3A_157, %parallel_loop3A_158], %parallel_loop3A_155 {strides = array<i32>} : memref<96x512xf32, #tpu.memory_space<vmem>>, vector<16xf32>,
      %parallel_loop3A_160 = arith.constant 4 : i32
      %parallel_loop3A_161 = vector.broadcast %parallel_loop3A_160 : i32 to vector<16xi32>
      %parallel_loop3A_162 = arith.addi %parallel_loop3A_130, %parallel_loop3A_161 : vector<16xi32>
      %parallel_loop3A_163 = tpu.vector_load_idx %arg5[%parallel_loop3A_162] : memref<1536xf32, #tpu.memory_space<vmem>>[vector<16xi32>], vector<16xf32>,
      %parallel_loop3A_164 = arith.constant 52 : i32
      %parallel_loop3A_165 = arith.index_cast %parallel_loop3A_164 : i32 to index
      %parallel_loop3A_166 = arith.index_cast %parallel_loop3A_126 : i32 to index
      %parallel_loop3A_167 = tpu.vector_load %arg7[%parallel_loop3A_165, %parallel_loop3A_166] {strides = array<i32>} : memref<96x512xf32, #tpu.memory_space<vmem>>, vector<16xf32>,
      tpu.vector_store %arg7[%parallel_loop3A_165, %parallel_loop3A_166], %parallel_loop3A_163 {strides = array<i32>} : memref<96x512xf32, #tpu.memory_space<vmem>>, vector<16xf32>,
      %parallel_loop3A_168 = arith.constant 5 : i32
      %parallel_loop3A_169 = vector.broadcast %parallel_loop3A_168 : i32 to vector<16xi32>
      %parallel_loop3A_170 = arith.addi %parallel_loop3A_130, %parallel_loop3A_169 : vector<16xi32>
      %parallel_loop3A_171 = tpu.vector_load_idx %arg5[%parallel_loop3A_170] : memref<1536xf32, #tpu.memory_space<vmem>>[vector<16xi32>], vector<16xf32>,
      %parallel_loop3A_172 = arith.constant 53 : i32
      %parallel_loop3A_173 = arith.index_cast %parallel_loop3A_172 : i32 to index
      %parallel_loop3A_174 = arith.index_cast %parallel_loop3A_126 : i32 to index
      %parallel_loop3A_175 = tpu.vector_load %arg7[%parallel_loop3A_173, %parallel_loop3A_174] {strides = array<i32>} : memref<96x512xf32, #tpu.memory_space<vmem>>, vector<16xf32>,
      tpu.vector_store %arg7[%parallel_loop3A_173, %parallel_loop3A_174], %parallel_loop3A_171 {strides = array<i32>} : memref<96x512xf32, #tpu.memory_space<vmem>>, vector<16xf32>,
      %parallel_loop3A_176 = arith.constant 4608 : i32
      %parallel_loop3A_177 = arith.addi %parallel_loop3A_176, %parallel_loop3A_126 : i32
      %parallel_loop3A_178 = arith.index_cast %parallel_loop3A_177 : i32 to index
      %parallel_loop3A_179 = tpu.vector_load %arg6[%parallel_loop3A_178] {strides = array<i32>} : memref<8192xi32, #tpu.memory_space<vmem>>, vector<16xi32>,
      %parallel_loop3A_180 = tpu.vector_load_idx %arg5[%parallel_loop3A_179] : memref<1536xf32, #tpu.memory_space<vmem>>[vector<16xi32>], vector<16xf32>,
      %parallel_loop3A_181 = arith.constant 54 : i32
      %parallel_loop3A_182 = arith.index_cast %parallel_loop3A_181 : i32 to index
      %parallel_loop3A_183 = arith.index_cast %parallel_loop3A_126 : i32 to index
      %parallel_loop3A_184 = tpu.vector_load %arg7[%parallel_loop3A_182, %parallel_loop3A_183] {strides = array<i32>} : memref<96x512xf32, #tpu.memory_space<vmem>>, vector<16xf32>,
      tpu.vector_store %arg7[%parallel_loop3A_182, %parallel_loop3A_183], %parallel_loop3A_180 {strides = array<i32>} : memref<96x512xf32, #tpu.memory_space<vmem>>, vector<16xf32>,
      %parallel_loop3A_185 = arith.constant 1 : i32
      %parallel_loop3A_186 = vector.broadcast %parallel_loop3A_185 : i32 to vector<16xi32>
      %parallel_loop3A_187 = arith.addi %parallel_loop3A_179, %parallel_loop3A_186 : vector<16xi32>
      %parallel_loop3A_188 = tpu.vector_load_idx %arg5[%parallel_loop3A_187] : memref<1536xf32, #tpu.memory_space<vmem>>[vector<16xi32>], vector<16xf32>,
      %parallel_loop3A_189 = arith.constant 55 : i32
      %parallel_loop3A_190 = arith.index_cast %parallel_loop3A_189 : i32 to index
      %parallel_loop3A_191 = arith.index_cast %parallel_loop3A_126 : i32 to index
      %parallel_loop3A_192 = tpu.vector_load %arg7[%parallel_loop3A_190, %parallel_loop3A_191] {strides = array<i32>} : memref<96x512xf32, #tpu.memory_space<vmem>>, vector<16xf32>,
      tpu.vector_store %arg7[%parallel_loop3A_190, %parallel_loop3A_191], %parallel_loop3A_188 {strides = array<i32>} : memref<96x512xf32, #tpu.memory_space<vmem>>, vector<16xf32>,
      %parallel_loop3A_193 = arith.constant 2 : i32
      %parallel_loop3A_194 = vector.broadcast %parallel_loop3A_193 : i32 to vector<16xi32>
      %parallel_loop3A_195 = arith.addi %parallel_loop3A_179, %parallel_loop3A_194 : vector<16xi32>
      %parallel_loop3A_196 = tpu.vector_load_idx %arg5[%parallel_loop3A_195] : memref<1536xf32, #tpu.memory_space<vmem>>[vector<16xi32>], vector<16xf32>,
      %parallel_loop3A_197 = arith.constant 56 : i32
      %parallel_loop3A_198 = arith.index_cast %parallel_loop3A_197 : i32 to index
      %parallel_loop3A_199 = arith.index_cast %parallel_loop3A_126 : i32 to index
      %parallel_loop3A_200 = tpu.vector_load %arg7[%parallel_loop3A_198, %parallel_loop3A_199] {strides = array<i32>} : memref<96x512xf32, #tpu.memory_space<vmem>>, vector<16xf32>,
      tpu.vector_store %arg7[%parallel_loop3A_198, %parallel_loop3A_199], %parallel_loop3A_196 {strides = array<i32>} : memref<96x512xf32, #tpu.memory_space<vmem>>, vector<16xf32>,
      %parallel_loop3A_201 = arith.constant 3 : i32
      %parallel_loop3A_202 = vector.broadcast %parallel_loop3A_201 : i32 to vector<16xi32>
      %parallel_loop3A_203 = arith.addi %parallel_loop3A_179, %parallel_loop3A_202 : vector<16xi32>
      %parallel_loop3A_204 = tpu.vector_load_idx %arg5[%parallel_loop3A_203] : memref<1536xf32, #tpu.memory_space<vmem>>[vector<16xi32>], vector<16xf32>,
      %parallel_loop3A_205 = arith.constant 57 : i32
      %parallel_loop3A_206 = arith.index_cast %parallel_loop3A_205 : i32 to index
      %parallel_loop3A_207 = arith.index_cast %parallel_loop3A_126 : i32 to index
      %parallel_loop3A_208 = tpu.vector_load %arg7[%parallel_loop3A_206, %parallel_loop3A_207] {strides = array<i32>} : memref<96x512xf32, #tpu.memory_space<vmem>>, vector<16xf32>,
      tpu.vector_store %arg7[%parallel_loop3A_206, %parallel_loop3A_207], %parallel_loop3A_204 {strides = array<i32>} : memref<96x512xf32, #tpu.memory_space<vmem>>, vector<16xf32>,
      %parallel_loop3A_209 = arith.constant 4 : i32
      %parallel_loop3A_210 = vector.broadcast %parallel_loop3A_209 : i32 to vector<16xi32>
      %parallel_loop3A_211 = arith.addi %parallel_loop3A_179, %parallel_loop3A_210 : vector<16xi32>
      %parallel_loop3A_212 = tpu.vector_load_idx %arg5[%parallel_loop3A_211] : memref<1536xf32, #tpu.memory_space<vmem>>[vector<16xi32>], vector<16xf32>,
      %parallel_loop3A_213 = arith.constant 58 : i32
      %parallel_loop3A_214 = arith.index_cast %parallel_loop3A_213 : i32 to index
      %parallel_loop3A_215 = arith.index_cast %parallel_loop3A_126 : i32 to index
      %parallel_loop3A_216 = tpu.vector_load %arg7[%parallel_loop3A_214, %parallel_loop3A_215] {strides = array<i32>} : memref<96x512xf32, #tpu.memory_space<vmem>>, vector<16xf32>,
      tpu.vector_store %arg7[%parallel_loop3A_214, %parallel_loop3A_215], %parallel_loop3A_212 {strides = array<i32>} : memref<96x512xf32, #tpu.memory_space<vmem>>, vector<16xf32>,
      %parallel_loop3A_217 = arith.constant 5 : i32
      %parallel_loop3A_218 = vector.broadcast %parallel_loop3A_217 : i32 to vector<16xi32>
      %parallel_loop3A_219 = arith.addi %parallel_loop3A_179, %parallel_loop3A_218 : vector<16xi32>
      %parallel_loop3A_220 = tpu.vector_load_idx %arg5[%parallel_loop3A_219] : memref<1536xf32, #tpu.memory_space<vmem>>[vector<16xi32>], vector<16xf32>,
      %parallel_loop3A_221 = arith.constant 59 : i32
      %parallel_loop3A_222 = arith.index_cast %parallel_loop3A_221 : i32 to index
      %parallel_loop3A_223 = arith.index_cast %parallel_loop3A_126 : i32 to index
      %parallel_loop3A_224 = tpu.vector_load %arg7[%parallel_loop3A_222, %parallel_loop3A_223] {strides = array<i32>} : memref<96x512xf32, #tpu.memory_space<vmem>>, vector<16xf32>,
      tpu.vector_store %arg7[%parallel_loop3A_222, %parallel_loop3A_223], %parallel_loop3A_220 {strides = array<i32>} : memref<96x512xf32, #tpu.memory_space<vmem>>, vector<16xf32>,
      %parallel_loop3A_225 = arith.constant 5120 : i32
      %parallel_loop3A_226 = arith.addi %parallel_loop3A_225, %parallel_loop3A_126 : i32
      %parallel_loop3A_227 = arith.index_cast %parallel_loop3A_226 : i32 to index
      %parallel_loop3A_228 = tpu.vector_load %arg6[%parallel_loop3A_227] {strides = array<i32>} : memref<8192xi32, #tpu.memory_space<vmem>>, vector<16xi32>,
      %parallel_loop3A_229 = tpu.vector_load_idx %arg5[%parallel_loop3A_228] : memref<1536xf32, #tpu.memory_space<vmem>>[vector<16xi32>], vector<16xf32>,
      %parallel_loop3A_230 = arith.constant 60 : i32
      %parallel_loop3A_231 = arith.index_cast %parallel_loop3A_230 : i32 to index
      %parallel_loop3A_232 = arith.index_cast %parallel_loop3A_126 : i32 to index
      %parallel_loop3A_233 = tpu.vector_load %arg7[%parallel_loop3A_231, %parallel_loop3A_232] {strides = array<i32>} : memref<96x512xf32, #tpu.memory_space<vmem>>, vector<16xf32>,
      tpu.vector_store %arg7[%parallel_loop3A_231, %parallel_loop3A_232], %parallel_loop3A_229 {strides = array<i32>} : memref<96x512xf32, #tpu.memory_space<vmem>>, vector<16xf32>,
      %parallel_loop3A_234 = arith.constant 1 : i32
      %parallel_loop3A_235 = vector.broadcast %parallel_loop3A_234 : i32 to vector<16xi32>
      %parallel_loop3A_236 = arith.addi %parallel_loop3A_228, %parallel_loop3A_235 : vector<16xi32>
      %parallel_loop3A_237 = tpu.vector_load_idx %arg5[%parallel_loop3A_236] : memref<1536xf32, #tpu.memory_space<vmem>>[vector<16xi32>], vector<16xf32>,
      %parallel_loop3A_238 = arith.constant 61 : i32
      %parallel_loop3A_239 = arith.index_cast %parallel_loop3A_238 : i32 to index
      %parallel_loop3A_240 = arith.index_cast %parallel_loop3A_126 : i32 to index
      %parallel_loop3A_241 = tpu.vector_load %arg7[%parallel_loop3A_239, %parallel_loop3A_240] {strides = array<i32>} : memref<96x512xf32, #tpu.memory_space<vmem>>, vector<16xf32>,
      tpu.vector_store %arg7[%parallel_loop3A_239, %parallel_loop3A_240], %parallel_loop3A_237 {strides = array<i32>} : memref<96x512xf32, #tpu.memory_space<vmem>>, vector<16xf32>,
      %parallel_loop3A_242 = arith.constant 2 : i32
      %parallel_loop3A_243 = vector.broadcast %parallel_loop3A_242 : i32 to vector<16xi32>
      %parallel_loop3A_244 = arith.addi %parallel_loop3A_228, %parallel_loop3A_243 : vector<16xi32>
      %parallel_loop3A_245 = tpu.vector_load_idx %arg5[%parallel_loop3A_244] : memref<1536xf32, #tpu.memory_space<vmem>>[vector<16xi32>], vector<16xf32>,
      %parallel_loop3A_246 = arith.constant 62 : i32
      %parallel_loop3A_247 = arith.index_cast %parallel_loop3A_246 : i32 to index
      %parallel_loop3A_248 = arith.index_cast %parallel_loop3A_126 : i32 to index
      %parallel_loop3A_249 = tpu.vector_load %arg7[%parallel_loop3A_247, %parallel_loop3A_248] {strides = array<i32>} : memref<96x512xf32, #tpu.memory_space<vmem>>, vector<16xf32>,
      tpu.vector_store %arg7[%parallel_loop3A_247, %parallel_loop3A_248], %parallel_loop3A_245 {strides = array<i32>} : memref<96x512xf32, #tpu.memory_space<vmem>>, vector<16xf32>,
      %parallel_loop3A_250 = arith.constant 3 : i32
      %parallel_loop3A_251 = vector.broadcast %parallel_loop3A_250 : i32 to vector<16xi32>
      %parallel_loop3A_252 = arith.addi %parallel_loop3A_228, %parallel_loop3A_251 : vector<16xi32>
      %parallel_loop3A_253 = tpu.vector_load_idx %arg5[%parallel_loop3A_252] : memref<1536xf32, #tpu.memory_space<vmem>>[vector<16xi32>], vector<16xf32>,
      %parallel_loop3A_254 = arith.constant 63 : i32
      %parallel_loop3A_255 = arith.index_cast %parallel_loop3A_254 : i32 to index
      %parallel_loop3A_256 = arith.index_cast %parallel_loop3A_126 : i32 to index
      %parallel_loop3A_257 = tpu.vector_load %arg7[%parallel_loop3A_255, %parallel_loop3A_256] {strides = array<i32>} : memref<96x512xf32, #tpu.memory_space<vmem>>, vector<16xf32>,
      tpu.vector_store %arg7[%parallel_loop3A_255, %parallel_loop3A_256], %parallel_loop3A_253 {strides = array<i32>} : memref<96x512xf32, #tpu.memory_space<vmem>>, vector<16xf32>,
      %parallel_loop3A_258 = arith.constant 4 : i32
      %parallel_loop3A_259 = vector.broadcast %parallel_loop3A_258 : i32 to vector<16xi32>
      %parallel_loop3A_260 = arith.addi %parallel_loop3A_228, %parallel_loop3A_259 : vector<16xi32>
      %parallel_loop3A_261 = tpu.vector_load_idx %arg5[%parallel_loop3A_260] : memref<1536xf32, #tpu.memory_space<vmem>>[vector<16xi32>], vector<16xf32>,
      %parallel_loop3A_262 = arith.constant 64 : i32
      %parallel_loop3A_263 = arith.index_cast %parallel_loop3A_262 : i32 to index
      %parallel_loop3A_264 = arith.index_cast %parallel_loop3A_126 : i32 to index
      %parallel_loop3A_265 = tpu.vector_load %arg7[%parallel_loop3A_263, %parallel_loop3A_264] {strides = array<i32>} : memref<96x512xf32, #tpu.memory_space<vmem>>, vector<16xf32>,
      tpu.vector_store %arg7[%parallel_loop3A_263, %parallel_loop3A_264], %parallel_loop3A_261 {strides = array<i32>} : memref<96x512xf32, #tpu.memory_space<vmem>>, vector<16xf32>,
      %parallel_loop3A_266 = arith.constant 5 : i32
      %parallel_loop3A_267 = vector.broadcast %parallel_loop3A_266 : i32 to vector<16xi32>
      %parallel_loop3A_268 = arith.addi %parallel_loop3A_228, %parallel_loop3A_267 : vector<16xi32>
      %parallel_loop3A_269 = tpu.vector_load_idx %arg5[%parallel_loop3A_268] : memref<1536xf32, #tpu.memory_space<vmem>>[vector<16xi32>], vector<16xf32>,
      %parallel_loop3A_270 = arith.constant 65 : i32
      %parallel_loop3A_271 = arith.index_cast %parallel_loop3A_270 : i32 to index
      %parallel_loop3A_272 = arith.index_cast %parallel_loop3A_126 : i32 to index
      %parallel_loop3A_273 = tpu.vector_load %arg7[%parallel_loop3A_271, %parallel_loop3A_272] {strides = array<i32>} : memref<96x512xf32, #tpu.memory_space<vmem>>, vector<16xf32>,
      tpu.vector_store %arg7[%parallel_loop3A_271, %parallel_loop3A_272], %parallel_loop3A_269 {strides = array<i32>} : memref<96x512xf32, #tpu.memory_space<vmem>>, vector<16xf32>,
      %parallel_loop3A_274 = arith.constant 5632 : i32
      %parallel_loop3A_275 = arith.addi %parallel_loop3A_274, %parallel_loop3A_126 : i32
      %parallel_loop3A_276 = arith.index_cast %parallel_loop3A_275 : i32 to index
      %parallel_loop3A_277 = tpu.vector_load %arg6[%parallel_loop3A_276] {strides = array<i32>} : memref<8192xi32, #tpu.memory_space<vmem>>, vector<16xi32>,
      %parallel_loop3A_278 = tpu.vector_load_idx %arg5[%parallel_loop3A_277] : memref<1536xf32, #tpu.memory_space<vmem>>[vector<16xi32>], vector<16xf32>,
      %parallel_loop3A_279 = arith.constant 66 : i32
      %parallel_loop3A_280 = arith.index_cast %parallel_loop3A_279 : i32 to index
      %parallel_loop3A_281 = arith.index_cast %parallel_loop3A_126 : i32 to index
      %parallel_loop3A_282 = tpu.vector_load %arg7[%parallel_loop3A_280, %parallel_loop3A_281] {strides = array<i32>} : memref<96x512xf32, #tpu.memory_space<vmem>>, vector<16xf32>,
      tpu.vector_store %arg7[%parallel_loop3A_280, %parallel_loop3A_281], %parallel_loop3A_278 {strides = array<i32>} : memref<96x512xf32, #tpu.memory_space<vmem>>, vector<16xf32>,
      %parallel_loop3A_283 = arith.constant 1 : i32
      %parallel_loop3A_284 = vector.broadcast %parallel_loop3A_283 : i32 to vector<16xi32>
      %parallel_loop3A_285 = arith.addi %parallel_loop3A_277, %parallel_loop3A_284 : vector<16xi32>
      %parallel_loop3A_286 = tpu.vector_load_idx %arg5[%parallel_loop3A_285] : memref<1536xf32, #tpu.memory_space<vmem>>[vector<16xi32>], vector<16xf32>,
      %parallel_loop3A_287 = arith.constant 67 : i32
      %parallel_loop3A_288 = arith.index_cast %parallel_loop3A_287 : i32 to index
      %parallel_loop3A_289 = arith.index_cast %parallel_loop3A_126 : i32 to index
      %parallel_loop3A_290 = tpu.vector_load %arg7[%parallel_loop3A_288, %parallel_loop3A_289] {strides = array<i32>} : memref<96x512xf32, #tpu.memory_space<vmem>>, vector<16xf32>,
      tpu.vector_store %arg7[%parallel_loop3A_288, %parallel_loop3A_289], %parallel_loop3A_286 {strides = array<i32>} : memref<96x512xf32, #tpu.memory_space<vmem>>, vector<16xf32>,
      %parallel_loop3A_291 = arith.constant 2 : i32
      %parallel_loop3A_292 = vector.broadcast %parallel_loop3A_291 : i32 to vector<16xi32>
      %parallel_loop3A_293 = arith.addi %parallel_loop3A_277, %parallel_loop3A_292 : vector<16xi32>
      %parallel_loop3A_294 = tpu.vector_load_idx %arg5[%parallel_loop3A_293] : memref<1536xf32, #tpu.memory_space<vmem>>[vector<16xi32>], vector<16xf32>,
      %parallel_loop3A_295 = arith.constant 68 : i32
      %parallel_loop3A_296 = arith.index_cast %parallel_loop3A_295 : i32 to index
      %parallel_loop3A_297 = arith.index_cast %parallel_loop3A_126 : i32 to index
      %parallel_loop3A_298 = tpu.vector_load %arg7[%parallel_loop3A_296, %parallel_loop3A_297] {strides = array<i32>} : memref<96x512xf32, #tpu.memory_space<vmem>>, vector<16xf32>,
      tpu.vector_store %arg7[%parallel_loop3A_296, %parallel_loop3A_297], %parallel_loop3A_294 {strides = array<i32>} : memref<96x512xf32, #tpu.memory_space<vmem>>, vector<16xf32>,
      %parallel_loop3A_299 = arith.constant 3 : i32
      %parallel_loop3A_300 = vector.broadcast %parallel_loop3A_299 : i32 to vector<16xi32>
      %parallel_loop3A_301 = arith.addi %parallel_loop3A_277, %parallel_loop3A_300 : vector<16xi32>
      %parallel_loop3A_302 = tpu.vector_load_idx %arg5[%parallel_loop3A_301] : memref<1536xf32, #tpu.memory_space<vmem>>[vector<16xi32>], vector<16xf32>,
      %parallel_loop3A_303 = arith.constant 69 : i32
      %parallel_loop3A_304 = arith.index_cast %parallel_loop3A_303 : i32 to index
      %parallel_loop3A_305 = arith.index_cast %parallel_loop3A_126 : i32 to index
      %parallel_loop3A_306 = tpu.vector_load %arg7[%parallel_loop3A_304, %parallel_loop3A_305] {strides = array<i32>} : memref<96x512xf32, #tpu.memory_space<vmem>>, vector<16xf32>,
      tpu.vector_store %arg7[%parallel_loop3A_304, %parallel_loop3A_305], %parallel_loop3A_302 {strides = array<i32>} : memref<96x512xf32, #tpu.memory_space<vmem>>, vector<16xf32>,
      %parallel_loop3A_307 = arith.constant 4 : i32
      %parallel_loop3A_308 = vector.broadcast %parallel_loop3A_307 : i32 to vector<16xi32>
      %parallel_loop3A_309 = arith.addi %parallel_loop3A_277, %parallel_loop3A_308 : vector<16xi32>
      %parallel_loop3A_310 = tpu.vector_load_idx %arg5[%parallel_loop3A_309] : memref<1536xf32, #tpu.memory_space<vmem>>[vector<16xi32>], vector<16xf32>,
      %parallel_loop3A_311 = arith.constant 70 : i32
      %parallel_loop3A_312 = arith.index_cast %parallel_loop3A_311 : i32 to index
      %parallel_loop3A_313 = arith.index_cast %parallel_loop3A_126 : i32 to index
      %parallel_loop3A_314 = tpu.vector_load %arg7[%parallel_loop3A_312, %parallel_loop3A_313] {strides = array<i32>} : memref<96x512xf32, #tpu.memory_space<vmem>>, vector<16xf32>,
      tpu.vector_store %arg7[%parallel_loop3A_312, %parallel_loop3A_313], %parallel_loop3A_310 {strides = array<i32>} : memref<96x512xf32, #tpu.memory_space<vmem>>, vector<16xf32>,
      %parallel_loop3A_315 = arith.constant 5 : i32
      %parallel_loop3A_316 = vector.broadcast %parallel_loop3A_315 : i32 to vector<16xi32>
      %parallel_loop3A_317 = arith.addi %parallel_loop3A_277, %parallel_loop3A_316 : vector<16xi32>
      %parallel_loop3A_318 = tpu.vector_load_idx %arg5[%parallel_loop3A_317] : memref<1536xf32, #tpu.memory_space<vmem>>[vector<16xi32>], vector<16xf32>,
      %parallel_loop3A_319 = arith.constant 71 : i32
      %parallel_loop3A_320 = arith.index_cast %parallel_loop3A_319 : i32 to index
      %parallel_loop3A_321 = arith.index_cast %parallel_loop3A_126 : i32 to index
      %parallel_loop3A_322 = tpu.vector_load %arg7[%parallel_loop3A_320, %parallel_loop3A_321] {strides = array<i32>} : memref<96x512xf32, #tpu.memory_space<vmem>>, vector<16xf32>,
      tpu.vector_store %arg7[%parallel_loop3A_320, %parallel_loop3A_321], %parallel_loop3A_318 {strides = array<i32>} : memref<96x512xf32, #tpu.memory_space<vmem>>, vector<16xf32>,
    } {sc.loop_unroll_factor = 8 : i64, sc.parallel_access}
    %dma_start3A_40 = arith.constant 48 : i32
    %dma_start3A_41 = arith.constant 0 : i32
    %dma_start3A_42 = tpu.memref_slice %arg7[%dma_start3A_40, %dma_start3A_41] : memref<96x512xf32, #tpu.memory_space<vmem>> -> memref<24x512xf32, #tpu.memory_space<vmem>>
    %dma_start3A_43 = arith.constant 48 : i32
    %dma_start3A_44 = arith.constant 0 : i32
    %dma_start3A_45 = tpu.memref_slice %arg4[%add3A, %dma_start3A_43, %dma_start3A_44] : memref<32x96x512xf32, #tpu.memory_space<hbm>> -> memref<1x24x512xf32, #tpu.memory_space<hbm>>
    %dma_start3A_46 = tpu.memref_squeeze %dma_start3A_45 : memref<1x24x512xf32, #tpu.memory_space<hbm>> -> memref<24x512xf32, #tpu.memory_space<hbm>>
    %dma_start3A_47 = arith.constant 48 : i32
    %dma_start3A_48 = arith.constant 0 : i32
    %dma_start3A_49 = tpu.memref_slice %arg4[%add3A, %dma_start3A_47, %dma_start3A_48] : memref<32x96x512xf32, #tpu.memory_space<hbm>> -> memref<1x24x512xf32, #tpu.memory_space<hbm>>
    %dma_start3A_50 = tpu.memref_squeeze %dma_start3A_49 : memref<1x24x512xf32, #tpu.memory_space<hbm>> -> memref<24x512xf32, #tpu.memory_space<hbm>>
    %dma_start3A_51 = arith.constant 48 : i32
    %dma_start3A_52 = arith.constant 0 : i32
    %dma_start3A_53 = tpu.memref_slice %arg7[%dma_start3A_51, %dma_start3A_52] : memref<96x512xf32, #tpu.memory_space<vmem>> -> memref<24x512xf32, #tpu.memory_space<vmem>>
    tpu.enqueue_dma source(%dma_start3A_53 : memref<24x512xf32, #tpu.memory_space<vmem>>) target(%dma_start3A_50 : memref<24x512xf32, #tpu.memory_space<hbm>>) target_semaphore(%arg8 : memref<!tpu.dma_semaphore, #tpu.memory_space<semaphore_mem>>)
    %parallel_loop3A_54 = arith.constant 0 : i32
    %parallel_loop3A_55 = arith.constant 512 : i32
    %parallel_loop3A_56 = arith.constant 16 : i32
    scf.for %parallel_loop3A_126 = %parallel_loop3A_54 to %parallel_loop3A_55 step %parallel_loop3A_56  : i32 {
      %parallel_loop3A_127 = arith.constant 6144 : i32
      %parallel_loop3A_128 = arith.addi %parallel_loop3A_127, %parallel_loop3A_126 : i32
      %parallel_loop3A_129 = arith.index_cast %parallel_loop3A_128 : i32 to index
      %parallel_loop3A_130 = tpu.vector_load %arg6[%parallel_loop3A_129] {strides = array<i32>} : memref<8192xi32, #tpu.memory_space<vmem>>, vector<16xi32>,
      %parallel_loop3A_131 = tpu.vector_load_idx %arg5[%parallel_loop3A_130] : memref<1536xf32, #tpu.memory_space<vmem>>[vector<16xi32>], vector<16xf32>,
      %parallel_loop3A_132 = arith.constant 72 : i32
      %parallel_loop3A_133 = arith.index_cast %parallel_loop3A_132 : i32 to index
      %parallel_loop3A_134 = arith.index_cast %parallel_loop3A_126 : i32 to index
      %parallel_loop3A_135 = tpu.vector_load %arg7[%parallel_loop3A_133, %parallel_loop3A_134] {strides = array<i32>} : memref<96x512xf32, #tpu.memory_space<vmem>>, vector<16xf32>,
      tpu.vector_store %arg7[%parallel_loop3A_133, %parallel_loop3A_134], %parallel_loop3A_131 {strides = array<i32>} : memref<96x512xf32, #tpu.memory_space<vmem>>, vector<16xf32>,
      %parallel_loop3A_136 = arith.constant 1 : i32
      %parallel_loop3A_137 = vector.broadcast %parallel_loop3A_136 : i32 to vector<16xi32>
      %parallel_loop3A_138 = arith.addi %parallel_loop3A_130, %parallel_loop3A_137 : vector<16xi32>
      %parallel_loop3A_139 = tpu.vector_load_idx %arg5[%parallel_loop3A_138] : memref<1536xf32, #tpu.memory_space<vmem>>[vector<16xi32>], vector<16xf32>,
      %parallel_loop3A_140 = arith.constant 73 : i32
      %parallel_loop3A_141 = arith.index_cast %parallel_loop3A_140 : i32 to index
      %parallel_loop3A_142 = arith.index_cast %parallel_loop3A_126 : i32 to index
      %parallel_loop3A_143 = tpu.vector_load %arg7[%parallel_loop3A_141, %parallel_loop3A_142] {strides = array<i32>} : memref<96x512xf32, #tpu.memory_space<vmem>>, vector<16xf32>,
      tpu.vector_store %arg7[%parallel_loop3A_141, %parallel_loop3A_142], %parallel_loop3A_139 {strides = array<i32>} : memref<96x512xf32, #tpu.memory_space<vmem>>, vector<16xf32>,
      %parallel_loop3A_144 = arith.constant 2 : i32
      %parallel_loop3A_145 = vector.broadcast %parallel_loop3A_144 : i32 to vector<16xi32>
      %parallel_loop3A_146 = arith.addi %parallel_loop3A_130, %parallel_loop3A_145 : vector<16xi32>
      %parallel_loop3A_147 = tpu.vector_load_idx %arg5[%parallel_loop3A_146] : memref<1536xf32, #tpu.memory_space<vmem>>[vector<16xi32>], vector<16xf32>,
      %parallel_loop3A_148 = arith.constant 74 : i32
      %parallel_loop3A_149 = arith.index_cast %parallel_loop3A_148 : i32 to index
      %parallel_loop3A_150 = arith.index_cast %parallel_loop3A_126 : i32 to index
      %parallel_loop3A_151 = tpu.vector_load %arg7[%parallel_loop3A_149, %parallel_loop3A_150] {strides = array<i32>} : memref<96x512xf32, #tpu.memory_space<vmem>>, vector<16xf32>,
      tpu.vector_store %arg7[%parallel_loop3A_149, %parallel_loop3A_150], %parallel_loop3A_147 {strides = array<i32>} : memref<96x512xf32, #tpu.memory_space<vmem>>, vector<16xf32>,
      %parallel_loop3A_152 = arith.constant 3 : i32
      %parallel_loop3A_153 = vector.broadcast %parallel_loop3A_152 : i32 to vector<16xi32>
      %parallel_loop3A_154 = arith.addi %parallel_loop3A_130, %parallel_loop3A_153 : vector<16xi32>
      %parallel_loop3A_155 = tpu.vector_load_idx %arg5[%parallel_loop3A_154] : memref<1536xf32, #tpu.memory_space<vmem>>[vector<16xi32>], vector<16xf32>,
      %parallel_loop3A_156 = arith.constant 75 : i32
      %parallel_loop3A_157 = arith.index_cast %parallel_loop3A_156 : i32 to index
      %parallel_loop3A_158 = arith.index_cast %parallel_loop3A_126 : i32 to index
      %parallel_loop3A_159 = tpu.vector_load %arg7[%parallel_loop3A_157, %parallel_loop3A_158] {strides = array<i32>} : memref<96x512xf32, #tpu.memory_space<vmem>>, vector<16xf32>,
      tpu.vector_store %arg7[%parallel_loop3A_157, %parallel_loop3A_158], %parallel_loop3A_155 {strides = array<i32>} : memref<96x512xf32, #tpu.memory_space<vmem>>, vector<16xf32>,
      %parallel_loop3A_160 = arith.constant 4 : i32
      %parallel_loop3A_161 = vector.broadcast %parallel_loop3A_160 : i32 to vector<16xi32>
      %parallel_loop3A_162 = arith.addi %parallel_loop3A_130, %parallel_loop3A_161 : vector<16xi32>
      %parallel_loop3A_163 = tpu.vector_load_idx %arg5[%parallel_loop3A_162] : memref<1536xf32, #tpu.memory_space<vmem>>[vector<16xi32>], vector<16xf32>,
      %parallel_loop3A_164 = arith.constant 76 : i32
      %parallel_loop3A_165 = arith.index_cast %parallel_loop3A_164 : i32 to index
      %parallel_loop3A_166 = arith.index_cast %parallel_loop3A_126 : i32 to index
      %parallel_loop3A_167 = tpu.vector_load %arg7[%parallel_loop3A_165, %parallel_loop3A_166] {strides = array<i32>} : memref<96x512xf32, #tpu.memory_space<vmem>>, vector<16xf32>,
      tpu.vector_store %arg7[%parallel_loop3A_165, %parallel_loop3A_166], %parallel_loop3A_163 {strides = array<i32>} : memref<96x512xf32, #tpu.memory_space<vmem>>, vector<16xf32>,
      %parallel_loop3A_168 = arith.constant 5 : i32
      %parallel_loop3A_169 = vector.broadcast %parallel_loop3A_168 : i32 to vector<16xi32>
      %parallel_loop3A_170 = arith.addi %parallel_loop3A_130, %parallel_loop3A_169 : vector<16xi32>
      %parallel_loop3A_171 = tpu.vector_load_idx %arg5[%parallel_loop3A_170] : memref<1536xf32, #tpu.memory_space<vmem>>[vector<16xi32>], vector<16xf32>,
      %parallel_loop3A_172 = arith.constant 77 : i32
      %parallel_loop3A_173 = arith.index_cast %parallel_loop3A_172 : i32 to index
      %parallel_loop3A_174 = arith.index_cast %parallel_loop3A_126 : i32 to index
      %parallel_loop3A_175 = tpu.vector_load %arg7[%parallel_loop3A_173, %parallel_loop3A_174] {strides = array<i32>} : memref<96x512xf32, #tpu.memory_space<vmem>>, vector<16xf32>,
      tpu.vector_store %arg7[%parallel_loop3A_173, %parallel_loop3A_174], %parallel_loop3A_171 {strides = array<i32>} : memref<96x512xf32, #tpu.memory_space<vmem>>, vector<16xf32>,
      %parallel_loop3A_176 = arith.constant 6656 : i32
      %parallel_loop3A_177 = arith.addi %parallel_loop3A_176, %parallel_loop3A_126 : i32
      %parallel_loop3A_178 = arith.index_cast %parallel_loop3A_177 : i32 to index
      %parallel_loop3A_179 = tpu.vector_load %arg6[%parallel_loop3A_178] {strides = array<i32>} : memref<8192xi32, #tpu.memory_space<vmem>>, vector<16xi32>,
      %parallel_loop3A_180 = tpu.vector_load_idx %arg5[%parallel_loop3A_179] : memref<1536xf32, #tpu.memory_space<vmem>>[vector<16xi32>], vector<16xf32>,
      %parallel_loop3A_181 = arith.constant 78 : i32
      %parallel_loop3A_182 = arith.index_cast %parallel_loop3A_181 : i32 to index
      %parallel_loop3A_183 = arith.index_cast %parallel_loop3A_126 : i32 to index
      %parallel_loop3A_184 = tpu.vector_load %arg7[%parallel_loop3A_182, %parallel_loop3A_183] {strides = array<i32>} : memref<96x512xf32, #tpu.memory_space<vmem>>, vector<16xf32>,
      tpu.vector_store %arg7[%parallel_loop3A_182, %parallel_loop3A_183], %parallel_loop3A_180 {strides = array<i32>} : memref<96x512xf32, #tpu.memory_space<vmem>>, vector<16xf32>,
      %parallel_loop3A_185 = arith.constant 1 : i32
      %parallel_loop3A_186 = vector.broadcast %parallel_loop3A_185 : i32 to vector<16xi32>
      %parallel_loop3A_187 = arith.addi %parallel_loop3A_179, %parallel_loop3A_186 : vector<16xi32>
      %parallel_loop3A_188 = tpu.vector_load_idx %arg5[%parallel_loop3A_187] : memref<1536xf32, #tpu.memory_space<vmem>>[vector<16xi32>], vector<16xf32>,
      %parallel_loop3A_189 = arith.constant 79 : i32
      %parallel_loop3A_190 = arith.index_cast %parallel_loop3A_189 : i32 to index
      %parallel_loop3A_191 = arith.index_cast %parallel_loop3A_126 : i32 to index
      %parallel_loop3A_192 = tpu.vector_load %arg7[%parallel_loop3A_190, %parallel_loop3A_191] {strides = array<i32>} : memref<96x512xf32, #tpu.memory_space<vmem>>, vector<16xf32>,
      tpu.vector_store %arg7[%parallel_loop3A_190, %parallel_loop3A_191], %parallel_loop3A_188 {strides = array<i32>} : memref<96x512xf32, #tpu.memory_space<vmem>>, vector<16xf32>,
      %parallel_loop3A_193 = arith.constant 2 : i32
      %parallel_loop3A_194 = vector.broadcast %parallel_loop3A_193 : i32 to vector<16xi32>
      %parallel_loop3A_195 = arith.addi %parallel_loop3A_179, %parallel_loop3A_194 : vector<16xi32>
      %parallel_loop3A_196 = tpu.vector_load_idx %arg5[%parallel_loop3A_195] : memref<1536xf32, #tpu.memory_space<vmem>>[vector<16xi32>], vector<16xf32>,
      %parallel_loop3A_197 = arith.constant 80 : i32
      %parallel_loop3A_198 = arith.index_cast %parallel_loop3A_197 : i32 to index
      %parallel_loop3A_199 = arith.index_cast %parallel_loop3A_126 : i32 to index
      %parallel_loop3A_200 = tpu.vector_load %arg7[%parallel_loop3A_198, %parallel_loop3A_199] {strides = array<i32>} : memref<96x512xf32, #tpu.memory_space<vmem>>, vector<16xf32>,
      tpu.vector_store %arg7[%parallel_loop3A_198, %parallel_loop3A_199], %parallel_loop3A_196 {strides = array<i32>} : memref<96x512xf32, #tpu.memory_space<vmem>>, vector<16xf32>,
      %parallel_loop3A_201 = arith.constant 3 : i32
      %parallel_loop3A_202 = vector.broadcast %parallel_loop3A_201 : i32 to vector<16xi32>
      %parallel_loop3A_203 = arith.addi %parallel_loop3A_179, %parallel_loop3A_202 : vector<16xi32>
      %parallel_loop3A_204 = tpu.vector_load_idx %arg5[%parallel_loop3A_203] : memref<1536xf32, #tpu.memory_space<vmem>>[vector<16xi32>], vector<16xf32>,
      %parallel_loop3A_205 = arith.constant 81 : i32
      %parallel_loop3A_206 = arith.index_cast %parallel_loop3A_205 : i32 to index
      %parallel_loop3A_207 = arith.index_cast %parallel_loop3A_126 : i32 to index
      %parallel_loop3A_208 = tpu.vector_load %arg7[%parallel_loop3A_206, %parallel_loop3A_207] {strides = array<i32>} : memref<96x512xf32, #tpu.memory_space<vmem>>, vector<16xf32>,
      tpu.vector_store %arg7[%parallel_loop3A_206, %parallel_loop3A_207], %parallel_loop3A_204 {strides = array<i32>} : memref<96x512xf32, #tpu.memory_space<vmem>>, vector<16xf32>,
      %parallel_loop3A_209 = arith.constant 4 : i32
      %parallel_loop3A_210 = vector.broadcast %parallel_loop3A_209 : i32 to vector<16xi32>
      %parallel_loop3A_211 = arith.addi %parallel_loop3A_179, %parallel_loop3A_210 : vector<16xi32>
      %parallel_loop3A_212 = tpu.vector_load_idx %arg5[%parallel_loop3A_211] : memref<1536xf32, #tpu.memory_space<vmem>>[vector<16xi32>], vector<16xf32>,
      %parallel_loop3A_213 = arith.constant 82 : i32
      %parallel_loop3A_214 = arith.index_cast %parallel_loop3A_213 : i32 to index
      %parallel_loop3A_215 = arith.index_cast %parallel_loop3A_126 : i32 to index
      %parallel_loop3A_216 = tpu.vector_load %arg7[%parallel_loop3A_214, %parallel_loop3A_215] {strides = array<i32>} : memref<96x512xf32, #tpu.memory_space<vmem>>, vector<16xf32>,
      tpu.vector_store %arg7[%parallel_loop3A_214, %parallel_loop3A_215], %parallel_loop3A_212 {strides = array<i32>} : memref<96x512xf32, #tpu.memory_space<vmem>>, vector<16xf32>,
      %parallel_loop3A_217 = arith.constant 5 : i32
      %parallel_loop3A_218 = vector.broadcast %parallel_loop3A_217 : i32 to vector<16xi32>
      %parallel_loop3A_219 = arith.addi %parallel_loop3A_179, %parallel_loop3A_218 : vector<16xi32>
      %parallel_loop3A_220 = tpu.vector_load_idx %arg5[%parallel_loop3A_219] : memref<1536xf32, #tpu.memory_space<vmem>>[vector<16xi32>], vector<16xf32>,
      %parallel_loop3A_221 = arith.constant 83 : i32
      %parallel_loop3A_222 = arith.index_cast %parallel_loop3A_221 : i32 to index
      %parallel_loop3A_223 = arith.index_cast %parallel_loop3A_126 : i32 to index
      %parallel_loop3A_224 = tpu.vector_load %arg7[%parallel_loop3A_222, %parallel_loop3A_223] {strides = array<i32>} : memref<96x512xf32, #tpu.memory_space<vmem>>, vector<16xf32>,
      tpu.vector_store %arg7[%parallel_loop3A_222, %parallel_loop3A_223], %parallel_loop3A_220 {strides = array<i32>} : memref<96x512xf32, #tpu.memory_space<vmem>>, vector<16xf32>,
      %parallel_loop3A_225 = arith.constant 7168 : i32
      %parallel_loop3A_226 = arith.addi %parallel_loop3A_225, %parallel_loop3A_126 : i32
      %parallel_loop3A_227 = arith.index_cast %parallel_loop3A_226 : i32 to index
      %parallel_loop3A_228 = tpu.vector_load %arg6[%parallel_loop3A_227] {strides = array<i32>} : memref<8192xi32, #tpu.memory_space<vmem>>, vector<16xi32>,
      %parallel_loop3A_229 = tpu.vector_load_idx %arg5[%parallel_loop3A_228] : memref<1536xf32, #tpu.memory_space<vmem>>[vector<16xi32>], vector<16xf32>,
      %parallel_loop3A_230 = arith.constant 84 : i32
      %parallel_loop3A_231 = arith.index_cast %parallel_loop3A_230 : i32 to index
      %parallel_loop3A_232 = arith.index_cast %parallel_loop3A_126 : i32 to index
      %parallel_loop3A_233 = tpu.vector_load %arg7[%parallel_loop3A_231, %parallel_loop3A_232] {strides = array<i32>} : memref<96x512xf32, #tpu.memory_space<vmem>>, vector<16xf32>,
      tpu.vector_store %arg7[%parallel_loop3A_231, %parallel_loop3A_232], %parallel_loop3A_229 {strides = array<i32>} : memref<96x512xf32, #tpu.memory_space<vmem>>, vector<16xf32>,
      %parallel_loop3A_234 = arith.constant 1 : i32
      %parallel_loop3A_235 = vector.broadcast %parallel_loop3A_234 : i32 to vector<16xi32>
      %parallel_loop3A_236 = arith.addi %parallel_loop3A_228, %parallel_loop3A_235 : vector<16xi32>
      %parallel_loop3A_237 = tpu.vector_load_idx %arg5[%parallel_loop3A_236] : memref<1536xf32, #tpu.memory_space<vmem>>[vector<16xi32>], vector<16xf32>,
      %parallel_loop3A_238 = arith.constant 85 : i32
      %parallel_loop3A_239 = arith.index_cast %parallel_loop3A_238 : i32 to index
      %parallel_loop3A_240 = arith.index_cast %parallel_loop3A_126 : i32 to index
      %parallel_loop3A_241 = tpu.vector_load %arg7[%parallel_loop3A_239, %parallel_loop3A_240] {strides = array<i32>} : memref<96x512xf32, #tpu.memory_space<vmem>>, vector<16xf32>,
      tpu.vector_store %arg7[%parallel_loop3A_239, %parallel_loop3A_240], %parallel_loop3A_237 {strides = array<i32>} : memref<96x512xf32, #tpu.memory_space<vmem>>, vector<16xf32>,
      %parallel_loop3A_242 = arith.constant 2 : i32
      %parallel_loop3A_243 = vector.broadcast %parallel_loop3A_242 : i32 to vector<16xi32>
      %parallel_loop3A_244 = arith.addi %parallel_loop3A_228, %parallel_loop3A_243 : vector<16xi32>
      %parallel_loop3A_245 = tpu.vector_load_idx %arg5[%parallel_loop3A_244] : memref<1536xf32, #tpu.memory_space<vmem>>[vector<16xi32>], vector<16xf32>,
      %parallel_loop3A_246 = arith.constant 86 : i32
      %parallel_loop3A_247 = arith.index_cast %parallel_loop3A_246 : i32 to index
      %parallel_loop3A_248 = arith.index_cast %parallel_loop3A_126 : i32 to index
      %parallel_loop3A_249 = tpu.vector_load %arg7[%parallel_loop3A_247, %parallel_loop3A_248] {strides = array<i32>} : memref<96x512xf32, #tpu.memory_space<vmem>>, vector<16xf32>,
      tpu.vector_store %arg7[%parallel_loop3A_247, %parallel_loop3A_248], %parallel_loop3A_245 {strides = array<i32>} : memref<96x512xf32, #tpu.memory_space<vmem>>, vector<16xf32>,
      %parallel_loop3A_250 = arith.constant 3 : i32
      %parallel_loop3A_251 = vector.broadcast %parallel_loop3A_250 : i32 to vector<16xi32>
      %parallel_loop3A_252 = arith.addi %parallel_loop3A_228, %parallel_loop3A_251 : vector<16xi32>
      %parallel_loop3A_253 = tpu.vector_load_idx %arg5[%parallel_loop3A_252] : memref<1536xf32, #tpu.memory_space<vmem>>[vector<16xi32>], vector<16xf32>,
      %parallel_loop3A_254 = arith.constant 87 : i32
      %parallel_loop3A_255 = arith.index_cast %parallel_loop3A_254 : i32 to index
      %parallel_loop3A_256 = arith.index_cast %parallel_loop3A_126 : i32 to index
      %parallel_loop3A_257 = tpu.vector_load %arg7[%parallel_loop3A_255, %parallel_loop3A_256] {strides = array<i32>} : memref<96x512xf32, #tpu.memory_space<vmem>>, vector<16xf32>,
      tpu.vector_store %arg7[%parallel_loop3A_255, %parallel_loop3A_256], %parallel_loop3A_253 {strides = array<i32>} : memref<96x512xf32, #tpu.memory_space<vmem>>, vector<16xf32>,
      %parallel_loop3A_258 = arith.constant 4 : i32
      %parallel_loop3A_259 = vector.broadcast %parallel_loop3A_258 : i32 to vector<16xi32>
      %parallel_loop3A_260 = arith.addi %parallel_loop3A_228, %parallel_loop3A_259 : vector<16xi32>
      %parallel_loop3A_261 = tpu.vector_load_idx %arg5[%parallel_loop3A_260] : memref<1536xf32, #tpu.memory_space<vmem>>[vector<16xi32>], vector<16xf32>,
      %parallel_loop3A_262 = arith.constant 88 : i32
      %parallel_loop3A_263 = arith.index_cast %parallel_loop3A_262 : i32 to index
      %parallel_loop3A_264 = arith.index_cast %parallel_loop3A_126 : i32 to index
      %parallel_loop3A_265 = tpu.vector_load %arg7[%parallel_loop3A_263, %parallel_loop3A_264] {strides = array<i32>} : memref<96x512xf32, #tpu.memory_space<vmem>>, vector<16xf32>,
      tpu.vector_store %arg7[%parallel_loop3A_263, %parallel_loop3A_264], %parallel_loop3A_261 {strides = array<i32>} : memref<96x512xf32, #tpu.memory_space<vmem>>, vector<16xf32>,
      %parallel_loop3A_266 = arith.constant 5 : i32
      %parallel_loop3A_267 = vector.broadcast %parallel_loop3A_266 : i32 to vector<16xi32>
      %parallel_loop3A_268 = arith.addi %parallel_loop3A_228, %parallel_loop3A_267 : vector<16xi32>
      %parallel_loop3A_269 = tpu.vector_load_idx %arg5[%parallel_loop3A_268] : memref<1536xf32, #tpu.memory_space<vmem>>[vector<16xi32>], vector<16xf32>,
      %parallel_loop3A_270 = arith.constant 89 : i32
      %parallel_loop3A_271 = arith.index_cast %parallel_loop3A_270 : i32 to index
      %parallel_loop3A_272 = arith.index_cast %parallel_loop3A_126 : i32 to index
      %parallel_loop3A_273 = tpu.vector_load %arg7[%parallel_loop3A_271, %parallel_loop3A_272] {strides = array<i32>} : memref<96x512xf32, #tpu.memory_space<vmem>>, vector<16xf32>,
      tpu.vector_store %arg7[%parallel_loop3A_271, %parallel_loop3A_272], %parallel_loop3A_269 {strides = array<i32>} : memref<96x512xf32, #tpu.memory_space<vmem>>, vector<16xf32>,
      %parallel_loop3A_274 = arith.constant 7680 : i32
      %parallel_loop3A_275 = arith.addi %parallel_loop3A_274, %parallel_loop3A_126 : i32
      %parallel_loop3A_276 = arith.index_cast %parallel_loop3A_275 : i32 to index
      %parallel_loop3A_277 = tpu.vector_load %arg6[%parallel_loop3A_276] {strides = array<i32>} : memref<8192xi32, #tpu.memory_space<vmem>>, vector<16xi32>,
      %parallel_loop3A_278 = tpu.vector_load_idx %arg5[%parallel_loop3A_277] : memref<1536xf32, #tpu.memory_space<vmem>>[vector<16xi32>], vector<16xf32>,
      %parallel_loop3A_279 = arith.constant 90 : i32
      %parallel_loop3A_280 = arith.index_cast %parallel_loop3A_279 : i32 to index
      %parallel_loop3A_281 = arith.index_cast %parallel_loop3A_126 : i32 to index
      %parallel_loop3A_282 = tpu.vector_load %arg7[%parallel_loop3A_280, %parallel_loop3A_281] {strides = array<i32>} : memref<96x512xf32, #tpu.memory_space<vmem>>, vector<16xf32>,
      tpu.vector_store %arg7[%parallel_loop3A_280, %parallel_loop3A_281], %parallel_loop3A_278 {strides = array<i32>} : memref<96x512xf32, #tpu.memory_space<vmem>>, vector<16xf32>,
      %parallel_loop3A_283 = arith.constant 1 : i32
      %parallel_loop3A_284 = vector.broadcast %parallel_loop3A_283 : i32 to vector<16xi32>
      %parallel_loop3A_285 = arith.addi %parallel_loop3A_277, %parallel_loop3A_284 : vector<16xi32>
      %parallel_loop3A_286 = tpu.vector_load_idx %arg5[%parallel_loop3A_285] : memref<1536xf32, #tpu.memory_space<vmem>>[vector<16xi32>], vector<16xf32>,
      %parallel_loop3A_287 = arith.constant 91 : i32
      %parallel_loop3A_288 = arith.index_cast %parallel_loop3A_287 : i32 to index
      %parallel_loop3A_289 = arith.index_cast %parallel_loop3A_126 : i32 to index
      %parallel_loop3A_290 = tpu.vector_load %arg7[%parallel_loop3A_288, %parallel_loop3A_289] {strides = array<i32>} : memref<96x512xf32, #tpu.memory_space<vmem>>, vector<16xf32>,
      tpu.vector_store %arg7[%parallel_loop3A_288, %parallel_loop3A_289], %parallel_loop3A_286 {strides = array<i32>} : memref<96x512xf32, #tpu.memory_space<vmem>>, vector<16xf32>,
      %parallel_loop3A_291 = arith.constant 2 : i32
      %parallel_loop3A_292 = vector.broadcast %parallel_loop3A_291 : i32 to vector<16xi32>
      %parallel_loop3A_293 = arith.addi %parallel_loop3A_277, %parallel_loop3A_292 : vector<16xi32>
      %parallel_loop3A_294 = tpu.vector_load_idx %arg5[%parallel_loop3A_293] : memref<1536xf32, #tpu.memory_space<vmem>>[vector<16xi32>], vector<16xf32>,
      %parallel_loop3A_295 = arith.constant 92 : i32
      %parallel_loop3A_296 = arith.index_cast %parallel_loop3A_295 : i32 to index
      %parallel_loop3A_297 = arith.index_cast %parallel_loop3A_126 : i32 to index
      %parallel_loop3A_298 = tpu.vector_load %arg7[%parallel_loop3A_296, %parallel_loop3A_297] {strides = array<i32>} : memref<96x512xf32, #tpu.memory_space<vmem>>, vector<16xf32>,
      tpu.vector_store %arg7[%parallel_loop3A_296, %parallel_loop3A_297], %parallel_loop3A_294 {strides = array<i32>} : memref<96x512xf32, #tpu.memory_space<vmem>>, vector<16xf32>,
      %parallel_loop3A_299 = arith.constant 3 : i32
      %parallel_loop3A_300 = vector.broadcast %parallel_loop3A_299 : i32 to vector<16xi32>
      %parallel_loop3A_301 = arith.addi %parallel_loop3A_277, %parallel_loop3A_300 : vector<16xi32>
      %parallel_loop3A_302 = tpu.vector_load_idx %arg5[%parallel_loop3A_301] : memref<1536xf32, #tpu.memory_space<vmem>>[vector<16xi32>], vector<16xf32>,
      %parallel_loop3A_303 = arith.constant 93 : i32
      %parallel_loop3A_304 = arith.index_cast %parallel_loop3A_303 : i32 to index
      %parallel_loop3A_305 = arith.index_cast %parallel_loop3A_126 : i32 to index
      %parallel_loop3A_306 = tpu.vector_load %arg7[%parallel_loop3A_304, %parallel_loop3A_305] {strides = array<i32>} : memref<96x512xf32, #tpu.memory_space<vmem>>, vector<16xf32>,
      tpu.vector_store %arg7[%parallel_loop3A_304, %parallel_loop3A_305], %parallel_loop3A_302 {strides = array<i32>} : memref<96x512xf32, #tpu.memory_space<vmem>>, vector<16xf32>,
      %parallel_loop3A_307 = arith.constant 4 : i32
      %parallel_loop3A_308 = vector.broadcast %parallel_loop3A_307 : i32 to vector<16xi32>
      %parallel_loop3A_309 = arith.addi %parallel_loop3A_277, %parallel_loop3A_308 : vector<16xi32>
      %parallel_loop3A_310 = tpu.vector_load_idx %arg5[%parallel_loop3A_309] : memref<1536xf32, #tpu.memory_space<vmem>>[vector<16xi32>], vector<16xf32>,
      %parallel_loop3A_311 = arith.constant 94 : i32
      %parallel_loop3A_312 = arith.index_cast %parallel_loop3A_311 : i32 to index
      %parallel_loop3A_313 = arith.index_cast %parallel_loop3A_126 : i32 to index
      %parallel_loop3A_314 = tpu.vector_load %arg7[%parallel_loop3A_312, %parallel_loop3A_313] {strides = array<i32>} : memref<96x512xf32, #tpu.memory_space<vmem>>, vector<16xf32>,
      tpu.vector_store %arg7[%parallel_loop3A_312, %parallel_loop3A_313], %parallel_loop3A_310 {strides = array<i32>} : memref<96x512xf32, #tpu.memory_space<vmem>>, vector<16xf32>,
      %parallel_loop3A_315 = arith.constant 5 : i32
      %parallel_loop3A_316 = vector.broadcast %parallel_loop3A_315 : i32 to vector<16xi32>
      %parallel_loop3A_317 = arith.addi %parallel_loop3A_277, %parallel_loop3A_316 : vector<16xi32>
      %parallel_loop3A_318 = tpu.vector_load_idx %arg5[%parallel_loop3A_317] : memref<1536xf32, #tpu.memory_space<vmem>>[vector<16xi32>], vector<16xf32>,
      %parallel_loop3A_319 = arith.constant 95 : i32
      %parallel_loop3A_320 = arith.index_cast %parallel_loop3A_319 : i32 to index
      %parallel_loop3A_321 = arith.index_cast %parallel_loop3A_126 : i32 to index
      %parallel_loop3A_322 = tpu.vector_load %arg7[%parallel_loop3A_320, %parallel_loop3A_321] {strides = array<i32>} : memref<96x512xf32, #tpu.memory_space<vmem>>, vector<16xf32>,
      tpu.vector_store %arg7[%parallel_loop3A_320, %parallel_loop3A_321], %parallel_loop3A_318 {strides = array<i32>} : memref<96x512xf32, #tpu.memory_space<vmem>>, vector<16xf32>,
    } {sc.loop_unroll_factor = 8 : i64, sc.parallel_access}
    %dma_start3A_57 = arith.constant 72 : i32
    %dma_start3A_58 = arith.constant 0 : i32
    %dma_start3A_59 = tpu.memref_slice %arg7[%dma_start3A_57, %dma_start3A_58] : memref<96x512xf32, #tpu.memory_space<vmem>> -> memref<24x512xf32, #tpu.memory_space<vmem>>
    %dma_start3A_60 = arith.constant 72 : i32
    %dma_start3A_61 = arith.constant 0 : i32
    %dma_start3A_62 = tpu.memref_slice %arg4[%add3A, %dma_start3A_60, %dma_start3A_61] : memref<32x96x512xf32, #tpu.memory_space<hbm>> -> memref<1x24x512xf32, #tpu.memory_space<hbm>>
    %dma_start3A_63 = tpu.memref_squeeze %dma_start3A_62 : memref<1x24x512xf32, #tpu.memory_space<hbm>> -> memref<24x512xf32, #tpu.memory_space<hbm>>
    %dma_start3A_64 = arith.constant 72 : i32
    %dma_start3A_65 = arith.constant 0 : i32
    %dma_start3A_66 = tpu.memref_slice %arg4[%add3A, %dma_start3A_64, %dma_start3A_65] : memref<32x96x512xf32, #tpu.memory_space<hbm>> -> memref<1x24x512xf32, #tpu.memory_space<hbm>>
    %dma_start3A_67 = tpu.memref_squeeze %dma_start3A_66 : memref<1x24x512xf32, #tpu.memory_space<hbm>> -> memref<24x512xf32, #tpu.memory_space<hbm>>
    %dma_start3A_68 = arith.constant 72 : i32
    %dma_start3A_69 = arith.constant 0 : i32
    %dma_start3A_70 = tpu.memref_slice %arg7[%dma_start3A_68, %dma_start3A_69] : memref<96x512xf32, #tpu.memory_space<vmem>> -> memref<24x512xf32, #tpu.memory_space<vmem>>
    tpu.enqueue_dma source(%dma_start3A_70 : memref<24x512xf32, #tpu.memory_space<vmem>>) target(%dma_start3A_67 : memref<24x512xf32, #tpu.memory_space<hbm>>) target_semaphore(%arg8 : memref<!tpu.dma_semaphore, #tpu.memory_space<semaphore_mem>>)
    %dma_wait3A = arith.constant 0 : i32
    %dma_wait3A_71 = arith.constant 0 : i32
    %dma_wait3A_72 = tpu.memref_slice %arg7[%dma_wait3A, %dma_wait3A_71] : memref<96x512xf32, #tpu.memory_space<vmem>> -> memref<24x512xf32, #tpu.memory_space<vmem>>
    %dma_wait3A_73 = arith.constant 0 : i32
    %dma_wait3A_74 = arith.constant 0 : i32
    %dma_wait3A_75 = tpu.memref_slice %arg4[%add3A, %dma_wait3A_73, %dma_wait3A_74] : memref<32x96x512xf32, #tpu.memory_space<hbm>> -> memref<1x24x512xf32, #tpu.memory_space<hbm>>
    %dma_wait3A_76 = tpu.memref_squeeze %dma_wait3A_75 : memref<1x24x512xf32, #tpu.memory_space<hbm>> -> memref<24x512xf32, #tpu.memory_space<hbm>>
    %dma_wait3A_77 = arith.constant 0 : i32
    %dma_wait3A_78 = arith.constant 0 : i32
    %dma_wait3A_79 = tpu.memref_slice %arg4[%add3A, %dma_wait3A_77, %dma_wait3A_78] : memref<32x96x512xf32, #tpu.memory_space<hbm>> -> memref<1x24x512xf32, #tpu.memory_space<hbm>>
    %dma_wait3A_80 = tpu.memref_squeeze %dma_wait3A_79 : memref<1x24x512xf32, #tpu.memory_space<hbm>> -> memref<24x512xf32, #tpu.memory_space<hbm>>
    %dma_wait3A_81 = arith.constant 0 : i32
    %dma_wait3A_82 = arith.constant 0 : i32
    %dma_wait3A_83 = tpu.memref_slice %arg7[%dma_wait3A_81, %dma_wait3A_82] : memref<96x512xf32, #tpu.memory_space<vmem>> -> memref<24x512xf32, #tpu.memory_space<vmem>>
    tpu.wait_dma2 semaphore(%arg8 : memref<!tpu.dma_semaphore, #tpu.memory_space<semaphore_mem>>) src(%dma_wait3A_83 : memref<24x512xf32, #tpu.memory_space<vmem>>) dst(%dma_wait3A_80 : memref<24x512xf32, #tpu.memory_space<hbm>>)
    %dma_wait3A_84 = arith.constant 24 : i32
    %dma_wait3A_85 = arith.constant 0 : i32
    %dma_wait3A_86 = tpu.memref_slice %arg7[%dma_wait3A_84, %dma_wait3A_85] : memref<96x512xf32, #tpu.memory_space<vmem>> -> memref<24x512xf32, #tpu.memory_space<vmem>>
    %dma_wait3A_87 = arith.constant 24 : i32
    %dma_wait3A_88 = arith.constant 0 : i32
    %dma_wait3A_89 = tpu.memref_slice %arg4[%add3A, %dma_wait3A_87, %dma_wait3A_88] : memref<32x96x512xf32, #tpu.memory_space<hbm>> -> memref<1x24x512xf32, #tpu.memory_space<hbm>>
    %dma_wait3A_90 = tpu.memref_squeeze %dma_wait3A_89 : memref<1x24x512xf32, #tpu.memory_space<hbm>> -> memref<24x512xf32, #tpu.memory_space<hbm>>
    %dma_wait3A_91 = arith.constant 24 : i32
    %dma_wait3A_92 = arith.constant 0 : i32
    %dma_wait3A_93 = tpu.memref_slice %arg4[%add3A, %dma_wait3A_91, %dma_wait3A_92] : memref<32x96x512xf32, #tpu.memory_space<hbm>> -> memref<1x24x512xf32, #tpu.memory_space<hbm>>
    %dma_wait3A_94 = tpu.memref_squeeze %dma_wait3A_93 : memref<1x24x512xf32, #tpu.memory_space<hbm>> -> memref<24x512xf32, #tpu.memory_space<hbm>>
    %dma_wait3A_95 = arith.constant 24 : i32
    %dma_wait3A_96 = arith.constant 0 : i32
    %dma_wait3A_97 = tpu.memref_slice %arg7[%dma_wait3A_95, %dma_wait3A_96] : memref<96x512xf32, #tpu.memory_space<vmem>> -> memref<24x512xf32, #tpu.memory_space<vmem>>
    tpu.wait_dma2 semaphore(%arg8 : memref<!tpu.dma_semaphore, #tpu.memory_space<semaphore_mem>>) src(%dma_wait3A_97 : memref<24x512xf32, #tpu.memory_space<vmem>>) dst(%dma_wait3A_94 : memref<24x512xf32, #tpu.memory_space<hbm>>)
    %dma_wait3A_98 = arith.constant 48 : i32
    %dma_wait3A_99 = arith.constant 0 : i32
    %dma_wait3A_100 = tpu.memref_slice %arg7[%dma_wait3A_98, %dma_wait3A_99] : memref<96x512xf32, #tpu.memory_space<vmem>> -> memref<24x512xf32, #tpu.memory_space<vmem>>
    %dma_wait3A_101 = arith.constant 48 : i32
    %dma_wait3A_102 = arith.constant 0 : i32
    %dma_wait3A_103 = tpu.memref_slice %arg4[%add3A, %dma_wait3A_101, %dma_wait3A_102] : memref<32x96x512xf32, #tpu.memory_space<hbm>> -> memref<1x24x512xf32, #tpu.memory_space<hbm>>
    %dma_wait3A_104 = tpu.memref_squeeze %dma_wait3A_103 : memref<1x24x512xf32, #tpu.memory_space<hbm>> -> memref<24x512xf32, #tpu.memory_space<hbm>>
    %dma_wait3A_105 = arith.constant 48 : i32
    %dma_wait3A_106 = arith.constant 0 : i32
    %dma_wait3A_107 = tpu.memref_slice %arg4[%add3A, %dma_wait3A_105, %dma_wait3A_106] : memref<32x96x512xf32, #tpu.memory_space<hbm>> -> memref<1x24x512xf32, #tpu.memory_space<hbm>>
    %dma_wait3A_108 = tpu.memref_squeeze %dma_wait3A_107 : memref<1x24x512xf32, #tpu.memory_space<hbm>> -> memref<24x512xf32, #tpu.memory_space<hbm>>
    %dma_wait3A_109 = arith.constant 48 : i32
    %dma_wait3A_110 = arith.constant 0 : i32
    %dma_wait3A_111 = tpu.memref_slice %arg7[%dma_wait3A_109, %dma_wait3A_110] : memref<96x512xf32, #tpu.memory_space<vmem>> -> memref<24x512xf32, #tpu.memory_space<vmem>>
    tpu.wait_dma2 semaphore(%arg8 : memref<!tpu.dma_semaphore, #tpu.memory_space<semaphore_mem>>) src(%dma_wait3A_111 : memref<24x512xf32, #tpu.memory_space<vmem>>) dst(%dma_wait3A_108 : memref<24x512xf32, #tpu.memory_space<hbm>>)
    %dma_wait3A_112 = arith.constant 72 : i32
    %dma_wait3A_113 = arith.constant 0 : i32
    %dma_wait3A_114 = tpu.memref_slice %arg7[%dma_wait3A_112, %dma_wait3A_113] : memref<96x512xf32, #tpu.memory_space<vmem>> -> memref<24x512xf32, #tpu.memory_space<vmem>>
    %dma_wait3A_115 = arith.constant 72 : i32
    %dma_wait3A_116 = arith.constant 0 : i32
    %dma_wait3A_117 = tpu.memref_slice %arg4[%add3A, %dma_wait3A_115, %dma_wait3A_116] : memref<32x96x512xf32, #tpu.memory_space<hbm>> -> memref<1x24x512xf32, #tpu.memory_space<hbm>>
    %dma_wait3A_118 = tpu.memref_squeeze %dma_wait3A_117 : memref<1x24x512xf32, #tpu.memory_space<hbm>> -> memref<24x512xf32, #tpu.memory_space<hbm>>
    %dma_wait3A_119 = arith.constant 72 : i32
    %dma_wait3A_120 = arith.constant 0 : i32
    %dma_wait3A_121 = tpu.memref_slice %arg4[%add3A, %dma_wait3A_119, %dma_wait3A_120] : memref<32x96x512xf32, #tpu.memory_space<hbm>> -> memref<1x24x512xf32, #tpu.memory_space<hbm>>
    %dma_wait3A_122 = tpu.memref_squeeze %dma_wait3A_121 : memref<1x24x512xf32, #tpu.memory_space<hbm>> -> memref<24x512xf32, #tpu.memory_space<hbm>>
    %dma_wait3A_123 = arith.constant 72 : i32
    %dma_wait3A_124 = arith.constant 0 : i32
    %dma_wait3A_125 = tpu.memref_slice %arg7[%dma_wait3A_123, %dma_wait3A_124] : memref<96x512xf32, #tpu.memory_space<vmem>> -> memref<24x512xf32, #tpu.memory_space<vmem>>
    tpu.wait_dma2 semaphore(%arg8 : memref<!tpu.dma_semaphore, #tpu.memory_space<semaphore_mem>>) src(%dma_wait3A_125 : memref<24x512xf32, #tpu.memory_space<vmem>>) dst(%dma_wait3A_122 : memref<24x512xf32, #tpu.memory_space<hbm>>)
    return
  }
}

module attributes {stable_mosaic.version = 14 : i64} {
  func.func @_mlp_body(%arg0: i32, %arg1: memref<16x96x512xf32, #tpu.memory_space<vmem>>, %arg2: memref<96x64xbf16, #tpu.memory_space<vmem>>, %arg3: memref<1x64xf32, #tpu.memory_space<vmem>>, %arg4: memref<64x256xbf16, #tpu.memory_space<vmem>>, %arg5: memref<1x256xf32, #tpu.memory_space<vmem>>, %arg6: memref<8192x256xf32, #tpu.memory_space<vmem>>) attributes {dimension_semantics = [#tpu.dimension_semantics<arbitrary>], iteration_bounds = array<i64: 2>, scalar_prefetch = 0 : i64, scratch_operands = 0 : i64, tpu.core_type = #tpu.core_type<tc>, window_params = [{transform_indices = @transform_0, window_bounds = array<i64: 16, 96, 512>}, {pipeline_mode = #tpu.pipeline_mode<synchronous>, transform_indices = @transform_1, window_bounds = array<i64: 96, 64>}, {pipeline_mode = #tpu.pipeline_mode<synchronous>, transform_indices = @transform_2, window_bounds = array<i64: 1, 64>}, {pipeline_mode = #tpu.pipeline_mode<synchronous>, transform_indices = @transform_3, window_bounds = array<i64: 64, 256>}, {pipeline_mode = #tpu.pipeline_mode<synchronous>, transform_indices = @transform_4, window_bounds = array<i64: 1, 256>}, {transform_indices = @transform_5, window_bounds = array<i64: 8192, 256>}]} {
    %get3A = arith.constant 0 : index
    %get3A_0 = arith.constant 0 : index
    %get3A_1 = arith.constant 0 : index
    %get3A_2 = vector.load %arg1[%get3A, %get3A_0, %get3A_1] : memref<16x96x512xf32, #tpu.memory_space<vmem>>, vector<1x96x512xf32>
    %get3A_3 = vector.shape_cast %get3A_2 : vector<1x96x512xf32> to vector<96x512xf32>
    %convert_element_type3A = arith.truncf %get3A_3 : vector<96x512xf32> to vector<96x512xbf16>
    %get3A_4 = arith.constant 0 : index
    %get3A_5 = arith.constant 0 : index
    %get3A_6 = vector.load %arg2[%get3A_4, %get3A_5] : memref<96x64xbf16, #tpu.memory_space<vmem>>, vector<96x64xbf16>
    %dot_general3A = arith.constant dense<0.000000e+00> : vector<512x64xf32>
    %dot_general3A_7 = tpu.matmul %convert_element_type3A, %get3A_6, %dot_general3A {dimension_numbers = #tpu.dot_dimension_numbers<[0], [0], [1], [1], [0, 1, 1, 1], [], []>, transpose_lhs_hint = false} : vector<96x512xbf16>, vector<96x64xbf16>, vector<512x64xf32> -> vector<512x64xf32>
    %get3A_8 = arith.constant 0 : index
    %get3A_9 = arith.constant 0 : index
    %get3A_10 = vector.load %arg3[%get3A_8, %get3A_9] : memref<1x64xf32, #tpu.memory_space<vmem>>, vector<1x64xf32>
    %add3A = vector.broadcast %get3A_10 : vector<1x64xf32> to vector<512x64xf32>
    %add3A_11 = arith.addf %dot_general3A_7, %add3A : vector<512x64xf32>
    %max3A = arith.constant 0.000000e+00 : f32
    %max3A_12 = vector.broadcast %max3A : f32 to vector<512x64xf32>
    %max3A_13 = arith.maximumf %add3A_11, %max3A_12 : vector<512x64xf32>
    %convert_element_type3A_14 = arith.truncf %max3A_13 : vector<512x64xf32> to vector<512x64xbf16>
    %get3A_15 = arith.constant 0 : index
    %get3A_16 = arith.constant 0 : index
    %get3A_17 = vector.load %arg4[%get3A_15, %get3A_16] : memref<64x256xbf16, #tpu.memory_space<vmem>>, vector<64x256xbf16>
    %dot_general3A_18 = arith.constant dense<0.000000e+00> : vector<512x256xf32>
    %dot_general3A_19 = tpu.matmul %convert_element_type3A_14, %get3A_17, %dot_general3A_18 {dimension_numbers = #tpu.dot_dimension_numbers<[1], [0], [0], [1], [0, 0, 1, 1], [], []>, transpose_lhs_hint = false} : vector<512x64xbf16>, vector<64x256xbf16>, vector<512x256xf32> -> vector<512x256xf32>
    %get3A_20 = arith.constant 0 : index
    %get3A_21 = arith.constant 0 : index
    %get3A_22 = vector.load %arg5[%get3A_20, %get3A_21] : memref<1x256xf32, #tpu.memory_space<vmem>>, vector<1x256xf32>
    %add3A_23 = vector.broadcast %get3A_22 : vector<1x256xf32> to vector<512x256xf32>
    %add3A_24 = arith.addf %dot_general3A_19, %add3A_23 : vector<512x256xf32>
    %swap3A = arith.constant 0 : index
    %swap3A_25 = arith.constant 0 : index
    %swap3A_26 = vector.load %arg6[%swap3A, %swap3A_25] : memref<8192x256xf32, #tpu.memory_space<vmem>>, vector<512x256xf32>
    tpu.vector_store %arg6[%swap3A, %swap3A_25], %add3A_24 {strides = array<i32>} : memref<8192x256xf32, #tpu.memory_space<vmem>>, vector<512x256xf32>,
    %get3A_27 = arith.constant 1 : index
    %get3A_28 = arith.constant 0 : index
    %get3A_29 = arith.constant 0 : index
    %get3A_30 = vector.load %arg1[%get3A_27, %get3A_28, %get3A_29] : memref<16x96x512xf32, #tpu.memory_space<vmem>>, vector<1x96x512xf32>
    %get3A_31 = vector.shape_cast %get3A_30 : vector<1x96x512xf32> to vector<96x512xf32>
    %convert_element_type3A_32 = arith.truncf %get3A_31 : vector<96x512xf32> to vector<96x512xbf16>
    %get3A_33 = arith.constant 0 : index
    %get3A_34 = arith.constant 0 : index
    %get3A_35 = vector.load %arg2[%get3A_33, %get3A_34] : memref<96x64xbf16, #tpu.memory_space<vmem>>, vector<96x64xbf16>
    %dot_general3A_36 = arith.constant dense<0.000000e+00> : vector<512x64xf32>
    %dot_general3A_37 = tpu.matmul %convert_element_type3A_32, %get3A_35, %dot_general3A_36 {dimension_numbers = #tpu.dot_dimension_numbers<[0], [0], [1], [1], [0, 1, 1, 1], [], []>, transpose_lhs_hint = false} : vector<96x512xbf16>, vector<96x64xbf16>, vector<512x64xf32> -> vector<512x64xf32>
    %get3A_38 = arith.constant 0 : index
    %get3A_39 = arith.constant 0 : index
    %get3A_40 = vector.load %arg3[%get3A_38, %get3A_39] : memref<1x64xf32, #tpu.memory_space<vmem>>, vector<1x64xf32>
    %add3A_41 = vector.broadcast %get3A_40 : vector<1x64xf32> to vector<512x64xf32>
    %add3A_42 = arith.addf %dot_general3A_37, %add3A_41 : vector<512x64xf32>
    %max3A_43 = arith.constant 0.000000e+00 : f32
    %max3A_44 = vector.broadcast %max3A_43 : f32 to vector<512x64xf32>
    %max3A_45 = arith.maximumf %add3A_42, %max3A_44 : vector<512x64xf32>
    %convert_element_type3A_46 = arith.truncf %max3A_45 : vector<512x64xf32> to vector<512x64xbf16>
    %get3A_47 = arith.constant 0 : index
    %get3A_48 = arith.constant 0 : index
    %get3A_49 = vector.load %arg4[%get3A_47, %get3A_48] : memref<64x256xbf16, #tpu.memory_space<vmem>>, vector<64x256xbf16>
    %dot_general3A_50 = arith.constant dense<0.000000e+00> : vector<512x256xf32>
    %dot_general3A_51 = tpu.matmul %convert_element_type3A_46, %get3A_49, %dot_general3A_50 {dimension_numbers = #tpu.dot_dimension_numbers<[1], [0], [0], [1], [0, 0, 1, 1], [], []>, transpose_lhs_hint = false} : vector<512x64xbf16>, vector<64x256xbf16>, vector<512x256xf32> -> vector<512x256xf32>
    %get3A_52 = arith.constant 0 : index
    %get3A_53 = arith.constant 0 : index
    %get3A_54 = vector.load %arg5[%get3A_52, %get3A_53] : memref<1x256xf32, #tpu.memory_space<vmem>>, vector<1x256xf32>
    %add3A_55 = vector.broadcast %get3A_54 : vector<1x256xf32> to vector<512x256xf32>
    %add3A_56 = arith.addf %dot_general3A_51, %add3A_55 : vector<512x256xf32>
    %swap3A_57 = arith.constant 512 : index
    %swap3A_58 = arith.constant 0 : index
    %swap3A_59 = vector.load %arg6[%swap3A_57, %swap3A_58] : memref<8192x256xf32, #tpu.memory_space<vmem>>, vector<512x256xf32>
    tpu.vector_store %arg6[%swap3A_57, %swap3A_58], %add3A_56 {strides = array<i32>} : memref<8192x256xf32, #tpu.memory_space<vmem>>, vector<512x256xf32>,
    %get3A_60 = arith.constant 2 : index
    %get3A_61 = arith.constant 0 : index
    %get3A_62 = arith.constant 0 : index
    %get3A_63 = vector.load %arg1[%get3A_60, %get3A_61, %get3A_62] : memref<16x96x512xf32, #tpu.memory_space<vmem>>, vector<1x96x512xf32>
    %get3A_64 = vector.shape_cast %get3A_63 : vector<1x96x512xf32> to vector<96x512xf32>
    %convert_element_type3A_65 = arith.truncf %get3A_64 : vector<96x512xf32> to vector<96x512xbf16>
    %get3A_66 = arith.constant 0 : index
    %get3A_67 = arith.constant 0 : index
    %get3A_68 = vector.load %arg2[%get3A_66, %get3A_67] : memref<96x64xbf16, #tpu.memory_space<vmem>>, vector<96x64xbf16>
    %dot_general3A_69 = arith.constant dense<0.000000e+00> : vector<512x64xf32>
    %dot_general3A_70 = tpu.matmul %convert_element_type3A_65, %get3A_68, %dot_general3A_69 {dimension_numbers = #tpu.dot_dimension_numbers<[0], [0], [1], [1], [0, 1, 1, 1], [], []>, transpose_lhs_hint = false} : vector<96x512xbf16>, vector<96x64xbf16>, vector<512x64xf32> -> vector<512x64xf32>
    %get3A_71 = arith.constant 0 : index
    %get3A_72 = arith.constant 0 : index
    %get3A_73 = vector.load %arg3[%get3A_71, %get3A_72] : memref<1x64xf32, #tpu.memory_space<vmem>>, vector<1x64xf32>
    %add3A_74 = vector.broadcast %get3A_73 : vector<1x64xf32> to vector<512x64xf32>
    %add3A_75 = arith.addf %dot_general3A_70, %add3A_74 : vector<512x64xf32>
    %max3A_76 = arith.constant 0.000000e+00 : f32
    %max3A_77 = vector.broadcast %max3A_76 : f32 to vector<512x64xf32>
    %max3A_78 = arith.maximumf %add3A_75, %max3A_77 : vector<512x64xf32>
    %convert_element_type3A_79 = arith.truncf %max3A_78 : vector<512x64xf32> to vector<512x64xbf16>
    %get3A_80 = arith.constant 0 : index
    %get3A_81 = arith.constant 0 : index
    %get3A_82 = vector.load %arg4[%get3A_80, %get3A_81] : memref<64x256xbf16, #tpu.memory_space<vmem>>, vector<64x256xbf16>
    %dot_general3A_83 = arith.constant dense<0.000000e+00> : vector<512x256xf32>
    %dot_general3A_84 = tpu.matmul %convert_element_type3A_79, %get3A_82, %dot_general3A_83 {dimension_numbers = #tpu.dot_dimension_numbers<[1], [0], [0], [1], [0, 0, 1, 1], [], []>, transpose_lhs_hint = false} : vector<512x64xbf16>, vector<64x256xbf16>, vector<512x256xf32> -> vector<512x256xf32>
    %get3A_85 = arith.constant 0 : index
    %get3A_86 = arith.constant 0 : index
    %get3A_87 = vector.load %arg5[%get3A_85, %get3A_86] : memref<1x256xf32, #tpu.memory_space<vmem>>, vector<1x256xf32>
    %add3A_88 = vector.broadcast %get3A_87 : vector<1x256xf32> to vector<512x256xf32>
    %add3A_89 = arith.addf %dot_general3A_84, %add3A_88 : vector<512x256xf32>
    %swap3A_90 = arith.constant 1024 : index
    %swap3A_91 = arith.constant 0 : index
    %swap3A_92 = vector.load %arg6[%swap3A_90, %swap3A_91] : memref<8192x256xf32, #tpu.memory_space<vmem>>, vector<512x256xf32>
    tpu.vector_store %arg6[%swap3A_90, %swap3A_91], %add3A_89 {strides = array<i32>} : memref<8192x256xf32, #tpu.memory_space<vmem>>, vector<512x256xf32>,
    %get3A_93 = arith.constant 3 : index
    %get3A_94 = arith.constant 0 : index
    %get3A_95 = arith.constant 0 : index
    %get3A_96 = vector.load %arg1[%get3A_93, %get3A_94, %get3A_95] : memref<16x96x512xf32, #tpu.memory_space<vmem>>, vector<1x96x512xf32>
    %get3A_97 = vector.shape_cast %get3A_96 : vector<1x96x512xf32> to vector<96x512xf32>
    %convert_element_type3A_98 = arith.truncf %get3A_97 : vector<96x512xf32> to vector<96x512xbf16>
    %get3A_99 = arith.constant 0 : index
    %get3A_100 = arith.constant 0 : index
    %get3A_101 = vector.load %arg2[%get3A_99, %get3A_100] : memref<96x64xbf16, #tpu.memory_space<vmem>>, vector<96x64xbf16>
    %dot_general3A_102 = arith.constant dense<0.000000e+00> : vector<512x64xf32>
    %dot_general3A_103 = tpu.matmul %convert_element_type3A_98, %get3A_101, %dot_general3A_102 {dimension_numbers = #tpu.dot_dimension_numbers<[0], [0], [1], [1], [0, 1, 1, 1], [], []>, transpose_lhs_hint = false} : vector<96x512xbf16>, vector<96x64xbf16>, vector<512x64xf32> -> vector<512x64xf32>
    %get3A_104 = arith.constant 0 : index
    %get3A_105 = arith.constant 0 : index
    %get3A_106 = vector.load %arg3[%get3A_104, %get3A_105] : memref<1x64xf32, #tpu.memory_space<vmem>>, vector<1x64xf32>
    %add3A_107 = vector.broadcast %get3A_106 : vector<1x64xf32> to vector<512x64xf32>
    %add3A_108 = arith.addf %dot_general3A_103, %add3A_107 : vector<512x64xf32>
    %max3A_109 = arith.constant 0.000000e+00 : f32
    %max3A_110 = vector.broadcast %max3A_109 : f32 to vector<512x64xf32>
    %max3A_111 = arith.maximumf %add3A_108, %max3A_110 : vector<512x64xf32>
    %convert_element_type3A_112 = arith.truncf %max3A_111 : vector<512x64xf32> to vector<512x64xbf16>
    %get3A_113 = arith.constant 0 : index
    %get3A_114 = arith.constant 0 : index
    %get3A_115 = vector.load %arg4[%get3A_113, %get3A_114] : memref<64x256xbf16, #tpu.memory_space<vmem>>, vector<64x256xbf16>
    %dot_general3A_116 = arith.constant dense<0.000000e+00> : vector<512x256xf32>
    %dot_general3A_117 = tpu.matmul %convert_element_type3A_112, %get3A_115, %dot_general3A_116 {dimension_numbers = #tpu.dot_dimension_numbers<[1], [0], [0], [1], [0, 0, 1, 1], [], []>, transpose_lhs_hint = false} : vector<512x64xbf16>, vector<64x256xbf16>, vector<512x256xf32> -> vector<512x256xf32>
    %get3A_118 = arith.constant 0 : index
    %get3A_119 = arith.constant 0 : index
    %get3A_120 = vector.load %arg5[%get3A_118, %get3A_119] : memref<1x256xf32, #tpu.memory_space<vmem>>, vector<1x256xf32>
    %add3A_121 = vector.broadcast %get3A_120 : vector<1x256xf32> to vector<512x256xf32>
    %add3A_122 = arith.addf %dot_general3A_117, %add3A_121 : vector<512x256xf32>
    %swap3A_123 = arith.constant 1536 : index
    %swap3A_124 = arith.constant 0 : index
    %swap3A_125 = vector.load %arg6[%swap3A_123, %swap3A_124] : memref<8192x256xf32, #tpu.memory_space<vmem>>, vector<512x256xf32>
    tpu.vector_store %arg6[%swap3A_123, %swap3A_124], %add3A_122 {strides = array<i32>} : memref<8192x256xf32, #tpu.memory_space<vmem>>, vector<512x256xf32>,
    %get3A_126 = arith.constant 4 : index
    %get3A_127 = arith.constant 0 : index
    %get3A_128 = arith.constant 0 : index
    %get3A_129 = vector.load %arg1[%get3A_126, %get3A_127, %get3A_128] : memref<16x96x512xf32, #tpu.memory_space<vmem>>, vector<1x96x512xf32>
    %get3A_130 = vector.shape_cast %get3A_129 : vector<1x96x512xf32> to vector<96x512xf32>
    %convert_element_type3A_131 = arith.truncf %get3A_130 : vector<96x512xf32> to vector<96x512xbf16>
    %get3A_132 = arith.constant 0 : index
    %get3A_133 = arith.constant 0 : index
    %get3A_134 = vector.load %arg2[%get3A_132, %get3A_133] : memref<96x64xbf16, #tpu.memory_space<vmem>>, vector<96x64xbf16>
    %dot_general3A_135 = arith.constant dense<0.000000e+00> : vector<512x64xf32>
    %dot_general3A_136 = tpu.matmul %convert_element_type3A_131, %get3A_134, %dot_general3A_135 {dimension_numbers = #tpu.dot_dimension_numbers<[0], [0], [1], [1], [0, 1, 1, 1], [], []>, transpose_lhs_hint = false} : vector<96x512xbf16>, vector<96x64xbf16>, vector<512x64xf32> -> vector<512x64xf32>
    %get3A_137 = arith.constant 0 : index
    %get3A_138 = arith.constant 0 : index
    %get3A_139 = vector.load %arg3[%get3A_137, %get3A_138] : memref<1x64xf32, #tpu.memory_space<vmem>>, vector<1x64xf32>
    %add3A_140 = vector.broadcast %get3A_139 : vector<1x64xf32> to vector<512x64xf32>
    %add3A_141 = arith.addf %dot_general3A_136, %add3A_140 : vector<512x64xf32>
    %max3A_142 = arith.constant 0.000000e+00 : f32
    %max3A_143 = vector.broadcast %max3A_142 : f32 to vector<512x64xf32>
    %max3A_144 = arith.maximumf %add3A_141, %max3A_143 : vector<512x64xf32>
    %convert_element_type3A_145 = arith.truncf %max3A_144 : vector<512x64xf32> to vector<512x64xbf16>
    %get3A_146 = arith.constant 0 : index
    %get3A_147 = arith.constant 0 : index
    %get3A_148 = vector.load %arg4[%get3A_146, %get3A_147] : memref<64x256xbf16, #tpu.memory_space<vmem>>, vector<64x256xbf16>
    %dot_general3A_149 = arith.constant dense<0.000000e+00> : vector<512x256xf32>
    %dot_general3A_150 = tpu.matmul %convert_element_type3A_145, %get3A_148, %dot_general3A_149 {dimension_numbers = #tpu.dot_dimension_numbers<[1], [0], [0], [1], [0, 0, 1, 1], [], []>, transpose_lhs_hint = false} : vector<512x64xbf16>, vector<64x256xbf16>, vector<512x256xf32> -> vector<512x256xf32>
    %get3A_151 = arith.constant 0 : index
    %get3A_152 = arith.constant 0 : index
    %get3A_153 = vector.load %arg5[%get3A_151, %get3A_152] : memref<1x256xf32, #tpu.memory_space<vmem>>, vector<1x256xf32>
    %add3A_154 = vector.broadcast %get3A_153 : vector<1x256xf32> to vector<512x256xf32>
    %add3A_155 = arith.addf %dot_general3A_150, %add3A_154 : vector<512x256xf32>
    %swap3A_156 = arith.constant 2048 : index
    %swap3A_157 = arith.constant 0 : index
    %swap3A_158 = vector.load %arg6[%swap3A_156, %swap3A_157] : memref<8192x256xf32, #tpu.memory_space<vmem>>, vector<512x256xf32>
    tpu.vector_store %arg6[%swap3A_156, %swap3A_157], %add3A_155 {strides = array<i32>} : memref<8192x256xf32, #tpu.memory_space<vmem>>, vector<512x256xf32>,
    %get3A_159 = arith.constant 5 : index
    %get3A_160 = arith.constant 0 : index
    %get3A_161 = arith.constant 0 : index
    %get3A_162 = vector.load %arg1[%get3A_159, %get3A_160, %get3A_161] : memref<16x96x512xf32, #tpu.memory_space<vmem>>, vector<1x96x512xf32>
    %get3A_163 = vector.shape_cast %get3A_162 : vector<1x96x512xf32> to vector<96x512xf32>
    %convert_element_type3A_164 = arith.truncf %get3A_163 : vector<96x512xf32> to vector<96x512xbf16>
    %get3A_165 = arith.constant 0 : index
    %get3A_166 = arith.constant 0 : index
    %get3A_167 = vector.load %arg2[%get3A_165, %get3A_166] : memref<96x64xbf16, #tpu.memory_space<vmem>>, vector<96x64xbf16>
    %dot_general3A_168 = arith.constant dense<0.000000e+00> : vector<512x64xf32>
    %dot_general3A_169 = tpu.matmul %convert_element_type3A_164, %get3A_167, %dot_general3A_168 {dimension_numbers = #tpu.dot_dimension_numbers<[0], [0], [1], [1], [0, 1, 1, 1], [], []>, transpose_lhs_hint = false} : vector<96x512xbf16>, vector<96x64xbf16>, vector<512x64xf32> -> vector<512x64xf32>
    %get3A_170 = arith.constant 0 : index
    %get3A_171 = arith.constant 0 : index
    %get3A_172 = vector.load %arg3[%get3A_170, %get3A_171] : memref<1x64xf32, #tpu.memory_space<vmem>>, vector<1x64xf32>
    %add3A_173 = vector.broadcast %get3A_172 : vector<1x64xf32> to vector<512x64xf32>
    %add3A_174 = arith.addf %dot_general3A_169, %add3A_173 : vector<512x64xf32>
    %max3A_175 = arith.constant 0.000000e+00 : f32
    %max3A_176 = vector.broadcast %max3A_175 : f32 to vector<512x64xf32>
    %max3A_177 = arith.maximumf %add3A_174, %max3A_176 : vector<512x64xf32>
    %convert_element_type3A_178 = arith.truncf %max3A_177 : vector<512x64xf32> to vector<512x64xbf16>
    %get3A_179 = arith.constant 0 : index
    %get3A_180 = arith.constant 0 : index
    %get3A_181 = vector.load %arg4[%get3A_179, %get3A_180] : memref<64x256xbf16, #tpu.memory_space<vmem>>, vector<64x256xbf16>
    %dot_general3A_182 = arith.constant dense<0.000000e+00> : vector<512x256xf32>
    %dot_general3A_183 = tpu.matmul %convert_element_type3A_178, %get3A_181, %dot_general3A_182 {dimension_numbers = #tpu.dot_dimension_numbers<[1], [0], [0], [1], [0, 0, 1, 1], [], []>, transpose_lhs_hint = false} : vector<512x64xbf16>, vector<64x256xbf16>, vector<512x256xf32> -> vector<512x256xf32>
    %get3A_184 = arith.constant 0 : index
    %get3A_185 = arith.constant 0 : index
    %get3A_186 = vector.load %arg5[%get3A_184, %get3A_185] : memref<1x256xf32, #tpu.memory_space<vmem>>, vector<1x256xf32>
    %add3A_187 = vector.broadcast %get3A_186 : vector<1x256xf32> to vector<512x256xf32>
    %add3A_188 = arith.addf %dot_general3A_183, %add3A_187 : vector<512x256xf32>
    %swap3A_189 = arith.constant 2560 : index
    %swap3A_190 = arith.constant 0 : index
    %swap3A_191 = vector.load %arg6[%swap3A_189, %swap3A_190] : memref<8192x256xf32, #tpu.memory_space<vmem>>, vector<512x256xf32>
    tpu.vector_store %arg6[%swap3A_189, %swap3A_190], %add3A_188 {strides = array<i32>} : memref<8192x256xf32, #tpu.memory_space<vmem>>, vector<512x256xf32>,
    %get3A_192 = arith.constant 6 : index
    %get3A_193 = arith.constant 0 : index
    %get3A_194 = arith.constant 0 : index
    %get3A_195 = vector.load %arg1[%get3A_192, %get3A_193, %get3A_194] : memref<16x96x512xf32, #tpu.memory_space<vmem>>, vector<1x96x512xf32>
    %get3A_196 = vector.shape_cast %get3A_195 : vector<1x96x512xf32> to vector<96x512xf32>
    %convert_element_type3A_197 = arith.truncf %get3A_196 : vector<96x512xf32> to vector<96x512xbf16>
    %get3A_198 = arith.constant 0 : index
    %get3A_199 = arith.constant 0 : index
    %get3A_200 = vector.load %arg2[%get3A_198, %get3A_199] : memref<96x64xbf16, #tpu.memory_space<vmem>>, vector<96x64xbf16>
    %dot_general3A_201 = arith.constant dense<0.000000e+00> : vector<512x64xf32>
    %dot_general3A_202 = tpu.matmul %convert_element_type3A_197, %get3A_200, %dot_general3A_201 {dimension_numbers = #tpu.dot_dimension_numbers<[0], [0], [1], [1], [0, 1, 1, 1], [], []>, transpose_lhs_hint = false} : vector<96x512xbf16>, vector<96x64xbf16>, vector<512x64xf32> -> vector<512x64xf32>
    %get3A_203 = arith.constant 0 : index
    %get3A_204 = arith.constant 0 : index
    %get3A_205 = vector.load %arg3[%get3A_203, %get3A_204] : memref<1x64xf32, #tpu.memory_space<vmem>>, vector<1x64xf32>
    %add3A_206 = vector.broadcast %get3A_205 : vector<1x64xf32> to vector<512x64xf32>
    %add3A_207 = arith.addf %dot_general3A_202, %add3A_206 : vector<512x64xf32>
    %max3A_208 = arith.constant 0.000000e+00 : f32
    %max3A_209 = vector.broadcast %max3A_208 : f32 to vector<512x64xf32>
    %max3A_210 = arith.maximumf %add3A_207, %max3A_209 : vector<512x64xf32>
    %convert_element_type3A_211 = arith.truncf %max3A_210 : vector<512x64xf32> to vector<512x64xbf16>
    %get3A_212 = arith.constant 0 : index
    %get3A_213 = arith.constant 0 : index
    %get3A_214 = vector.load %arg4[%get3A_212, %get3A_213] : memref<64x256xbf16, #tpu.memory_space<vmem>>, vector<64x256xbf16>
    %dot_general3A_215 = arith.constant dense<0.000000e+00> : vector<512x256xf32>
    %dot_general3A_216 = tpu.matmul %convert_element_type3A_211, %get3A_214, %dot_general3A_215 {dimension_numbers = #tpu.dot_dimension_numbers<[1], [0], [0], [1], [0, 0, 1, 1], [], []>, transpose_lhs_hint = false} : vector<512x64xbf16>, vector<64x256xbf16>, vector<512x256xf32> -> vector<512x256xf32>
    %get3A_217 = arith.constant 0 : index
    %get3A_218 = arith.constant 0 : index
    %get3A_219 = vector.load %arg5[%get3A_217, %get3A_218] : memref<1x256xf32, #tpu.memory_space<vmem>>, vector<1x256xf32>
    %add3A_220 = vector.broadcast %get3A_219 : vector<1x256xf32> to vector<512x256xf32>
    %add3A_221 = arith.addf %dot_general3A_216, %add3A_220 : vector<512x256xf32>
    %swap3A_222 = arith.constant 3072 : index
    %swap3A_223 = arith.constant 0 : index
    %swap3A_224 = vector.load %arg6[%swap3A_222, %swap3A_223] : memref<8192x256xf32, #tpu.memory_space<vmem>>, vector<512x256xf32>
    tpu.vector_store %arg6[%swap3A_222, %swap3A_223], %add3A_221 {strides = array<i32>} : memref<8192x256xf32, #tpu.memory_space<vmem>>, vector<512x256xf32>,
    %get3A_225 = arith.constant 7 : index
    %get3A_226 = arith.constant 0 : index
    %get3A_227 = arith.constant 0 : index
    %get3A_228 = vector.load %arg1[%get3A_225, %get3A_226, %get3A_227] : memref<16x96x512xf32, #tpu.memory_space<vmem>>, vector<1x96x512xf32>
    %get3A_229 = vector.shape_cast %get3A_228 : vector<1x96x512xf32> to vector<96x512xf32>
    %convert_element_type3A_230 = arith.truncf %get3A_229 : vector<96x512xf32> to vector<96x512xbf16>
    %get3A_231 = arith.constant 0 : index
    %get3A_232 = arith.constant 0 : index
    %get3A_233 = vector.load %arg2[%get3A_231, %get3A_232] : memref<96x64xbf16, #tpu.memory_space<vmem>>, vector<96x64xbf16>
    %dot_general3A_234 = arith.constant dense<0.000000e+00> : vector<512x64xf32>
    %dot_general3A_235 = tpu.matmul %convert_element_type3A_230, %get3A_233, %dot_general3A_234 {dimension_numbers = #tpu.dot_dimension_numbers<[0], [0], [1], [1], [0, 1, 1, 1], [], []>, transpose_lhs_hint = false} : vector<96x512xbf16>, vector<96x64xbf16>, vector<512x64xf32> -> vector<512x64xf32>
    %get3A_236 = arith.constant 0 : index
    %get3A_237 = arith.constant 0 : index
    %get3A_238 = vector.load %arg3[%get3A_236, %get3A_237] : memref<1x64xf32, #tpu.memory_space<vmem>>, vector<1x64xf32>
    %add3A_239 = vector.broadcast %get3A_238 : vector<1x64xf32> to vector<512x64xf32>
    %add3A_240 = arith.addf %dot_general3A_235, %add3A_239 : vector<512x64xf32>
    %max3A_241 = arith.constant 0.000000e+00 : f32
    %max3A_242 = vector.broadcast %max3A_241 : f32 to vector<512x64xf32>
    %max3A_243 = arith.maximumf %add3A_240, %max3A_242 : vector<512x64xf32>
    %convert_element_type3A_244 = arith.truncf %max3A_243 : vector<512x64xf32> to vector<512x64xbf16>
    %get3A_245 = arith.constant 0 : index
    %get3A_246 = arith.constant 0 : index
    %get3A_247 = vector.load %arg4[%get3A_245, %get3A_246] : memref<64x256xbf16, #tpu.memory_space<vmem>>, vector<64x256xbf16>
    %dot_general3A_248 = arith.constant dense<0.000000e+00> : vector<512x256xf32>
    %dot_general3A_249 = tpu.matmul %convert_element_type3A_244, %get3A_247, %dot_general3A_248 {dimension_numbers = #tpu.dot_dimension_numbers<[1], [0], [0], [1], [0, 0, 1, 1], [], []>, transpose_lhs_hint = false} : vector<512x64xbf16>, vector<64x256xbf16>, vector<512x256xf32> -> vector<512x256xf32>
    %get3A_250 = arith.constant 0 : index
    %get3A_251 = arith.constant 0 : index
    %get3A_252 = vector.load %arg5[%get3A_250, %get3A_251] : memref<1x256xf32, #tpu.memory_space<vmem>>, vector<1x256xf32>
    %add3A_253 = vector.broadcast %get3A_252 : vector<1x256xf32> to vector<512x256xf32>
    %add3A_254 = arith.addf %dot_general3A_249, %add3A_253 : vector<512x256xf32>
    %swap3A_255 = arith.constant 3584 : index
    %swap3A_256 = arith.constant 0 : index
    %swap3A_257 = vector.load %arg6[%swap3A_255, %swap3A_256] : memref<8192x256xf32, #tpu.memory_space<vmem>>, vector<512x256xf32>
    tpu.vector_store %arg6[%swap3A_255, %swap3A_256], %add3A_254 {strides = array<i32>} : memref<8192x256xf32, #tpu.memory_space<vmem>>, vector<512x256xf32>,
    %get3A_258 = arith.constant 8 : index
    %get3A_259 = arith.constant 0 : index
    %get3A_260 = arith.constant 0 : index
    %get3A_261 = vector.load %arg1[%get3A_258, %get3A_259, %get3A_260] : memref<16x96x512xf32, #tpu.memory_space<vmem>>, vector<1x96x512xf32>
    %get3A_262 = vector.shape_cast %get3A_261 : vector<1x96x512xf32> to vector<96x512xf32>
    %convert_element_type3A_263 = arith.truncf %get3A_262 : vector<96x512xf32> to vector<96x512xbf16>
    %get3A_264 = arith.constant 0 : index
    %get3A_265 = arith.constant 0 : index
    %get3A_266 = vector.load %arg2[%get3A_264, %get3A_265] : memref<96x64xbf16, #tpu.memory_space<vmem>>, vector<96x64xbf16>
    %dot_general3A_267 = arith.constant dense<0.000000e+00> : vector<512x64xf32>
    %dot_general3A_268 = tpu.matmul %convert_element_type3A_263, %get3A_266, %dot_general3A_267 {dimension_numbers = #tpu.dot_dimension_numbers<[0], [0], [1], [1], [0, 1, 1, 1], [], []>, transpose_lhs_hint = false} : vector<96x512xbf16>, vector<96x64xbf16>, vector<512x64xf32> -> vector<512x64xf32>
    %get3A_269 = arith.constant 0 : index
    %get3A_270 = arith.constant 0 : index
    %get3A_271 = vector.load %arg3[%get3A_269, %get3A_270] : memref<1x64xf32, #tpu.memory_space<vmem>>, vector<1x64xf32>
    %add3A_272 = vector.broadcast %get3A_271 : vector<1x64xf32> to vector<512x64xf32>
    %add3A_273 = arith.addf %dot_general3A_268, %add3A_272 : vector<512x64xf32>
    %max3A_274 = arith.constant 0.000000e+00 : f32
    %max3A_275 = vector.broadcast %max3A_274 : f32 to vector<512x64xf32>
    %max3A_276 = arith.maximumf %add3A_273, %max3A_275 : vector<512x64xf32>
    %convert_element_type3A_277 = arith.truncf %max3A_276 : vector<512x64xf32> to vector<512x64xbf16>
    %get3A_278 = arith.constant 0 : index
    %get3A_279 = arith.constant 0 : index
    %get3A_280 = vector.load %arg4[%get3A_278, %get3A_279] : memref<64x256xbf16, #tpu.memory_space<vmem>>, vector<64x256xbf16>
    %dot_general3A_281 = arith.constant dense<0.000000e+00> : vector<512x256xf32>
    %dot_general3A_282 = tpu.matmul %convert_element_type3A_277, %get3A_280, %dot_general3A_281 {dimension_numbers = #tpu.dot_dimension_numbers<[1], [0], [0], [1], [0, 0, 1, 1], [], []>, transpose_lhs_hint = false} : vector<512x64xbf16>, vector<64x256xbf16>, vector<512x256xf32> -> vector<512x256xf32>
    %get3A_283 = arith.constant 0 : index
    %get3A_284 = arith.constant 0 : index
    %get3A_285 = vector.load %arg5[%get3A_283, %get3A_284] : memref<1x256xf32, #tpu.memory_space<vmem>>, vector<1x256xf32>
    %add3A_286 = vector.broadcast %get3A_285 : vector<1x256xf32> to vector<512x256xf32>
    %add3A_287 = arith.addf %dot_general3A_282, %add3A_286 : vector<512x256xf32>
    %swap3A_288 = arith.constant 4096 : index
    %swap3A_289 = arith.constant 0 : index
    %swap3A_290 = vector.load %arg6[%swap3A_288, %swap3A_289] : memref<8192x256xf32, #tpu.memory_space<vmem>>, vector<512x256xf32>
    tpu.vector_store %arg6[%swap3A_288, %swap3A_289], %add3A_287 {strides = array<i32>} : memref<8192x256xf32, #tpu.memory_space<vmem>>, vector<512x256xf32>,
    %get3A_291 = arith.constant 9 : index
    %get3A_292 = arith.constant 0 : index
    %get3A_293 = arith.constant 0 : index
    %get3A_294 = vector.load %arg1[%get3A_291, %get3A_292, %get3A_293] : memref<16x96x512xf32, #tpu.memory_space<vmem>>, vector<1x96x512xf32>
    %get3A_295 = vector.shape_cast %get3A_294 : vector<1x96x512xf32> to vector<96x512xf32>
    %convert_element_type3A_296 = arith.truncf %get3A_295 : vector<96x512xf32> to vector<96x512xbf16>
    %get3A_297 = arith.constant 0 : index
    %get3A_298 = arith.constant 0 : index
    %get3A_299 = vector.load %arg2[%get3A_297, %get3A_298] : memref<96x64xbf16, #tpu.memory_space<vmem>>, vector<96x64xbf16>
    %dot_general3A_300 = arith.constant dense<0.000000e+00> : vector<512x64xf32>
    %dot_general3A_301 = tpu.matmul %convert_element_type3A_296, %get3A_299, %dot_general3A_300 {dimension_numbers = #tpu.dot_dimension_numbers<[0], [0], [1], [1], [0, 1, 1, 1], [], []>, transpose_lhs_hint = false} : vector<96x512xbf16>, vector<96x64xbf16>, vector<512x64xf32> -> vector<512x64xf32>
    %get3A_302 = arith.constant 0 : index
    %get3A_303 = arith.constant 0 : index
    %get3A_304 = vector.load %arg3[%get3A_302, %get3A_303] : memref<1x64xf32, #tpu.memory_space<vmem>>, vector<1x64xf32>
    %add3A_305 = vector.broadcast %get3A_304 : vector<1x64xf32> to vector<512x64xf32>
    %add3A_306 = arith.addf %dot_general3A_301, %add3A_305 : vector<512x64xf32>
    %max3A_307 = arith.constant 0.000000e+00 : f32
    %max3A_308 = vector.broadcast %max3A_307 : f32 to vector<512x64xf32>
    %max3A_309 = arith.maximumf %add3A_306, %max3A_308 : vector<512x64xf32>
    %convert_element_type3A_310 = arith.truncf %max3A_309 : vector<512x64xf32> to vector<512x64xbf16>
    %get3A_311 = arith.constant 0 : index
    %get3A_312 = arith.constant 0 : index
    %get3A_313 = vector.load %arg4[%get3A_311, %get3A_312] : memref<64x256xbf16, #tpu.memory_space<vmem>>, vector<64x256xbf16>
    %dot_general3A_314 = arith.constant dense<0.000000e+00> : vector<512x256xf32>
    %dot_general3A_315 = tpu.matmul %convert_element_type3A_310, %get3A_313, %dot_general3A_314 {dimension_numbers = #tpu.dot_dimension_numbers<[1], [0], [0], [1], [0, 0, 1, 1], [], []>, transpose_lhs_hint = false} : vector<512x64xbf16>, vector<64x256xbf16>, vector<512x256xf32> -> vector<512x256xf32>
    %get3A_316 = arith.constant 0 : index
    %get3A_317 = arith.constant 0 : index
    %get3A_318 = vector.load %arg5[%get3A_316, %get3A_317] : memref<1x256xf32, #tpu.memory_space<vmem>>, vector<1x256xf32>
    %add3A_319 = vector.broadcast %get3A_318 : vector<1x256xf32> to vector<512x256xf32>
    %add3A_320 = arith.addf %dot_general3A_315, %add3A_319 : vector<512x256xf32>
    %swap3A_321 = arith.constant 4608 : index
    %swap3A_322 = arith.constant 0 : index
    %swap3A_323 = vector.load %arg6[%swap3A_321, %swap3A_322] : memref<8192x256xf32, #tpu.memory_space<vmem>>, vector<512x256xf32>
    tpu.vector_store %arg6[%swap3A_321, %swap3A_322], %add3A_320 {strides = array<i32>} : memref<8192x256xf32, #tpu.memory_space<vmem>>, vector<512x256xf32>,
    %get3A_324 = arith.constant 10 : index
    %get3A_325 = arith.constant 0 : index
    %get3A_326 = arith.constant 0 : index
    %get3A_327 = vector.load %arg1[%get3A_324, %get3A_325, %get3A_326] : memref<16x96x512xf32, #tpu.memory_space<vmem>>, vector<1x96x512xf32>
    %get3A_328 = vector.shape_cast %get3A_327 : vector<1x96x512xf32> to vector<96x512xf32>
    %convert_element_type3A_329 = arith.truncf %get3A_328 : vector<96x512xf32> to vector<96x512xbf16>
    %get3A_330 = arith.constant 0 : index
    %get3A_331 = arith.constant 0 : index
    %get3A_332 = vector.load %arg2[%get3A_330, %get3A_331] : memref<96x64xbf16, #tpu.memory_space<vmem>>, vector<96x64xbf16>
    %dot_general3A_333 = arith.constant dense<0.000000e+00> : vector<512x64xf32>
    %dot_general3A_334 = tpu.matmul %convert_element_type3A_329, %get3A_332, %dot_general3A_333 {dimension_numbers = #tpu.dot_dimension_numbers<[0], [0], [1], [1], [0, 1, 1, 1], [], []>, transpose_lhs_hint = false} : vector<96x512xbf16>, vector<96x64xbf16>, vector<512x64xf32> -> vector<512x64xf32>
    %get3A_335 = arith.constant 0 : index
    %get3A_336 = arith.constant 0 : index
    %get3A_337 = vector.load %arg3[%get3A_335, %get3A_336] : memref<1x64xf32, #tpu.memory_space<vmem>>, vector<1x64xf32>
    %add3A_338 = vector.broadcast %get3A_337 : vector<1x64xf32> to vector<512x64xf32>
    %add3A_339 = arith.addf %dot_general3A_334, %add3A_338 : vector<512x64xf32>
    %max3A_340 = arith.constant 0.000000e+00 : f32
    %max3A_341 = vector.broadcast %max3A_340 : f32 to vector<512x64xf32>
    %max3A_342 = arith.maximumf %add3A_339, %max3A_341 : vector<512x64xf32>
    %convert_element_type3A_343 = arith.truncf %max3A_342 : vector<512x64xf32> to vector<512x64xbf16>
    %get3A_344 = arith.constant 0 : index
    %get3A_345 = arith.constant 0 : index
    %get3A_346 = vector.load %arg4[%get3A_344, %get3A_345] : memref<64x256xbf16, #tpu.memory_space<vmem>>, vector<64x256xbf16>
    %dot_general3A_347 = arith.constant dense<0.000000e+00> : vector<512x256xf32>
    %dot_general3A_348 = tpu.matmul %convert_element_type3A_343, %get3A_346, %dot_general3A_347 {dimension_numbers = #tpu.dot_dimension_numbers<[1], [0], [0], [1], [0, 0, 1, 1], [], []>, transpose_lhs_hint = false} : vector<512x64xbf16>, vector<64x256xbf16>, vector<512x256xf32> -> vector<512x256xf32>
    %get3A_349 = arith.constant 0 : index
    %get3A_350 = arith.constant 0 : index
    %get3A_351 = vector.load %arg5[%get3A_349, %get3A_350] : memref<1x256xf32, #tpu.memory_space<vmem>>, vector<1x256xf32>
    %add3A_352 = vector.broadcast %get3A_351 : vector<1x256xf32> to vector<512x256xf32>
    %add3A_353 = arith.addf %dot_general3A_348, %add3A_352 : vector<512x256xf32>
    %swap3A_354 = arith.constant 5120 : index
    %swap3A_355 = arith.constant 0 : index
    %swap3A_356 = vector.load %arg6[%swap3A_354, %swap3A_355] : memref<8192x256xf32, #tpu.memory_space<vmem>>, vector<512x256xf32>
    tpu.vector_store %arg6[%swap3A_354, %swap3A_355], %add3A_353 {strides = array<i32>} : memref<8192x256xf32, #tpu.memory_space<vmem>>, vector<512x256xf32>,
    %get3A_357 = arith.constant 11 : index
    %get3A_358 = arith.constant 0 : index
    %get3A_359 = arith.constant 0 : index
    %get3A_360 = vector.load %arg1[%get3A_357, %get3A_358, %get3A_359] : memref<16x96x512xf32, #tpu.memory_space<vmem>>, vector<1x96x512xf32>
    %get3A_361 = vector.shape_cast %get3A_360 : vector<1x96x512xf32> to vector<96x512xf32>
    %convert_element_type3A_362 = arith.truncf %get3A_361 : vector<96x512xf32> to vector<96x512xbf16>
    %get3A_363 = arith.constant 0 : index
    %get3A_364 = arith.constant 0 : index
    %get3A_365 = vector.load %arg2[%get3A_363, %get3A_364] : memref<96x64xbf16, #tpu.memory_space<vmem>>, vector<96x64xbf16>
    %dot_general3A_366 = arith.constant dense<0.000000e+00> : vector<512x64xf32>
    %dot_general3A_367 = tpu.matmul %convert_element_type3A_362, %get3A_365, %dot_general3A_366 {dimension_numbers = #tpu.dot_dimension_numbers<[0], [0], [1], [1], [0, 1, 1, 1], [], []>, transpose_lhs_hint = false} : vector<96x512xbf16>, vector<96x64xbf16>, vector<512x64xf32> -> vector<512x64xf32>
    %get3A_368 = arith.constant 0 : index
    %get3A_369 = arith.constant 0 : index
    %get3A_370 = vector.load %arg3[%get3A_368, %get3A_369] : memref<1x64xf32, #tpu.memory_space<vmem>>, vector<1x64xf32>
    %add3A_371 = vector.broadcast %get3A_370 : vector<1x64xf32> to vector<512x64xf32>
    %add3A_372 = arith.addf %dot_general3A_367, %add3A_371 : vector<512x64xf32>
    %max3A_373 = arith.constant 0.000000e+00 : f32
    %max3A_374 = vector.broadcast %max3A_373 : f32 to vector<512x64xf32>
    %max3A_375 = arith.maximumf %add3A_372, %max3A_374 : vector<512x64xf32>
    %convert_element_type3A_376 = arith.truncf %max3A_375 : vector<512x64xf32> to vector<512x64xbf16>
    %get3A_377 = arith.constant 0 : index
    %get3A_378 = arith.constant 0 : index
    %get3A_379 = vector.load %arg4[%get3A_377, %get3A_378] : memref<64x256xbf16, #tpu.memory_space<vmem>>, vector<64x256xbf16>
    %dot_general3A_380 = arith.constant dense<0.000000e+00> : vector<512x256xf32>
    %dot_general3A_381 = tpu.matmul %convert_element_type3A_376, %get3A_379, %dot_general3A_380 {dimension_numbers = #tpu.dot_dimension_numbers<[1], [0], [0], [1], [0, 0, 1, 1], [], []>, transpose_lhs_hint = false} : vector<512x64xbf16>, vector<64x256xbf16>, vector<512x256xf32> -> vector<512x256xf32>
    %get3A_382 = arith.constant 0 : index
    %get3A_383 = arith.constant 0 : index
    %get3A_384 = vector.load %arg5[%get3A_382, %get3A_383] : memref<1x256xf32, #tpu.memory_space<vmem>>, vector<1x256xf32>
    %add3A_385 = vector.broadcast %get3A_384 : vector<1x256xf32> to vector<512x256xf32>
    %add3A_386 = arith.addf %dot_general3A_381, %add3A_385 : vector<512x256xf32>
    %swap3A_387 = arith.constant 5632 : index
    %swap3A_388 = arith.constant 0 : index
    %swap3A_389 = vector.load %arg6[%swap3A_387, %swap3A_388] : memref<8192x256xf32, #tpu.memory_space<vmem>>, vector<512x256xf32>
    tpu.vector_store %arg6[%swap3A_387, %swap3A_388], %add3A_386 {strides = array<i32>} : memref<8192x256xf32, #tpu.memory_space<vmem>>, vector<512x256xf32>,
    %get3A_390 = arith.constant 12 : index
    %get3A_391 = arith.constant 0 : index
    %get3A_392 = arith.constant 0 : index
    %get3A_393 = vector.load %arg1[%get3A_390, %get3A_391, %get3A_392] : memref<16x96x512xf32, #tpu.memory_space<vmem>>, vector<1x96x512xf32>
    %get3A_394 = vector.shape_cast %get3A_393 : vector<1x96x512xf32> to vector<96x512xf32>
    %convert_element_type3A_395 = arith.truncf %get3A_394 : vector<96x512xf32> to vector<96x512xbf16>
    %get3A_396 = arith.constant 0 : index
    %get3A_397 = arith.constant 0 : index
    %get3A_398 = vector.load %arg2[%get3A_396, %get3A_397] : memref<96x64xbf16, #tpu.memory_space<vmem>>, vector<96x64xbf16>
    %dot_general3A_399 = arith.constant dense<0.000000e+00> : vector<512x64xf32>
    %dot_general3A_400 = tpu.matmul %convert_element_type3A_395, %get3A_398, %dot_general3A_399 {dimension_numbers = #tpu.dot_dimension_numbers<[0], [0], [1], [1], [0, 1, 1, 1], [], []>, transpose_lhs_hint = false} : vector<96x512xbf16>, vector<96x64xbf16>, vector<512x64xf32> -> vector<512x64xf32>
    %get3A_401 = arith.constant 0 : index
    %get3A_402 = arith.constant 0 : index
    %get3A_403 = vector.load %arg3[%get3A_401, %get3A_402] : memref<1x64xf32, #tpu.memory_space<vmem>>, vector<1x64xf32>
    %add3A_404 = vector.broadcast %get3A_403 : vector<1x64xf32> to vector<512x64xf32>
    %add3A_405 = arith.addf %dot_general3A_400, %add3A_404 : vector<512x64xf32>
    %max3A_406 = arith.constant 0.000000e+00 : f32
    %max3A_407 = vector.broadcast %max3A_406 : f32 to vector<512x64xf32>
    %max3A_408 = arith.maximumf %add3A_405, %max3A_407 : vector<512x64xf32>
    %convert_element_type3A_409 = arith.truncf %max3A_408 : vector<512x64xf32> to vector<512x64xbf16>
    %get3A_410 = arith.constant 0 : index
    %get3A_411 = arith.constant 0 : index
    %get3A_412 = vector.load %arg4[%get3A_410, %get3A_411] : memref<64x256xbf16, #tpu.memory_space<vmem>>, vector<64x256xbf16>
    %dot_general3A_413 = arith.constant dense<0.000000e+00> : vector<512x256xf32>
    %dot_general3A_414 = tpu.matmul %convert_element_type3A_409, %get3A_412, %dot_general3A_413 {dimension_numbers = #tpu.dot_dimension_numbers<[1], [0], [0], [1], [0, 0, 1, 1], [], []>, transpose_lhs_hint = false} : vector<512x64xbf16>, vector<64x256xbf16>, vector<512x256xf32> -> vector<512x256xf32>
    %get3A_415 = arith.constant 0 : index
    %get3A_416 = arith.constant 0 : index
    %get3A_417 = vector.load %arg5[%get3A_415, %get3A_416] : memref<1x256xf32, #tpu.memory_space<vmem>>, vector<1x256xf32>
    %add3A_418 = vector.broadcast %get3A_417 : vector<1x256xf32> to vector<512x256xf32>
    %add3A_419 = arith.addf %dot_general3A_414, %add3A_418 : vector<512x256xf32>
    %swap3A_420 = arith.constant 6144 : index
    %swap3A_421 = arith.constant 0 : index
    %swap3A_422 = vector.load %arg6[%swap3A_420, %swap3A_421] : memref<8192x256xf32, #tpu.memory_space<vmem>>, vector<512x256xf32>
    tpu.vector_store %arg6[%swap3A_420, %swap3A_421], %add3A_419 {strides = array<i32>} : memref<8192x256xf32, #tpu.memory_space<vmem>>, vector<512x256xf32>,
    %get3A_423 = arith.constant 13 : index
    %get3A_424 = arith.constant 0 : index
    %get3A_425 = arith.constant 0 : index
    %get3A_426 = vector.load %arg1[%get3A_423, %get3A_424, %get3A_425] : memref<16x96x512xf32, #tpu.memory_space<vmem>>, vector<1x96x512xf32>
    %get3A_427 = vector.shape_cast %get3A_426 : vector<1x96x512xf32> to vector<96x512xf32>
    %convert_element_type3A_428 = arith.truncf %get3A_427 : vector<96x512xf32> to vector<96x512xbf16>
    %get3A_429 = arith.constant 0 : index
    %get3A_430 = arith.constant 0 : index
    %get3A_431 = vector.load %arg2[%get3A_429, %get3A_430] : memref<96x64xbf16, #tpu.memory_space<vmem>>, vector<96x64xbf16>
    %dot_general3A_432 = arith.constant dense<0.000000e+00> : vector<512x64xf32>
    %dot_general3A_433 = tpu.matmul %convert_element_type3A_428, %get3A_431, %dot_general3A_432 {dimension_numbers = #tpu.dot_dimension_numbers<[0], [0], [1], [1], [0, 1, 1, 1], [], []>, transpose_lhs_hint = false} : vector<96x512xbf16>, vector<96x64xbf16>, vector<512x64xf32> -> vector<512x64xf32>
    %get3A_434 = arith.constant 0 : index
    %get3A_435 = arith.constant 0 : index
    %get3A_436 = vector.load %arg3[%get3A_434, %get3A_435] : memref<1x64xf32, #tpu.memory_space<vmem>>, vector<1x64xf32>
    %add3A_437 = vector.broadcast %get3A_436 : vector<1x64xf32> to vector<512x64xf32>
    %add3A_438 = arith.addf %dot_general3A_433, %add3A_437 : vector<512x64xf32>
    %max3A_439 = arith.constant 0.000000e+00 : f32
    %max3A_440 = vector.broadcast %max3A_439 : f32 to vector<512x64xf32>
    %max3A_441 = arith.maximumf %add3A_438, %max3A_440 : vector<512x64xf32>
    %convert_element_type3A_442 = arith.truncf %max3A_441 : vector<512x64xf32> to vector<512x64xbf16>
    %get3A_443 = arith.constant 0 : index
    %get3A_444 = arith.constant 0 : index
    %get3A_445 = vector.load %arg4[%get3A_443, %get3A_444] : memref<64x256xbf16, #tpu.memory_space<vmem>>, vector<64x256xbf16>
    %dot_general3A_446 = arith.constant dense<0.000000e+00> : vector<512x256xf32>
    %dot_general3A_447 = tpu.matmul %convert_element_type3A_442, %get3A_445, %dot_general3A_446 {dimension_numbers = #tpu.dot_dimension_numbers<[1], [0], [0], [1], [0, 0, 1, 1], [], []>, transpose_lhs_hint = false} : vector<512x64xbf16>, vector<64x256xbf16>, vector<512x256xf32> -> vector<512x256xf32>
    %get3A_448 = arith.constant 0 : index
    %get3A_449 = arith.constant 0 : index
    %get3A_450 = vector.load %arg5[%get3A_448, %get3A_449] : memref<1x256xf32, #tpu.memory_space<vmem>>, vector<1x256xf32>
    %add3A_451 = vector.broadcast %get3A_450 : vector<1x256xf32> to vector<512x256xf32>
    %add3A_452 = arith.addf %dot_general3A_447, %add3A_451 : vector<512x256xf32>
    %swap3A_453 = arith.constant 6656 : index
    %swap3A_454 = arith.constant 0 : index
    %swap3A_455 = vector.load %arg6[%swap3A_453, %swap3A_454] : memref<8192x256xf32, #tpu.memory_space<vmem>>, vector<512x256xf32>
    tpu.vector_store %arg6[%swap3A_453, %swap3A_454], %add3A_452 {strides = array<i32>} : memref<8192x256xf32, #tpu.memory_space<vmem>>, vector<512x256xf32>,
    %get3A_456 = arith.constant 14 : index
    %get3A_457 = arith.constant 0 : index
    %get3A_458 = arith.constant 0 : index
    %get3A_459 = vector.load %arg1[%get3A_456, %get3A_457, %get3A_458] : memref<16x96x512xf32, #tpu.memory_space<vmem>>, vector<1x96x512xf32>
    %get3A_460 = vector.shape_cast %get3A_459 : vector<1x96x512xf32> to vector<96x512xf32>
    %convert_element_type3A_461 = arith.truncf %get3A_460 : vector<96x512xf32> to vector<96x512xbf16>
    %get3A_462 = arith.constant 0 : index
    %get3A_463 = arith.constant 0 : index
    %get3A_464 = vector.load %arg2[%get3A_462, %get3A_463] : memref<96x64xbf16, #tpu.memory_space<vmem>>, vector<96x64xbf16>
    %dot_general3A_465 = arith.constant dense<0.000000e+00> : vector<512x64xf32>
    %dot_general3A_466 = tpu.matmul %convert_element_type3A_461, %get3A_464, %dot_general3A_465 {dimension_numbers = #tpu.dot_dimension_numbers<[0], [0], [1], [1], [0, 1, 1, 1], [], []>, transpose_lhs_hint = false} : vector<96x512xbf16>, vector<96x64xbf16>, vector<512x64xf32> -> vector<512x64xf32>
    %get3A_467 = arith.constant 0 : index
    %get3A_468 = arith.constant 0 : index
    %get3A_469 = vector.load %arg3[%get3A_467, %get3A_468] : memref<1x64xf32, #tpu.memory_space<vmem>>, vector<1x64xf32>
    %add3A_470 = vector.broadcast %get3A_469 : vector<1x64xf32> to vector<512x64xf32>
    %add3A_471 = arith.addf %dot_general3A_466, %add3A_470 : vector<512x64xf32>
    %max3A_472 = arith.constant 0.000000e+00 : f32
    %max3A_473 = vector.broadcast %max3A_472 : f32 to vector<512x64xf32>
    %max3A_474 = arith.maximumf %add3A_471, %max3A_473 : vector<512x64xf32>
    %convert_element_type3A_475 = arith.truncf %max3A_474 : vector<512x64xf32> to vector<512x64xbf16>
    %get3A_476 = arith.constant 0 : index
    %get3A_477 = arith.constant 0 : index
    %get3A_478 = vector.load %arg4[%get3A_476, %get3A_477] : memref<64x256xbf16, #tpu.memory_space<vmem>>, vector<64x256xbf16>
    %dot_general3A_479 = arith.constant dense<0.000000e+00> : vector<512x256xf32>
    %dot_general3A_480 = tpu.matmul %convert_element_type3A_475, %get3A_478, %dot_general3A_479 {dimension_numbers = #tpu.dot_dimension_numbers<[1], [0], [0], [1], [0, 0, 1, 1], [], []>, transpose_lhs_hint = false} : vector<512x64xbf16>, vector<64x256xbf16>, vector<512x256xf32> -> vector<512x256xf32>
    %get3A_481 = arith.constant 0 : index
    %get3A_482 = arith.constant 0 : index
    %get3A_483 = vector.load %arg5[%get3A_481, %get3A_482] : memref<1x256xf32, #tpu.memory_space<vmem>>, vector<1x256xf32>
    %add3A_484 = vector.broadcast %get3A_483 : vector<1x256xf32> to vector<512x256xf32>
    %add3A_485 = arith.addf %dot_general3A_480, %add3A_484 : vector<512x256xf32>
    %swap3A_486 = arith.constant 7168 : index
    %swap3A_487 = arith.constant 0 : index
    %swap3A_488 = vector.load %arg6[%swap3A_486, %swap3A_487] : memref<8192x256xf32, #tpu.memory_space<vmem>>, vector<512x256xf32>
    tpu.vector_store %arg6[%swap3A_486, %swap3A_487], %add3A_485 {strides = array<i32>} : memref<8192x256xf32, #tpu.memory_space<vmem>>, vector<512x256xf32>,
    %get3A_489 = arith.constant 15 : index
    %get3A_490 = arith.constant 0 : index
    %get3A_491 = arith.constant 0 : index
    %get3A_492 = vector.load %arg1[%get3A_489, %get3A_490, %get3A_491] : memref<16x96x512xf32, #tpu.memory_space<vmem>>, vector<1x96x512xf32>
    %get3A_493 = vector.shape_cast %get3A_492 : vector<1x96x512xf32> to vector<96x512xf32>
    %convert_element_type3A_494 = arith.truncf %get3A_493 : vector<96x512xf32> to vector<96x512xbf16>
    %get3A_495 = arith.constant 0 : index
    %get3A_496 = arith.constant 0 : index
    %get3A_497 = vector.load %arg2[%get3A_495, %get3A_496] : memref<96x64xbf16, #tpu.memory_space<vmem>>, vector<96x64xbf16>
    %dot_general3A_498 = arith.constant dense<0.000000e+00> : vector<512x64xf32>
    %dot_general3A_499 = tpu.matmul %convert_element_type3A_494, %get3A_497, %dot_general3A_498 {dimension_numbers = #tpu.dot_dimension_numbers<[0], [0], [1], [1], [0, 1, 1, 1], [], []>, transpose_lhs_hint = false} : vector<96x512xbf16>, vector<96x64xbf16>, vector<512x64xf32> -> vector<512x64xf32>
    %get3A_500 = arith.constant 0 : index
    %get3A_501 = arith.constant 0 : index
    %get3A_502 = vector.load %arg3[%get3A_500, %get3A_501] : memref<1x64xf32, #tpu.memory_space<vmem>>, vector<1x64xf32>
    %add3A_503 = vector.broadcast %get3A_502 : vector<1x64xf32> to vector<512x64xf32>
    %add3A_504 = arith.addf %dot_general3A_499, %add3A_503 : vector<512x64xf32>
    %max3A_505 = arith.constant 0.000000e+00 : f32
    %max3A_506 = vector.broadcast %max3A_505 : f32 to vector<512x64xf32>
    %max3A_507 = arith.maximumf %add3A_504, %max3A_506 : vector<512x64xf32>
    %convert_element_type3A_508 = arith.truncf %max3A_507 : vector<512x64xf32> to vector<512x64xbf16>
    %get3A_509 = arith.constant 0 : index
    %get3A_510 = arith.constant 0 : index
    %get3A_511 = vector.load %arg4[%get3A_509, %get3A_510] : memref<64x256xbf16, #tpu.memory_space<vmem>>, vector<64x256xbf16>
    %dot_general3A_512 = arith.constant dense<0.000000e+00> : vector<512x256xf32>
    %dot_general3A_513 = tpu.matmul %convert_element_type3A_508, %get3A_511, %dot_general3A_512 {dimension_numbers = #tpu.dot_dimension_numbers<[1], [0], [0], [1], [0, 0, 1, 1], [], []>, transpose_lhs_hint = false} : vector<512x64xbf16>, vector<64x256xbf16>, vector<512x256xf32> -> vector<512x256xf32>
    %get3A_514 = arith.constant 0 : index
    %get3A_515 = arith.constant 0 : index
    %get3A_516 = vector.load %arg5[%get3A_514, %get3A_515] : memref<1x256xf32, #tpu.memory_space<vmem>>, vector<1x256xf32>
    %add3A_517 = vector.broadcast %get3A_516 : vector<1x256xf32> to vector<512x256xf32>
    %add3A_518 = arith.addf %dot_general3A_513, %add3A_517 : vector<512x256xf32>
    %swap3A_519 = arith.constant 7680 : index
    %swap3A_520 = arith.constant 0 : index
    %swap3A_521 = vector.load %arg6[%swap3A_519, %swap3A_520] : memref<8192x256xf32, #tpu.memory_space<vmem>>, vector<512x256xf32>
    tpu.vector_store %arg6[%swap3A_519, %swap3A_520], %add3A_518 {strides = array<i32>} : memref<8192x256xf32, #tpu.memory_space<vmem>>, vector<512x256xf32>,
    return
  }
  func.func @transform_0(%arg0: i32) -> (i32, i32, i32) {
    %c0_i32 = arith.constant 0 : i32
    %c0_i32_0 = arith.constant 0 : i32
    %c0_i32_1 = arith.constant 0 : i32
    return %arg0, %c0_i32, %c0_i32_0 : i32, i32, i32
  }
  func.func @transform_1(%arg0: i32) -> (i32, i32) {
    %c0_i32 = arith.constant 0 : i32
    %c0_i32_0 = arith.constant 0 : i32
    %c0_i32_1 = arith.constant 0 : i32
    return %c0_i32, %c0_i32_0 : i32, i32
  }
  func.func @transform_2(%arg0: i32) -> (i32, i32) {
    %c0_i32 = arith.constant 0 : i32
    %c0_i32_0 = arith.constant 0 : i32
    %c0_i32_1 = arith.constant 0 : i32
    return %c0_i32, %c0_i32_0 : i32, i32
  }
  func.func @transform_3(%arg0: i32) -> (i32, i32) {
    %c0_i32 = arith.constant 0 : i32
    %c0_i32_0 = arith.constant 0 : i32
    %c0_i32_1 = arith.constant 0 : i32
    return %c0_i32, %c0_i32_0 : i32, i32
  }
  func.func @transform_4(%arg0: i32) -> (i32, i32) {
    %c0_i32 = arith.constant 0 : i32
    %c0_i32_0 = arith.constant 0 : i32
    %c0_i32_1 = arith.constant 0 : i32
    return %c0_i32, %c0_i32_0 : i32, i32
  }
  func.func @transform_5(%arg0: i32) -> (i32, i32) {
    %c0_i32 = arith.constant 0 : i32
    %c0_i32_0 = arith.constant 0 : i32
    return %arg0, %c0_i32 : i32, i32
  }
}

</mosaic_0001>

<sc_bundles>
// kernel: kernel.4.cloned.1.call-start
scs
__scs_entry_jumppad:
0x0: {  	(pc) =	sbr.rel $0x88, $3  }
0x1: {  	(tag) =	ssettag $0x0;
	lr =	simm.s32 $0x1  }
0x2: {  	[smem:$0x3F9B] =	sst lr;
	_ =	strace $0xD0000000  }
0x3: {  	_ = 	snop  }
0x4: {  	_ = 	snop  }
0x5: {  	_ = 	snop  }
0x6: {  	_ = 	snop  }
0x7: {  	_ = 	snop  }
__scs_overlays_trampoline_lowered:
0x8: {  	[smem:$0x3FAA] =	sst s0  }
0x9: {  	[smem:$0x3FAB] =	sst s1  }
0xa: {  	[smem:$0x3FAC] =	sst s2  }
0xb: {  	[smem:$0x3FAD] =	sst s3  }
0xc: {  	[smem:$0x3FAE] =	sst s4  }
0xd: {  	[smem:$0x3FAF] =	sst s5  }
0xe: {  	[smem:$0x3FB0] =	sst s6  }
0xf: {  	[smem:$0x3FB1] =	sst s7  }
0x10: {  	[smem:$0x3FB2] =	sst s8  }
0x11: {  	[smem:$0x3FB3] =	sst s9;
	s0 =	simm.s32 @!p0 $0x0  }
0x12: {  	s1 =	sld [smem:$0x3F99];
	s0 =	simm.s32 @p0 $0x1  }
0x13: {  	[smem:$0x3FB4] =	sst s0;
	s0 =	simm.s32 @!p1 $0x0  }
0x14: {  	s2 =	sld [smem:$0x3F98];
	s0 =	simm.s32 @p1 $0x1  }
0x15: {  	[smem:$0x3FB5] =	sst s0;
	s0 =	simm.s32 @!p2 $0x0  }
0x16: {  	s3 =	sld [smem:$0x3FDB];
	s0 =	simm.s32 @p2 $0x1  }
0x17: {  	s4 =	simm.s32 $0x1BF5;
	[smem:$0x3FB7] =	sst s0  }
0x18: {  	s0 =	sld [smem:$0x3F9A];
	_ =	swait.ge [sflag:s4], $0x0  }
0x19: {  	s7 =	sld [smem:$0x3F9B]  }
0x1a: {  	s8 =	sadd.s32 $0xFFFFE003, lr  }
0x1b: {  	s9 =	sadd.s32 $0xFFFFFEF7, lr;
	s5 =	simm.s32 $0xFFFFFFFF;
	p2 =	slt.u32 s8, $0xFFFFF086  }
0x1c: {  	p1 =	slt.u32 s9, $0xF7A;
	s5 =	simm.s32 @!p2 $0x0  }
0x1d: {  	s5 =	simm.s32 @p1 $0x1;
	p0 =	seq.s32 s7, s2  }
0x1e: {  	s7 =	smul.u32 @!p0 $0xF7A, s2;
	p2 =	seq.s32 @!p0 s5, $0x0  }
0x1f: {  	s9 =	smul.u32 $0xF7A, s1;
	s8 =	simm.s32 @!p0 $0x1BF5;
	p2 =	por !p2, p0  }
0x20: {  	[sflag:s8] =	ssyncset.s32 @!p0 $0xFFFFF086;
	s6 =	sadd.s32 @!p0 s3, s7;
	s7 =	simm.s32 @!p0 $0x108  }
0x21: {  	s3 =	sadd.s32 s3, s9;
	s6 =	sadd.s32 @!p0 $0x88, s6;
	s7 =	simm.s32 @p2 $0x1082  }
0x22: {  	[simem:s7], [sflag:s8] =	dma.local @!p0 [hbm:s6], $0xF7A  }
0x23: {  	s9 =	sor.u32 $0xD0000000, s2;
	s6 =	simm.s32 $0x108;
	_ =	swait.ge @!p0 [sflag:s8], $0x0  }
0x24: {  	s3 =	sadd.s32 $0x88, s3;
	s6 =	simm.s32 @!p1 $0x1082;
	[sflag:s4] =	ssyncset.s32 $0xFFFFF086  }
0x25: {  	[simem:s6], [sflag:s4] =	dma.local [hbm:s3], $0xF7A  }
0x26: {  	[smem:$0x3F9B] =	sst s1;
	(tag) =	ssettag s2;
	_ =	strace s9  }
0x27: {  	s1 =	sld [smem:$0x3FAB]  }
0x28: {  	s2 =	sld [smem:$0x3FAC]  }
0x29: {  	s4 =	sld [smem:$0x3FAE]  }
0x2a: {  	p0 =	seq.s32 s5, $0x0;
	s5 =	sld [smem:$0x3FAF]  }
0x2b: {  	s6 =	sld [smem:$0x3FB0]  }
0x2c: {  	s7 =	sld [smem:$0x3FB1]  }
0x2d: {  	s3 =	simm.s32 $0x108;
	s8 =	sld [smem:$0x3FB2]  }
0x2e: {  	s3 =	simm.s32 @!p0 $0x1082;
	s9 =	sld [smem:$0x3FB3]  }
0x2f: {  	lr =	sadd.s32 s0, s3;
	s0 =	sld [smem:$0x3FAA]  }
0x30: {  	s3 =	sld [smem:$0x3FAD]  }
0x31: {  	[smem:$0x3FB6] =	sst s10  }
0x32: {  	s10 =	sld [smem:$0x3FB4];
	_ =	sdelay $0x3  }
0x33: {  	p0 =	seq.s32 s10, $0x1;
	s10 =	sld [smem:$0x3FB6];
	_ =	sdelay $0x3  }
0x34: {  	[smem:$0x3FB6] =	sst s10  }
0x35: {  	s10 =	sld [smem:$0x3FB5];
	_ =	sdelay $0x3  }
0x36: {  	p1 =	seq.s32 s10, $0x1;
	s10 =	sld [smem:$0x3FB6];
	_ =	sdelay $0x3  }
0x37: {  	[smem:$0x3FB6] =	sst s10  }
0x38: {  	s10 =	sld [smem:$0x3FB7]  }
0x39: {  	_ = 	snop;
	(pc) =	sbr.ind lr, $3  }
0x3a: {  	_ = 	snop  }
0x3b: {  	_ = 	snop  }
0x3c: {  	p2 =	seq.s32 s10, $0x1;
	s10 =	sld [smem:$0x3FB6]  }
0x3d: {  	_ =	shalt  }
0x3e: {  	_ =	shalt  }
0x3f: {  	_ =	shalt  }
0x40: {  	_ =	shalt  }
0x41: {  	_ =	shalt  }
0x42: {  	_ =	shalt  }
0x43: {  	_ =	shalt  }
0x44: {  	_ =	shalt  }
0x45: {  	_ =	shalt  }
0x46: {  	_ =	shalt  }
0x47: {  	_ =	shalt  }
0x48: {  	_ =	shalt  }
0x49: {  	_ =	shalt  }
0x4a: {  	_ =	shalt  }
0x4b: {  	_ =	shalt  }
0x4c: {  	_ =	shalt  }
0x4d: {  	_ =	shalt  }
0x4e: {  	_ =	shalt  }
0x4f: {  	_ =	shalt  }
0x50: {  	_ =	shalt  }
0x51: {  	_ =	shalt  }
0x52: {  	_ =	shalt  }
0x53: {  	_ =	shalt  }
0x54: {  	_ =	shalt  }
0x55: {  	_ =	shalt  }
0x56: {  	_ =	shalt  }
0x57: {  	_ =	shalt  }
0x58: {  	_ =	shalt  }
0x59: {  	_ =	shalt  }
0x5a: {  	_ =	shalt  }
0x5b: {  	_ =	shalt  }
0x5c: {  	_ =	shalt  }
0x5d: {  	_ =	shalt  }
0x5e: {  	_ =	shalt  }
0x5f: {  	_ =	shalt  }
0x60: {  	_ =	shalt  }
0x61: {  	_ =	shalt  }
0x62: {  	_ =	shalt  }
0x63: {  	_ =	shalt  }
0x64: {  	_ =	shalt  }
0x65: {  	_ =	shalt  }
0x66: {  	_ =	shalt  }
0x67: {  	_ =	shalt  }
0x68: {  	_ =	shalt  }
0x69: {  	_ =	shalt  }
0x6a: {  	_ =	shalt  }
0x6b: {  	_ =	shalt  }
0x6c: {  	_ =	shalt  }
0x6d: {  	_ =	shalt  }
0x6e: {  	_ =	shalt  }
0x6f: {  	_ =	shalt  }
0x70: {  	_ =	shalt  }
0x71: {  	_ =	shalt  }
0x72: {  	_ =	shalt  }
0x73: {  	_ =	shalt  }
0x74: {  	_ =	shalt  }
0x75: {  	_ =	shalt  }
0x76: {  	_ =	shalt  }
0x77: {  	_ =	shalt  }
0x78: {  	_ =	shalt  }
0x79: {  	_ =	shalt  }
0x7a: {  	_ =	shalt  }
0x7b: {  	_ =	shalt  }
0x7c: {  	_ =	shalt  }
0x7d: {  	_ =	shalt  }
0x7e: {  	_ =	shalt  }
0x7f: {  	_ =	shalt  }
0x80: {  	_ =	shalt  }
0x81: {  	_ =	shalt  }
0x82: {  	_ =	shalt  }
0x83: {  	_ =	shalt  }
0x84: {  	_ =	shalt  }
0x85: {  	_ =	shalt  }
0x86: {  	_ =	shalt  }
0x87: {  	_ =	shalt  }
.Lfunc_end0:
.L_simem_size_0:
called_computation_lowered:
.L_overlay_start_0:
0x88: {  	s2 =	sld [smem:$0x3FD9]  }
0x89: {  	s3 =	sld [smem:$0x3FFE];
	_ =	sdelay $0x1  }
0x8a: {  	s1 =	srdreg.scid  }
0x8b: {  	s0 =	sand.u32 $0x1, s1  }
0x8c: {  	s17 =	sshll.u32 s0, $0xA;
	s2 =	sadd.s32 s3, s2  }
0x8d: {  	s2 =	sadd.s32 s2, s17  }
0x8e: {  	[smem:$0x3FC2] =	sst s2  }
0x8f: {  	_ = 	snop  }
0x90: {  	s2 =	sld [smem:$0x3FD0];
	(tm) =	ssettm $0x1  }
0x91: {  	s18 =	sld [smem:$0x3FFB];
	_ =	sdelay $0x3  }
0x92: {  	_ =	strace s18  }
0x93: {  	s3 =	sld [smem:$0x3FFC];
	_ =	sdelay $0x3  }
0x94: {  	_ =	strace s3  }
0x95: {  	s3 =	sld [smem:$0x3FFD];
	_ =	sdelay $0x3  }
0x96: {  	_ =	strace s3  }
0x97: {  	_ =	strace $0x8FFFFFFF  }
0x98: {  	s19 =	sld [smem:$0x3FDB];
	_ =	sdelay $0x1  }
0x99: {  	s4 =	simm.s32 $_scs_section_size  }
0x9a: {  	s5 =	simm.s32 $_size__tile_overlayer_lowered;
	s6 =	simm.s32 $_tile_overlayer_lowered  }
0x9b: {  	s22 =	simm.s32 $0x1BFF;
	s21 =	sshll.u32 s6, $0x1;
	s3 =	sadd.s32 s4, s19  }
0x9c: {  	s7 =	simm.s32 $0x0;
	s20 =	sshll.u32 s5, $0x1;
	s5 =	sadd.s32 s21, s3  }
0x9d: {  	[timem:s7], [sflag:s22] =	dma.local [hbm:s5], s20  }
0x9e: {  	_ =	swait.ge [sflag:s22], s20  }
0x9f: {  	s4 =	ssub.s32 $0x0, s20;
	[sflag:s22] =	ssyncset.done $0x0  }
0xa0: {  	[sflag:s22] =	ssyncadd.s32 s4;
	_ =	sdelay $0x1  }
0xa1: {  	s23 =	simm.s32 $0x1B8B  }
0xa2: {  	_ =	swait.ge [sflag:s23], $0x1  }
0xa3: {  	[sflag:s23] =	ssyncset.done $0x0  }
0xa4: {  	s25 =	simm.s32 $0x1B8E;
	s24 =	sld [smem:$0x3FFE];
	[sflag:s23] =	ssyncadd.s32 $0xFFFFFFFF  }
0xa5: {  	s26 =	simm.s32 $execute0_lowered;
	[smem:$0x3FD2] =	sst s25  }
0xa6: {  	s5 =	sshll.u32 s26, $0x1;
	_ =	strace $0x80000046;
	[dreg:$0x1] =	wrdreg $0xFFFFFFFF  }
0xa7: {  	s28 =	simm.s32 $_size_execute0_lowered;
	s3 =	sadd.s32 s3, s5;
	[dreg:$0x0] =	wrdreg $0x0  }
0xa8: {  	s5 =	sshll.u32 s28, $0x1;
	[dreg:$0x2] =	wrdreg s3  }
0xa9: {  	[dreg:$0x3] =	wrdreg s5  }
0xaa: {  	[dreg:$0x4] =	wrdreg $0xC0  }
0xab: {  	_ =	task [dreg:s7], $0x5FFFF  }
0xac: {  	[dreg:$0x1] =	wrdreg $0xFFFFFFFF  }
0xad: {  	[dreg:$0x0] =	wrdreg $0x60  }
0xae: {  	[dreg:$0x2] =	wrdreg s24  }
0xaf: {  	[dreg:$0x3] =	wrdreg s2  }
0xb0: {  	[dreg:$0x4] =	wrdreg $0x9  }
0xb1: {  	_ =	task.clear_ibuf [dreg:s7], $0x5FFFF;
	_ =	strace $0x90000046  }
0xb2: {  	s29 =	simm.s32 $0x9;
	_ =	strace $0x80000048  }
0xb3: {  	_ =	swait.ge [sflag:s29], $0x1  }
0xb4: {  	[sflag:s29] =	ssyncadd.s32 $0xFFFFFFFF  }
0xb5: {  	_ =	strace $0x90000048  }
0xb6: {  	_ =	sfence  }
0xb7: {  	s30 =	sld [smem:$0x0];
	_ =	sdelay $0x2  }
0xb8: {  	s31 =	sshll.u32 s1, $0xD;
	s1 =	sshrl.u32 s1, $0x2  }
0xb9: {  	s3 =	sand.u32 $0x4000, s31;
	s1 =	sadd.s32 s1, s30  }
0xba: {  	s0 =	sor.u32 s3, s0;
	s1 =	sshll.u32 s1, $0x11  }
0xbb: {  	s0 =	sor.u32 s1, s0  }
0xbc: {  	s0 =	sadd.s32 $0x8F2B, s0  }
0xbd: {  	[sflag:s0] =	ssyncadd.remote.s32 $0x1  }
0xbe: {  	_ =	sfence.sel $0xFFFF  }
0xbf: {  	[dreg:$0x0] =	wrdreg $0xFFFFFFFF;
	(pc) =	sbr.abs _section_cstart, $3  }
0xc0: {  	[dreg:$0x1] =	wrdreg $0xFFFFFFFF  }
0xc1: {  	_ =	task.clear_ibuf [dreg:s7], $0x2FFFF;
	_ =	strace $0x9FFFFFFF  }
0xc2: {  	(tm) =	ssettm $0x7FFFFFFF  }
0xc3: {  	_ =	shalt  }
tec
execute0_lowered:
.L_overlay_start_1:
0x0: {  	(tag) =	ssettag $0x1  }
0x1: {  	s4 =	rddreg [dreg:$0x0]  }
0x2: {  	s5 =	rddreg [dreg:$0x1]  }
0x3: {  	s0 =	rddreg [dreg:$0x2]  }
0x4: {  	s3 =	srdreg.scid;
	s1 =	stileid.u32;
	s2 =	simm.s32 $0x0  }
0x5: {  	s10 =	simm.s32 $0x2;
	s11 =	simm.s32 $0x600;
	s12 =	simm.s32 $0x2600  }
0x6: {  	s13 =	simm.s32 $0x5600;
	s14 =	simm.s32 $0x8600;
	s15 =	simm.s32 $0xB600  }
0x7: {  	s16 =	simm.s32 $0x1;
	s6 =	sand.u32 $0x1, s3;
	s30 =	sshll.u32 s1, $0x1  }
0x8: {  	s17 =	simm.s32 $0x0;
	[smem:$0x7FF] =	sst s2;
	s7 =	sor.u32 s6, s30  }
0x9: {  	s3 =	sadd.s32 $0xE00, s4;
	s6 =	ssub.s32 $0x2, s6;
	s8 =	smul.u32 $0xC000, s7  }
0xa: {  	_ =	strace $0x80000047;
	s7 =	sshll.u32 s7, $0xA;
	s31 =	sshrl.u32 s6, $0x1  }
0xb: {  	s4 =	sadd.s32 s7, s4;
	s9 =	ssub.s32 s6, s31;
	s8 =	sshrl.u32 s8, $0x3  }
0xc: {  	s4 =	sadd.s32 $0x1000, s4;
	s9 =	smax.u32 s9, $0x1;
	s5 =	sadd.s32 s5, s8  }
0xd: {  	s6 =	sadd.s32 $0x600, s5;
	s7 =	sadd.s32 $0xC00, s5;
	s8 =	sadd.s32 $0x1200, s5  }
.LBB2_1:
0xe: {  	[tilespmem:s2], [sflag:$0x2] =	stream.linear.gather [hbm4b:s3+s2], $0x600, $0x38;
	[tilespmem:$0xE600] =	vst v63  }
0xf: {  	_ =	swait.ge [sflag:s10], $0x600  }
0x10: {  	[sflag:s10] =	ssyncset.done $0x0  }
0x11: {  	[sflag:s10] =	ssyncadd.s32 $0xFFFFFA00  }
0x12: {  	[tilespmem:s11], [sflag:$0x2] =	stream.linear.gather [hbm4b:s4+s2], $0x2000, $0x38;
	[tilespmem:$0xE600] =	vst v63  }
0x13: {  	_ =	swait.ge [sflag:s10], $0x2000  }
0x14: {  	[sflag:s10] =	ssyncset.done $0x0  }
0x15: {  	s18 =	simm.s32 $0x0;
	[sflag:s10] =	ssyncadd.s32 $0xFFFFE000  }
.LBB2_2:
0x16: {  	v1 =	vld [tilespmem:s18+$0x610]  }
0x17: {  	v0 =	vld [tilespmem:s18+$0x600];
	_ =	sdelay $0x6  }
0x18: {  	v4 =	vld.idx.msk [tilespmem:v1+s2+$0x0], $0xffff  }
0x19: {  	v5 =	vadd.s32 $0x1, v1;
	v2 =	vld.idx.msk [tilespmem:v0+s2+$0x0], $0xffff  }
0x1a: {  	v3 =	vadd.s32 $0x1, v0  }
0x1b: {  	s19 =	sshll.u32 s18, $0x3  }
0x1c: {  	s19 =	sand.u32 $0x3FFFFFF8, s19  }
0x1d: {  	[tilespmem:s19+$0x2610] =	vst v4  }
0x1e: {  	[tilespmem:s19+$0x2600] =	vst v2;
	v4 =	vld.idx.msk [tilespmem:v5+s2+$0x0], $0xffff  }
0x1f: {  	v25 =	vadd.s32 $0x2, v1;
	v2 =	vld.idx.msk [tilespmem:v3+s2+$0x0], $0xffff  }
0x20: {  	v24 =	vadd.s32 $0x2, v0;
	_ =	sdelay $0x2  }
0x21: {  	[tilespmem:s19+$0x2690] =	vst v4  }
0x22: {  	[tilespmem:s19+$0x2680] =	vst v2;
	v4 =	vld.idx.msk [tilespmem:v25+s2+$0x0], $0xffff  }
0x23: {  	v27 =	vadd.s32 $0x3, v1;
	v2 =	vld.idx.msk [tilespmem:v24+s2+$0x0], $0xffff  }
0x24: {  	v26 =	vadd.s32 $0x3, v0;
	_ =	sdelay $0x2  }
0x25: {  	[tilespmem:s19+$0x2710] =	vst v4  }
0x26: {  	[tilespmem:s19+$0x2700] =	vst v2;
	v4 =	vld.idx.msk [tilespmem:v27+s2+$0x0], $0xffff  }
0x27: {  	v29 =	vadd.s32 $0x4, v1;
	v2 =	vld.idx.msk [tilespmem:v26+s2+$0x0], $0xffff  }
0x28: {  	v28 =	vadd.s32 $0x4, v0;
	_ =	sdelay $0x2  }
0x29: {  	[tilespmem:s19+$0x2790] =	vst v4  }
0x2a: {  	[tilespmem:s19+$0x2780] =	vst v2;
	v30 =	vld.idx.msk [tilespmem:v29+s2+$0x0], $0xffff  }
0x2b: {  	v1 =	vadd.s32 $0x5, v1;
	v2 =	vld.idx.msk [tilespmem:v28+s2+$0x0], $0xffff  }
0x2c: {  	v0 =	vadd.s32 $0x5, v0;
	_ =	sdelay $0x2  }
0x2d: {  	[tilespmem:s19+$0x2810] =	vst v30  }
0x2e: {  	[tilespmem:s19+$0x2800] =	vst v2;
	v1 =	vld.idx.msk [tilespmem:v1+s2+$0x0], $0xffff  }
0x2f: {  	v0 =	vld.idx.msk [tilespmem:v0+s2+$0x0], $0xffff;
	_ =	sdelay $0x3  }
0x30: {  	[tilespmem:s19+$0x2890] =	vst v1  }
0x31: {  	[tilespmem:s19+$0x2880] =	vst v0;
	v1 =	vld [tilespmem:s18+$0x810]  }
0x32: {  	v0 =	vld [tilespmem:s18+$0x800];
	_ =	sdelay $0x6  }
0x33: {  	v4 =	vld.idx.msk [tilespmem:v1+s2+$0x0], $0xffff  }
0x34: {  	v32 =	vadd.s32 $0x1, v1;
	v2 =	vld.idx.msk [tilespmem:v0+s2+$0x0], $0xffff  }
0x35: {  	v31 =	vadd.s32 $0x1, v0;
	_ =	sdelay $0x2  }
0x36: {  	[tilespmem:s19+$0x2910] =	vst v4  }
0x37: {  	[tilespmem:s19+$0x2900] =	vst v2;
	v4 =	vld.idx.msk [tilespmem:v32+s2+$0x0], $0xffff  }
0x38: {  	v34 =	vadd.s32 $0x2, v1;
	v2 =	vld.idx.msk [tilespmem:v31+s2+$0x0], $0xffff  }
0x39: {  	v33 =	vadd.s32 $0x2, v0;
	_ =	sdelay $0x2  }
0x3a: {  	[tilespmem:s19+$0x2990] =	vst v4  }
0x3b: {  	[tilespmem:s19+$0x2980] =	vst v2;
	v4 =	vld.idx.msk [tilespmem:v34+s2+$0x0], $0xffff  }
0x3c: {  	v36 =	vadd.s32 $0x3, v1;
	v2 =	vld.idx.msk [tilespmem:v33+s2+$0x0], $0xffff  }
0x3d: {  	v35 =	vadd.s32 $0x3, v0;
	_ =	sdelay $0x2  }
0x3e: {  	[tilespmem:s19+$0x3610] =	vst v4  }
0x3f: {  	[tilespmem:s19+$0x3600] =	vst v2;
	v4 =	vld.idx.msk [tilespmem:v36+s2+$0x0], $0xffff  }
0x40: {  	v38 =	vadd.s32 $0x4, v1;
	v2 =	vld.idx.msk [tilespmem:v35+s2+$0x0], $0xffff  }
0x41: {  	v37 =	vadd.s32 $0x4, v0;
	_ =	sdelay $0x2  }
0x42: {  	[tilespmem:s19+$0x3690] =	vst v4  }
0x43: {  	[tilespmem:s19+$0x3680] =	vst v2;
	v39 =	vld.idx.msk [tilespmem:v38+s2+$0x0], $0xffff  }
0x44: {  	v1 =	vadd.s32 $0x5, v1;
	v2 =	vld.idx.msk [tilespmem:v37+s2+$0x0], $0xffff  }
0x45: {  	v0 =	vadd.s32 $0x5, v0;
	_ =	sdelay $0x2  }
0x46: {  	[tilespmem:s19+$0x3710] =	vst v39  }
0x47: {  	[tilespmem:s19+$0x3700] =	vst v2;
	v1 =	vld.idx.msk [tilespmem:v1+s2+$0x0], $0xffff  }
0x48: {  	v0 =	vld.idx.msk [tilespmem:v0+s2+$0x0], $0xffff;
	_ =	sdelay $0x3  }
0x49: {  	[tilespmem:s19+$0x3790] =	vst v1  }
0x4a: {  	[tilespmem:s19+$0x3780] =	vst v0;
	v1 =	vld [tilespmem:s18+$0xA10]  }
0x4b: {  	v0 =	vld [tilespmem:s18+$0xA00];
	_ =	sdelay $0x6  }
0x4c: {  	v4 =	vld.idx.msk [tilespmem:v1+s2+$0x0], $0xffff  }
0x4d: {  	v41 =	vadd.s32 $0x1, v1;
	v2 =	vld.idx.msk [tilespmem:v0+s2+$0x0], $0xffff  }
0x4e: {  	v40 =	vadd.s32 $0x1, v0;
	_ =	sdelay $0x2  }
0x4f: {  	[tilespmem:s19+$0x3810] =	vst v4  }
0x50: {  	[tilespmem:s19+$0x3800] =	vst v2;
	v4 =	vld.idx.msk [tilespmem:v41+s2+$0x0], $0xffff  }
0x51: {  	v43 =	vadd.s32 $0x2, v1;
	v2 =	vld.idx.msk [tilespmem:v40+s2+$0x0], $0xffff  }
0x52: {  	v42 =	vadd.s32 $0x2, v0;
	_ =	sdelay $0x2  }
0x53: {  	[tilespmem:s19+$0x3890] =	vst v4  }
0x54: {  	[tilespmem:s19+$0x3880] =	vst v2;
	v4 =	vld.idx.msk [tilespmem:v43+s2+$0x0], $0xffff  }
0x55: {  	v45 =	vadd.s32 $0x3, v1;
	v2 =	vld.idx.msk [tilespmem:v42+s2+$0x0], $0xffff  }
0x56: {  	v44 =	vadd.s32 $0x3, v0;
	_ =	sdelay $0x2  }
0x57: {  	v54 =	vld [tilespmem:s18+$0x620];
	[tilespmem:s19+$0x3910] =	vst v4  }
0x58: {  	[tilespmem:s19+$0x3900] =	vst v2;
	v4 =	vld.idx.msk [tilespmem:v45+s2+$0x0], $0xffff  }
0x59: {  	v47 =	vadd.s32 $0x4, v1;
	v2 =	vld.idx.msk [tilespmem:v44+s2+$0x0], $0xffff  }
0x5a: {  	v6 =	vld [tilespmem:s18+$0x630];
	v46 =	vadd.s32 $0x4, v0  }
0x5b: {  	v8 =	vld [tilespmem:s18+$0x640]  }
0x5c: {  	v9 =	vld [tilespmem:s18+$0x650]  }
0x5d: {  	v56 =	vld [tilespmem:s18+$0x670];
	[tilespmem:s19+$0x3990] =	vst v4  }
0x5e: {  	[tilespmem:s19+$0x3980] =	vst v2;
	v48 =	vld.idx.msk [tilespmem:v47+s2+$0x0], $0xffff  }
0x5f: {  	v1 =	vadd.s32 $0x5, v1;
	v2 =	vld.idx.msk [tilespmem:v46+s2+$0x0], $0xffff  }
0x60: {  	v10 =	vld [tilespmem:s18+$0x660];
	v0 =	vadd.s32 $0x5, v0  }
0x61: {  	v57 =	vld.idx.msk [tilespmem:v54+s2+$0x0], $0xffff  }
0x62: {  	v12 =	vld.idx.msk [tilespmem:v6+s2+$0x0], $0xffff  }
0x63: {  	v14 =	vld.idx.msk [tilespmem:v8+s2+$0x0], $0xffff;
	[tilespmem:s19+$0x4610] =	vst v48  }
0x64: {  	v13 =	vadd.s32 $0x1, v6;
	[tilespmem:s19+$0x4600] =	vst v2;
	v49 =	vld.idx.msk [tilespmem:v1+s2+$0x0], $0xffff  }
0x65: {  	v0 =	vld.idx.msk [tilespmem:v0+s2+$0x0], $0xffff  }
0x66: {  	v11 =	vadd.s32 $0x1, v54;
	v16 =	vld.idx.msk [tilespmem:v9+s2+$0x0], $0xffff  }
0x67: {  	v17 =	vadd.s32 $0x1, v9;
	v19 =	vld.idx.msk [tilespmem:v56+s2+$0x0], $0xffff;
	[tilespmem:s19+$0x2620] =	vst v57  }
0x68: {  	v59 =	vadd.s32 $0x1, v56;
	v18 =	vld.idx.msk [tilespmem:v10+s2+$0x0], $0xffff;
	[tilespmem:s19+$0x2630] =	vst v12  }
0x69: {  	v13 =	vld.idx.msk [tilespmem:v13+s2+$0x0], $0xffff;
	[tilespmem:s19+$0x4690] =	vst v49  }
0x6a: {  	v61 =	vadd.s32 $0x2, v6;
	[tilespmem:s19+$0x4680] =	vst v0;
	v0 =	vld [tilespmem:s18+$0xC10]  }
0x6b: {  	v15 =	vadd.s32 $0x1, v8;
	[tilespmem:s19+$0x2650] =	vst v16;
	v11 =	vld.idx.msk [tilespmem:v11+s2+$0x0], $0xffff  }
0x6c: {  	v60 =	vadd.s32 $0x2, v54;
	[tilespmem:s19+$0x2670] =	vst v19;
	v17 =	vld.idx.msk [tilespmem:v17+s2+$0x0], $0xffff  }
0x6d: {  	v12 =	vld.idx.msk [tilespmem:v59+s2+$0x0], $0xffff  }
0x6e: {  	v63 =	vadd.s32 $0x2, v9;
	[tilespmem:s19+$0x26B0] =	vst v13;
	v1 =	vld [tilespmem:s18+$0xC00]  }
0x6f: {  	v22 =	vadd.s32 $0x2, v56;
	[tilespmem:s19+$0x2640] =	vst v14;
	v16 =	vld.idx.msk [tilespmem:v61+s2+$0x0], $0xffff  }
0x70: {  	v15 =	vld.idx.msk [tilespmem:v15+s2+$0x0], $0xffff;
	[tilespmem:s19+$0x26A0] =	vst v11;
	v24 =	vadd.s32 $0x3, v6  }
0x71: {  	[tilespmem:s19+$0x2660] =	vst v18;
	v14 =	vld.idx.msk [tilespmem:v60+s2+$0x0], $0xffff  }
0x72: {  	v62 =	vadd.s32 $0x2, v8;
	[tilespmem:s19+$0x26D0] =	vst v17;
	v4 =	vld.idx.msk [tilespmem:v0+s2+$0x0], $0xffff  }
0x73: {  	[tilespmem:s19+$0x26F0] =	vst v12;
	v19 =	vld.idx.msk [tilespmem:v63+s2+$0x0], $0xffff;
	v52 =	vadd.s32 $0x1, v0  }
0x74: {  	v23 =	vadd.s32 $0x3, v54;
	v13 =	vld.idx.msk [tilespmem:v22+s2+$0x0], $0xffff;
	[tilespmem:s19+$0x2730] =	vst v16  }
0x75: {  	[tilespmem:s19+$0x26C0] =	vst v15;
	v17 =	vld.idx.msk [tilespmem:v24+s2+$0x0], $0xffff;
	v28 =	vadd.s32 $0x3, v56  }
0x76: {  	[tilespmem:s19+$0x2720] =	vst v14;
	v30 =	vadd.s32 $0x4, v6;
	v50 =	vld.idx.msk [tilespmem:v1+s2+$0x0], $0xffff  }
0x77: {  	v18 =	vld.idx.msk [tilespmem:v62+s2+$0x0], $0xffff;
	v51 =	vadd.s32 $0x1, v1;
	[tilespmem:s19+$0x4710] =	vst v4  }
0x78: {  	[tilespmem:s19+$0x2750] =	vst v19;
	v26 =	vadd.s32 $0x3, v9;
	v53 =	vld.idx.msk [tilespmem:v52+s2+$0x0], $0xffff  }
0x79: {  	[tilespmem:s19+$0x2770] =	vst v13;
	v15 =	vld.idx.msk [tilespmem:v23+s2+$0x0], $0xffff;
	v7 =	vadd.s32 $0x2, v0  }
0x7a: {  	v58 =	vadd.s32 $0x1, v10;
	[tilespmem:s19+$0x27B0] =	vst v17;
	v16 =	vld.idx.msk [tilespmem:v28+s2+$0x0], $0xffff  }
0x7b: {  	v19 =	vld.idx.msk [tilespmem:v30+s2+$0x0], $0xffff;
	v34 =	vadd.s32 $0x4, v56;
	[tilespmem:s19+$0x4700] =	vst v50  }
0x7c: {  	v2 =	vld.idx.msk [tilespmem:v51+s2+$0x0], $0xffff  }
0x7d: {  	v12 =	vld.idx.msk [tilespmem:v26+s2+$0x0], $0xffff;
	v6 =	vadd.s32 $0x5, v6;
	[tilespmem:s19+$0x4790] =	vst v53  }
0x7e: {  	[tilespmem:s19+$0x2740] =	vst v18;
	v29 =	vadd.s32 $0x4, v54;
	v3 =	vld.idx.msk [tilespmem:v7+s2+$0x0], $0xffff  }
0x7f: {  	[tilespmem:s19+$0x27F0] =	vst v16;
	v32 =	vadd.s32 $0x4, v9;
	v7 =	vld.idx.msk [tilespmem:v58+s2+$0x0], $0xffff  }
0x80: {  	v21 =	vadd.s32 $0x2, v10;
	[tilespmem:s19+$0x2830] =	vst v19;
	v37 =	vld.idx.msk [tilespmem:v34+s2+$0x0], $0xffff  }
0x81: {  	[tilespmem:s19+$0x4780] =	vst v2;
	v2 =	vadd.s32 $0x5, v56  }
0x82: {  	v25 =	vadd.s32 $0x3, v8;
	[tilespmem:s19+$0x27A0] =	vst v15;
	v6 =	vld.idx.msk [tilespmem:v6+s2+$0x0], $0xffff  }
0x83: {  	[tilespmem:s19+$0x27D0] =	vst v12;
	v18 =	vld.idx.msk [tilespmem:v29+s2+$0x0], $0xffff  }
0x84: {  	v35 =	vld.idx.msk [tilespmem:v32+s2+$0x0], $0xffff;
	[tilespmem:s19+$0x26E0] =	vst v7  }
0x85: {  	[tilespmem:s19+$0x2870] =	vst v37;
	v4 =	vadd.s32 $0x5, v54;
	v11 =	vld.idx.msk [tilespmem:v21+s2+$0x0], $0xffff  }
0x86: {  	v27 =	vadd.s32 $0x3, v10;
	v2 =	vld.idx.msk [tilespmem:v2+s2+$0x0], $0xffff  }
0x87: {  	[tilespmem:s19+$0x28B0] =	vst v6;
	v7 =	vld.idx.msk [tilespmem:v25+s2+$0x0], $0xffff  }
0x88: {  	v31 =	vadd.s32 $0x4, v8;
	v41 =	vld [tilespmem:s18+$0x830]  }
0x89: {  	[tilespmem:s19+$0x2820] =	vst v18;
	v9 =	vadd.s32 $0x5, v9  }
0x8a: {  	v4 =	vld.idx.msk [tilespmem:v4+s2+$0x0], $0xffff;
	[tilespmem:s19+$0x2760] =	vst v11  }
0x8b: {  	[tilespmem:s19+$0x28F0] =	vst v2;
	v14 =	vld.idx.msk [tilespmem:v27+s2+$0x0], $0xffff  }
0x8c: {  	v33 =	vadd.s32 $0x4, v10;
	[tilespmem:s19+$0x27C0] =	vst v7;
	v2 =	vld [tilespmem:s18+$0x870]  }
0x8d: {  	[tilespmem:s19+$0x2850] =	vst v35;
	v7 =	vld.idx.msk [tilespmem:v31+s2+$0x0], $0xffff  }
0x8e: {  	v8 =	vadd.s32 $0x5, v8;
	v38 =	vld.idx.msk [tilespmem:v9+s2+$0x0], $0xffff;
	_ =	sdelay $0x1  }
0x8f: {  	v46 =	vld.idx.msk [tilespmem:v41+s2+$0x0], $0xffff;
	[tilespmem:s19+$0x27E0] =	vst v14  }
0x90: {  	v55 =	vadd.s32 $0x2, v1;
	[tilespmem:s19+$0x28A0] =	vst v4;
	v36 =	vld.idx.msk [tilespmem:v33+s2+$0x0], $0xffff  }
0x91: {  	v10 =	vadd.s32 $0x5, v10;
	v4 =	vld [tilespmem:s18+$0x820];
	[tilespmem:s19+$0x2840] =	vst v7  }
0x92: {  	[tilespmem:s19+$0x28D0] =	vst v38;
	v47 =	vadd.s32 $0x1, v41;
	v7 =	vld.idx.msk [tilespmem:v8+s2+$0x0], $0xffff  }
0x93: {  	v8 =	vld [tilespmem:s18+$0x850]  }
0x94: {  	v54 =	vld.idx.msk [tilespmem:v2+s2+$0x0], $0xffff  }
0x95: {  	v5 =	vld.idx.msk [tilespmem:v55+s2+$0x0], $0xffff;
	v55 =	vadd.s32 $0x1, v2;
	[tilespmem:s19+$0x2860] =	vst v36  }
0x96: {  	[tilespmem:s19+$0x2930] =	vst v46;
	v39 =	vld.idx.msk [tilespmem:v10+s2+$0x0], $0xffff  }
0x97: {  	v13 =	vld.idx.msk [tilespmem:v47+s2+$0x0], $0xffff;
	[tilespmem:s19+$0x28C0] =	vst v7  }
0x98: {  	v43 =	vld [tilespmem:s18+$0x840]  }
0x99: {  	v57 =	vadd.s32 $0x2, v41;
	v44 =	vld.idx.msk [tilespmem:v4+s2+$0x0], $0xffff;
	[tilespmem:s19+$0x2970] =	vst v54  }
0x9a: {  	v45 =	vadd.s32 $0x1, v4;
	v12 =	vld.idx.msk [tilespmem:v55+s2+$0x0], $0xffff  }
0x9b: {  	v50 =	vld.idx.msk [tilespmem:v8+s2+$0x0], $0xffff;
	[tilespmem:s19+$0x28E0] =	vst v39  }
0x9c: {  	v61 =	vadd.s32 $0x2, v2;
	v9 =	vld [tilespmem:s18+$0x860]  }
0x9d: {  	[tilespmem:s19+$0x29B0] =	vst v13;
	v51 =	vadd.s32 $0x1, v8  }
0x9e: {  	v16 =	vld.idx.msk [tilespmem:v57+s2+$0x0], $0xffff;
	[tilespmem:s19+$0x2920] =	vst v44  }
0x9f: {  	v7 =	vld.idx.msk [tilespmem:v45+s2+$0x0], $0xffff  }
0xa0: {  	v56 =	vadd.s32 $0x2, v4;
	[tilespmem:s19+$0x29F0] =	vst v12;
	v48 =	vld.idx.msk [tilespmem:v43+s2+$0x0], $0xffff  }
0xa1: {  	v49 =	vadd.s32 $0x1, v43;
	[tilespmem:s19+$0x2950] =	vst v50;
	v13 =	vld.idx.msk [tilespmem:v61+s2+$0x0], $0xffff  }
0xa2: {  	v63 =	vadd.s32 $0x3, v41;
	v17 =	vld.idx.msk [tilespmem:v51+s2+$0x0], $0xffff  }
0xa3: {  	[tilespmem:s19+$0x3630] =	vst v16;
	v24 =	vadd.s32 $0x3, v2  }
0xa4: {  	v59 =	vadd.s32 $0x2, v8;
	[tilespmem:s19+$0x29A0] =	vst v7;
	v52 =	vld.idx.msk [tilespmem:v9+s2+$0x0], $0xffff  }
0xa5: {  	v14 =	vld.idx.msk [tilespmem:v56+s2+$0x0], $0xffff;
	v53 =	vadd.s32 $0x1, v9;
	[tilespmem:s19+$0x2940] =	vst v48  }
0xa6: {  	v62 =	vadd.s32 $0x3, v4;
	[tilespmem:s19+$0x3670] =	vst v13;
	v15 =	vld.idx.msk [tilespmem:v49+s2+$0x0], $0xffff  }
0xa7: {  	v58 =	vadd.s32 $0x2, v43;
	[tilespmem:s19+$0x29D0] =	vst v17;
	v17 =	vld.idx.msk [tilespmem:v63+s2+$0x0], $0xffff  }
0xa8: {  	v16 =	vld.idx.msk [tilespmem:v24+s2+$0x0], $0xffff  }
0xa9: {  	v30 =	vadd.s32 $0x4, v2;
	v19 =	vld.idx.msk [tilespmem:v59+s2+$0x0], $0xffff;
	[tilespmem:s19+$0x2960] =	vst v52  }
0xaa: {  	v22 =	vadd.s32 $0x3, v8;
	[tilespmem:s19+$0x3620] =	vst v14;
	v6 =	vld.idx.msk [tilespmem:v53+s2+$0x0], $0xffff  }
0xab: {  	v60 =	vadd.s32 $0x2, v9;
	[tilespmem:s19+$0x29C0] =	vst v15;
	v15 =	vld.idx.msk [tilespmem:v62+s2+$0x0], $0xffff  }
0xac: {  	v25 =	vadd.s32 $0x4, v4;
	[tilespmem:s19+$0x36B0] =	vst v17;
	v18 =	vld.idx.msk [tilespmem:v58+s2+$0x0], $0xffff  }
0xad: {  	v26 =	vadd.s32 $0x4, v41;
	[tilespmem:s19+$0x36F0] =	vst v16  }
0xae: {  	v21 =	vadd.s32 $0x3, v43;
	[tilespmem:s19+$0x3650] =	vst v19;
	v35 =	vld.idx.msk [tilespmem:v30+s2+$0x0], $0xffff  }
0xaf: {  	v2 =	vadd.s32 $0x5, v2;
	v12 =	vld.idx.msk [tilespmem:v22+s2+$0x0], $0xffff;
	[tilespmem:s19+$0x29E0] =	vst v6  }
0xb0: {  	v28 =	vadd.s32 $0x4, v8;
	[tilespmem:s19+$0x36A0] =	vst v15;
	v7 =	vld.idx.msk [tilespmem:v60+s2+$0x0], $0xffff  }
0xb1: {  	v23 =	vadd.s32 $0x3, v9;
	[tilespmem:s19+$0x3640] =	vst v18;
	v18 =	vld.idx.msk [tilespmem:v25+s2+$0x0], $0xffff  }
0xb2: {  	v4 =	vadd.s32 $0x5, v4;
	v19 =	vld.idx.msk [tilespmem:v26+s2+$0x0], $0xffff  }
0xb3: {  	v31 =	vadd.s32 $0x5, v41;
	[tilespmem:s19+$0x3770] =	vst v35;
	v6 =	vld.idx.msk [tilespmem:v21+s2+$0x0], $0xffff  }
0xb4: {  	v27 =	vadd.s32 $0x4, v43;
	[tilespmem:s19+$0x36D0] =	vst v12;
	v2 =	vld.idx.msk [tilespmem:v2+s2+$0x0], $0xffff  }
0xb5: {  	v33 =	vld.idx.msk [tilespmem:v28+s2+$0x0], $0xffff;
	[tilespmem:s19+$0x3660] =	vst v7  }
0xb6: {  	v8 =	vadd.s32 $0x5, v8;
	[tilespmem:s19+$0x3720] =	vst v18;
	v14 =	vld.idx.msk [tilespmem:v23+s2+$0x0], $0xffff  }
0xb7: {  	v29 =	vadd.s32 $0x4, v9;
	[tilespmem:s19+$0x3730] =	vst v19;
	v4 =	vld.idx.msk [tilespmem:v4+s2+$0x0], $0xffff  }
0xb8: {  	[tilespmem:s19+$0x36C0] =	vst v6;
	v6 =	vld.idx.msk [tilespmem:v31+s2+$0x0], $0xffff  }
0xb9: {  	[tilespmem:s19+$0x37F0] =	vst v2;
	v7 =	vld.idx.msk [tilespmem:v27+s2+$0x0], $0xffff  }
0xba: {  	v32 =	vadd.s32 $0x5, v43;
	[tilespmem:s19+$0x3750] =	vst v33;
	v2 =	vld [tilespmem:s18+$0xA70]  }
0xbb: {  	v40 =	vadd.s32 $0x3, v1;
	v8 =	vld.idx.msk [tilespmem:v8+s2+$0x0], $0xffff;
	[tilespmem:s19+$0x36E0] =	vst v14  }
0xbc: {  	[tilespmem:s19+$0x37A0] =	vst v4;
	v34 =	vld.idx.msk [tilespmem:v29+s2+$0x0], $0xffff  }
0xbd: {  	v9 =	vadd.s32 $0x5, v9;
	[tilespmem:s19+$0x37B0] =	vst v6;
	v4 =	vld [tilespmem:s18+$0xA20]  }
0xbe: {  	v42 =	vadd.s32 $0x3, v0;
	[tilespmem:s19+$0x3740] =	vst v7;
	v37 =	vld [tilespmem:s18+$0xA30]  }
0xbf: {  	[tilespmem:s19+$0x4800] =	vst v5;
	v7 =	vld.idx.msk [tilespmem:v32+s2+$0x0], $0xffff  }
0xc0: {  	v5 =	vld.idx.msk [tilespmem:v40+s2+$0x0], $0xffff;
	[tilespmem:s19+$0x37D0] =	vst v8  }
0xc1: {  	v8 =	vld [tilespmem:s18+$0xA50];
	[tilespmem:s19+$0x3760] =	vst v34  }
0xc2: {  	[tilespmem:s19+$0x4810] =	vst v3;
	v9 =	vld.idx.msk [tilespmem:v9+s2+$0x0], $0xffff  }
0xc3: {  	v3 =	vld.idx.msk [tilespmem:v42+s2+$0x0], $0xffff  }
0xc4: {  	v50 =	vld.idx.msk [tilespmem:v2+s2+$0x0], $0xffff;
	[tilespmem:s19+$0x37C0] =	vst v7  }
0xc5: {  	v39 =	vld [tilespmem:s18+$0xA40]  }
0xc6: {  	v51 =	vadd.s32 $0x1, v2;
	v42 =	vld.idx.msk [tilespmem:v37+s2+$0x0], $0xffff  }
0xc7: {  	v43 =	vadd.s32 $0x1, v37;
	v40 =	vld.idx.msk [tilespmem:v4+s2+$0x0], $0xffff;
	[tilespmem:s19+$0x37E0] =	vst v9  }
0xc8: {  	v9 =	vld [tilespmem:s18+$0xA60]  }
0xc9: {  	v41 =	vadd.s32 $0x1, v4;
	v46 =	vld.idx.msk [tilespmem:v8+s2+$0x0], $0xffff  }
0xca: {  	v47 =	vadd.s32 $0x1, v8;
	[tilespmem:s19+$0x3870] =	vst v50  }
0xcb: {  	v12 =	vld.idx.msk [tilespmem:v51+s2+$0x0], $0xffff;
	[tilespmem:s19+$0x3830] =	vst v42  }
0xcc: {  	v57 =	vadd.s32 $0x2, v2;
	v13 =	vld.idx.msk [tilespmem:v43+s2+$0x0], $0xffff  }
0xcd: {  	v53 =	vadd.s32 $0x2, v37;
	[tilespmem:s19+$0x3820] =	vst v40;
	v44 =	vld.idx.msk [tilespmem:v39+s2+$0x0], $0xffff  }
0xce: {  	v45 =	vadd.s32 $0x1, v39;
	v7 =	vld.idx.msk [tilespmem:v41+s2+$0x0], $0xffff;
	[tilespmem:s19+$0x3850] =	vst v46  }
0xcf: {  	v52 =	vadd.s32 $0x2, v4;
	v17 =	vld.idx.msk [tilespmem:v47+s2+$0x0], $0xffff  }
0xd0: {  	v55 =	vadd.s32 $0x2, v8;
	[tilespmem:s19+$0x38F0] =	vst v12;
	v48 =	vld.idx.msk [tilespmem:v9+s2+$0x0], $0xffff  }
0xd1: {  	v49 =	vadd.s32 $0x1, v9;
	[tilespmem:s19+$0x38B0] =	vst v13;
	v13 =	vld.idx.msk [tilespmem:v57+s2+$0x0], $0xffff  }
0xd2: {  	v63 =	vadd.s32 $0x3, v2;
	[tilespmem:s19+$0x3840] =	vst v44;
	v16 =	vld.idx.msk [tilespmem:v53+s2+$0x0], $0xffff  }
0xd3: {  	v59 =	vadd.s32 $0x3, v37;
	[tilespmem:s19+$0x38A0] =	vst v7;
	v15 =	vld.idx.msk [tilespmem:v45+s2+$0x0], $0xffff  }
0xd4: {  	v54 =	vadd.s32 $0x2, v39;
	v14 =	vld.idx.msk [tilespmem:v52+s2+$0x0], $0xffff;
	[tilespmem:s19+$0x38D0] =	vst v17  }
0xd5: {  	v58 =	vadd.s32 $0x3, v4;
	v19 =	vld.idx.msk [tilespmem:v55+s2+$0x0], $0xffff;
	[tilespmem:s19+$0x3860] =	vst v48  }
0xd6: {  	v61 =	vadd.s32 $0x3, v8;
	[tilespmem:s19+$0x3970] =	vst v13;
	v6 =	vld.idx.msk [tilespmem:v49+s2+$0x0], $0xffff  }
0xd7: {  	v56 =	vadd.s32 $0x2, v9;
	[tilespmem:s19+$0x3930] =	vst v16;
	v16 =	vld.idx.msk [tilespmem:v63+s2+$0x0], $0xffff  }
0xd8: {  	v26 =	vadd.s32 $0x4, v2;
	[tilespmem:s19+$0x38C0] =	vst v15;
	v17 =	vld.idx.msk [tilespmem:v59+s2+$0x0], $0xffff  }
0xd9: {  	v22 =	vadd.s32 $0x4, v37;
	[tilespmem:s19+$0x3920] =	vst v14;
	v18 =	vld.idx.msk [tilespmem:v54+s2+$0x0], $0xffff  }
0xda: {  	v60 =	vadd.s32 $0x3, v39;
	v15 =	vld.idx.msk [tilespmem:v58+s2+$0x0], $0xffff;
	[tilespmem:s19+$0x3950] =	vst v19  }
0xdb: {  	v21 =	vadd.s32 $0x4, v4;
	v12 =	vld.idx.msk [tilespmem:v61+s2+$0x0], $0xffff;
	[tilespmem:s19+$0x38E0] =	vst v6  }
0xdc: {  	v24 =	vadd.s32 $0x4, v8;
	[tilespmem:s19+$0x39F0] =	vst v16;
	v7 =	vld.idx.msk [tilespmem:v56+s2+$0x0], $0xffff  }
0xdd: {  	v62 =	vadd.s32 $0x3, v9;
	[tilespmem:s19+$0x39B0] =	vst v17;
	v29 =	vld.idx.msk [tilespmem:v26+s2+$0x0], $0xffff  }
0xde: {  	v2 =	vadd.s32 $0x5, v2;
	[tilespmem:s19+$0x3940] =	vst v18;
	v27 =	vld.idx.msk [tilespmem:v22+s2+$0x0], $0xffff  }
0xdf: {  	v10 =	vadd.s32 $0x5, v37;
	[tilespmem:s19+$0x39A0] =	vst v15;
	v6 =	vld.idx.msk [tilespmem:v60+s2+$0x0], $0xffff  }
0xe0: {  	v23 =	vadd.s32 $0x4, v39;
	v18 =	vld.idx.msk [tilespmem:v21+s2+$0x0], $0xffff;
	[tilespmem:s19+$0x39D0] =	vst v12  }
0xe1: {  	v4 =	vadd.s32 $0x5, v4;
	v12 =	vld.idx.msk [tilespmem:v24+s2+$0x0], $0xffff;
	[tilespmem:s19+$0x3960] =	vst v7  }
0xe2: {  	v8 =	vadd.s32 $0x5, v8;
	[tilespmem:s19+$0x4670] =	vst v29;
	v14 =	vld.idx.msk [tilespmem:v62+s2+$0x0], $0xffff  }
0xe3: {  	v25 =	vadd.s32 $0x4, v9;
	[tilespmem:s19+$0x4630] =	vst v27;
	v2 =	vld.idx.msk [tilespmem:v2+s2+$0x0], $0xffff  }
0xe4: {  	[tilespmem:s19+$0x39C0] =	vst v6;
	v6 =	vld.idx.msk [tilespmem:v10+s2+$0x0], $0xffff  }
0xe5: {  	[tilespmem:s19+$0x4620] =	vst v18;
	v7 =	vld.idx.msk [tilespmem:v23+s2+$0x0], $0xffff  }
0xe6: {  	v11 =	vadd.s32 $0x5, v39;
	v4 =	vld.idx.msk [tilespmem:v4+s2+$0x0], $0xffff;
	[tilespmem:s19+$0x4650] =	vst v12  }
0xe7: {  	v38 =	vadd.s32 $0x4, v0;
	v8 =	vld.idx.msk [tilespmem:v8+s2+$0x0], $0xffff;
	[tilespmem:s19+$0x39E0] =	vst v14  }
0xe8: {  	v36 =	vadd.s32 $0x4, v1;
	[tilespmem:s19+$0x46F0] =	vst v2;
	v28 =	vld.idx.msk [tilespmem:v25+s2+$0x0], $0xffff  }
0xe9: {  	v9 =	vadd.s32 $0x5, v9;
	[tilespmem:s19+$0x46B0] =	vst v6;
	v2 =	vld [tilespmem:s18+$0xC70]  }
0xea: {  	[tilespmem:s19+$0x4640] =	vst v7;
	v6 =	vld [tilespmem:s18+$0xC30]  }
0xeb: {  	[tilespmem:s19+$0x4890] =	vst v3;
	v7 =	vld.idx.msk [tilespmem:v11+s2+$0x0], $0xffff  }
0xec: {  	[tilespmem:s19+$0x4880] =	vst v5;
	v3 =	vld.idx.msk [tilespmem:v38+s2+$0x0], $0xffff  }
0xed: {  	v5 =	vld.idx.msk [tilespmem:v36+s2+$0x0], $0xffff;
	[tilespmem:s19+$0x4660] =	vst v28  }
0xee: {  	[tilespmem:s19+$0x46A0] =	vst v4;
	v9 =	vld.idx.msk [tilespmem:v9+s2+$0x0], $0xffff  }
0xef: {  	v4 =	vld [tilespmem:s18+$0xC20];
	[tilespmem:s19+$0x46D0] =	vst v8  }
0xf0: {  	v0 =	vadd.s32 $0x5, v0;
	v8 =	vld [tilespmem:s18+$0xC50];
	[tilespmem:s19+$0x46C0] =	vst v7  }
0xf1: {  	v1 =	vadd.s32 $0x5, v1;
	v7 =	vld [tilespmem:s18+$0xC40]  }
0xf2: {  	v40 =	vld.idx.msk [tilespmem:v2+s2+$0x0], $0xffff  }
0xf3: {  	v32 =	vld.idx.msk [tilespmem:v6+s2+$0x0], $0xffff;
	[tilespmem:s19+$0x46E0] =	vst v9  }
0xf4: {  	[tilespmem:s19+$0x4910] =	vst v3;
	v41 =	vadd.s32 $0x1, v2;
	v9 =	vld [tilespmem:s18+$0xC60]  }
0xf5: {  	v0 =	vld.idx.msk [tilespmem:v0+s2+$0x0], $0xffff;
	[tilespmem:s19+$0x4900] =	vst v5;
	v33 =	vadd.s32 $0x1, v6  }
0xf6: {  	v1 =	vld.idx.msk [tilespmem:v1+s2+$0x0], $0xffff  }
0xf7: {  	v30 =	vld.idx.msk [tilespmem:v4+s2+$0x0], $0xffff  }
0xf8: {  	v31 =	vadd.s32 $0x1, v4;
	v36 =	vld.idx.msk [tilespmem:v8+s2+$0x0], $0xffff;
	[tilespmem:s19+$0x4770] =	vst v40  }
0xf9: {  	v37 =	vadd.s32 $0x1, v8;
	[tilespmem:s19+$0x4730] =	vst v32;
	v10 =	vld.idx.msk [tilespmem:v41+s2+$0x0], $0xffff  }
0xfa: {  	[tilespmem:s19+$0x4990] =	vst v0;
	v47 =	vadd.s32 $0x2, v2;
	v11 =	vld.idx.msk [tilespmem:v33+s2+$0x0], $0xffff  }
0xfb: {  	[tilespmem:s19+$0x4980] =	vst v1;
	v43 =	vadd.s32 $0x2, v6;
	v34 =	vld.idx.msk [tilespmem:v7+s2+$0x0], $0xffff  }
0xfc: {  	v35 =	vadd.s32 $0x1, v7;
	[tilespmem:s19+$0x4720] =	vst v30;
	v38 =	vld.idx.msk [tilespmem:v9+s2+$0x0], $0xffff  }
0xfd: {  	v5 =	vld.idx.msk [tilespmem:v31+s2+$0x0], $0xffff;
	[tilespmem:s19+$0x4750] =	vst v36;
	v39 =	vadd.s32 $0x1, v9  }
0xfe: {  	v42 =	vadd.s32 $0x2, v4;
	v0 =	vld.idx.msk [tilespmem:v37+s2+$0x0], $0xffff;
	[tilespmem:s19+$0x47F0] =	vst v10  }
0xff: {  	[tilespmem:s19+$0x47B0] =	vst v11;
	v11 =	vld.idx.msk [tilespmem:v47+s2+$0x0], $0xffff  }
0x100: {  	v45 =	vadd.s32 $0x2, v8;
	[tilespmem:s19+$0x4740] =	vst v34;
	v13 =	vld.idx.msk [tilespmem:v43+s2+$0x0], $0xffff  }
0x101: {  	v53 =	vadd.s32 $0x3, v2;
	v1 =	vld.idx.msk [tilespmem:v35+s2+$0x0], $0xffff;
	[tilespmem:s19+$0x4760] =	vst v38  }
0x102: {  	v44 =	vadd.s32 $0x2, v7;
	[tilespmem:s19+$0x47A0] =	vst v5;
	v3 =	vld.idx.msk [tilespmem:v39+s2+$0x0], $0xffff  }
0x103: {  	v46 =	vadd.s32 $0x2, v9;
	v12 =	vld.idx.msk [tilespmem:v42+s2+$0x0], $0xffff;
	[tilespmem:s19+$0x47D0] =	vst v0  }
0x104: {  	v48 =	vadd.s32 $0x3, v4;
	[tilespmem:s19+$0x4870] =	vst v11  }
0x105: {  	v49 =	vadd.s32 $0x3, v6;
	v15 =	vld.idx.msk [tilespmem:v45+s2+$0x0], $0xffff;
	[tilespmem:s19+$0x4830] =	vst v13  }
0x106: {  	v13 =	vld.idx.msk [tilespmem:v53+s2+$0x0], $0xffff;
	[tilespmem:s19+$0x47C0] =	vst v1  }
0x107: {  	v51 =	vadd.s32 $0x3, v8;
	v14 =	vld.idx.msk [tilespmem:v44+s2+$0x0], $0xffff;
	[tilespmem:s19+$0x47E0] =	vst v3  }
0x108: {  	v50 =	vadd.s32 $0x3, v7;
	[tilespmem:s19+$0x4820] =	vst v12;
	v5 =	vld.idx.msk [tilespmem:v46+s2+$0x0], $0xffff  }
0x109: {  	v52 =	vadd.s32 $0x3, v9;
	v1 =	vld.idx.msk [tilespmem:v48+s2+$0x0], $0xffff  }
0x10a: {  	v59 =	vadd.s32 $0x4, v2;
	v0 =	vld.idx.msk [tilespmem:v49+s2+$0x0], $0xffff;
	[tilespmem:s19+$0x4850] =	vst v15  }
0x10b: {  	v54 =	vadd.s32 $0x4, v4;
	[tilespmem:s19+$0x48F0] =	vst v13  }
0x10c: {  	v55 =	vadd.s32 $0x4, v6;
	v10 =	vld.idx.msk [tilespmem:v51+s2+$0x0], $0xffff;
	[tilespmem:s19+$0x4840] =	vst v14  }
0x10d: {  	v57 =	vadd.s32 $0x4, v8;
	v3 =	vld.idx.msk [tilespmem:v50+s2+$0x0], $0xffff;
	[tilespmem:s19+$0x4860] =	vst v5  }
0x10e: {  	v56 =	vadd.s32 $0x4, v7;
	[tilespmem:s19+$0x48A0] =	vst v1;
	v12 =	vld.idx.msk [tilespmem:v52+s2+$0x0], $0xffff  }
0x10f: {  	v58 =	vadd.s32 $0x4, v9;
	[tilespmem:s19+$0x48B0] =	vst v0;
	v0 =	vld.idx.msk [tilespmem:v59+s2+$0x0], $0xffff  }
0x110: {  	v2 =	vadd.s32 $0x5, v2;
	v14 =	vld.idx.msk [tilespmem:v54+s2+$0x0], $0xffff  }
0x111: {  	v60 =	vadd.s32 $0x5, v4;
	v61 =	vld.idx.msk [tilespmem:v55+s2+$0x0], $0xffff;
	[tilespmem:s19+$0x48D0] =	vst v10  }
0x112: {  	v6 =	vadd.s32 $0x5, v6;
	v10 =	vld.idx.msk [tilespmem:v57+s2+$0x0], $0xffff;
	[tilespmem:s19+$0x48C0] =	vst v3  }
0x113: {  	v8 =	vadd.s32 $0x5, v8;
	v5 =	vld.idx.msk [tilespmem:v56+s2+$0x0], $0xffff;
	[tilespmem:s19+$0x48E0] =	vst v12  }
0x114: {  	v7 =	vadd.s32 $0x5, v7;
	[tilespmem:s19+$0x4970] =	vst v0;
	v1 =	vld.idx.msk [tilespmem:v58+s2+$0x0], $0xffff  }
0x115: {  	v9 =	vadd.s32 $0x5, v9;
	[tilespmem:s19+$0x4920] =	vst v14;
	v2 =	vld.idx.msk [tilespmem:v2+s2+$0x0], $0xffff  }
0x116: {  	[tilespmem:s19+$0x4930] =	vst v61;
	v3 =	vld.idx.msk [tilespmem:v60+s2+$0x0], $0xffff  }
0x117: {  	v4 =	vld.idx.msk [tilespmem:v6+s2+$0x0], $0xffff;
	[tilespmem:s19+$0x4950] =	vst v10  }
0x118: {  	v62 =	vld.idx.msk [tilespmem:v8+s2+$0x0], $0xffff;
	[tilespmem:s19+$0x4940] =	vst v5  }
0x119: {  	v5 =	vld.idx.msk [tilespmem:v7+s2+$0x0], $0xffff;
	[tilespmem:s19+$0x4960] =	vst v1  }
0x11a: {  	p0 =	slt.u32 s18, $0x180;
	[tilespmem:s19+$0x49F0] =	vst v2;
	v63 =	vld.idx.msk [tilespmem:v9+s2+$0x0], $0xffff  }
.Ltmp0:
0x11b: {  	[tilespmem:s19+$0x49A0] =	vst v3;
	(pc) =	sbr.rel @p0 .LBB2_2-.Ltmp0, $4  }
0x11c: {  	[tilespmem:s19+$0x49B0] =	vst v4  }
0x11d: {  	[tilespmem:s19+$0x49D0] =	vst v62  }
0x11e: {  	[tilespmem:s19+$0x49C0] =	vst v5  }
0x11f: {  	s18 =	sadd.s32 $0x80, s18;
	[tilespmem:s19+$0x49E0] =	vst v63  }
0x120: {  	s18 =	simm.s32 $0x0  }
0x121: {  	[hbm4b:s5+s18] =	stream.linear.scatter [tilespmem:s12], [sflag:$0x1], $0x3000, $0x38;
	[tilespmem:$0xE600] =	vst v63  }
.LBB2_4:
0x122: {  	v1 =	vld [tilespmem:s18+$0xE10]  }
0x123: {  	v0 =	vld [tilespmem:s18+$0xE00];
	_ =	sdelay $0x6  }
0x124: {  	v4 =	vld.idx.msk [tilespmem:v1+s2+$0x0], $0xffff  }
0x125: {  	v5 =	vadd.s32 $0x1, v1;
	v2 =	vld.idx.msk [tilespmem:v0+s2+$0x0], $0xffff  }
0x126: {  	v3 =	vadd.s32 $0x1, v0  }
0x127: {  	s19 =	sshll.u32 s18, $0x3  }
0x128: {  	s19 =	sand.u32 $0x3FFFFFF8, s19  }
0x129: {  	[tilespmem:s19+$0x5610] =	vst v4  }
0x12a: {  	[tilespmem:s19+$0x5600] =	vst v2;
	v4 =	vld.idx.msk [tilespmem:v5+s2+$0x0], $0xffff  }
0x12b: {  	v25 =	vadd.s32 $0x2, v1;
	v2 =	vld.idx.msk [tilespmem:v3+s2+$0x0], $0xffff  }
0x12c: {  	v24 =	vadd.s32 $0x2, v0;
	_ =	sdelay $0x2  }
0x12d: {  	[tilespmem:s19+$0x5690] =	vst v4  }
0x12e: {  	[tilespmem:s19+$0x5680] =	vst v2;
	v4 =	vld.idx.msk [tilespmem:v25+s2+$0x0], $0xffff  }
0x12f: {  	v27 =	vadd.s32 $0x3, v1;
	v2 =	vld.idx.msk [tilespmem:v24+s2+$0x0], $0xffff  }
0x130: {  	v26 =	vadd.s32 $0x3, v0;
	_ =	sdelay $0x2  }
0x131: {  	[tilespmem:s19+$0x5710] =	vst v4  }
0x132: {  	[tilespmem:s19+$0x5700] =	vst v2;
	v4 =	vld.idx.msk [tilespmem:v27+s2+$0x0], $0xffff  }
0x133: {  	v29 =	vadd.s32 $0x4, v1;
	v2 =	vld.idx.msk [tilespmem:v26+s2+$0x0], $0xffff  }
0x134: {  	v28 =	vadd.s32 $0x4, v0;
	_ =	sdelay $0x2  }
0x135: {  	[tilespmem:s19+$0x5790] =	vst v4  }
0x136: {  	[tilespmem:s19+$0x5780] =	vst v2;
	v30 =	vld.idx.msk [tilespmem:v29+s2+$0x0], $0xffff  }
0x137: {  	v1 =	vadd.s32 $0x5, v1;
	v2 =	vld.idx.msk [tilespmem:v28+s2+$0x0], $0xffff  }
0x138: {  	v0 =	vadd.s32 $0x5, v0;
	_ =	sdelay $0x2  }
0x139: {  	[tilespmem:s19+$0x5810] =	vst v30  }
0x13a: {  	[tilespmem:s19+$0x5800] =	vst v2;
	v1 =	vld.idx.msk [tilespmem:v1+s2+$0x0], $0xffff  }
0x13b: {  	v0 =	vld.idx.msk [tilespmem:v0+s2+$0x0], $0xffff;
	_ =	sdelay $0x3  }
0x13c: {  	[tilespmem:s19+$0x5890] =	vst v1  }
0x13d: {  	[tilespmem:s19+$0x5880] =	vst v0;
	v1 =	vld [tilespmem:s18+$0x1010]  }
0x13e: {  	v0 =	vld [tilespmem:s18+$0x1000];
	_ =	sdelay $0x6  }
0x13f: {  	v4 =	vld.idx.msk [tilespmem:v1+s2+$0x0], $0xffff  }
0x140: {  	v32 =	vadd.s32 $0x1, v1;
	v2 =	vld.idx.msk [tilespmem:v0+s2+$0x0], $0xffff  }
0x141: {  	v31 =	vadd.s32 $0x1, v0;
	_ =	sdelay $0x2  }
0x142: {  	[tilespmem:s19+$0x5910] =	vst v4  }
0x143: {  	[tilespmem:s19+$0x5900] =	vst v2;
	v4 =	vld.idx.msk [tilespmem:v32+s2+$0x0], $0xffff  }
0x144: {  	v34 =	vadd.s32 $0x2, v1;
	v2 =	vld.idx.msk [tilespmem:v31+s2+$0x0], $0xffff  }
0x145: {  	v33 =	vadd.s32 $0x2, v0;
	_ =	sdelay $0x2  }
0x146: {  	[tilespmem:s19+$0x5990] =	vst v4  }
0x147: {  	[tilespmem:s19+$0x5980] =	vst v2;
	v4 =	vld.idx.msk [tilespmem:v34+s2+$0x0], $0xffff  }
0x148: {  	v36 =	vadd.s32 $0x3, v1;
	v2 =	vld.idx.msk [tilespmem:v33+s2+$0x0], $0xffff  }
0x149: {  	v35 =	vadd.s32 $0x3, v0;
	_ =	sdelay $0x2  }
0x14a: {  	[tilespmem:s19+$0x6610] =	vst v4  }
0x14b: {  	[tilespmem:s19+$0x6600] =	vst v2;
	v4 =	vld.idx.msk [tilespmem:v36+s2+$0x0], $0xffff  }
0x14c: {  	v38 =	vadd.s32 $0x4, v1;
	v2 =	vld.idx.msk [tilespmem:v35+s2+$0x0], $0xffff  }
0x14d: {  	v37 =	vadd.s32 $0x4, v0;
	_ =	sdelay $0x2  }
0x14e: {  	[tilespmem:s19+$0x6690] =	vst v4  }
0x14f: {  	[tilespmem:s19+$0x6680] =	vst v2;
	v39 =	vld.idx.msk [tilespmem:v38+s2+$0x0], $0xffff  }
0x150: {  	v1 =	vadd.s32 $0x5, v1;
	v2 =	vld.idx.msk [tilespmem:v37+s2+$0x0], $0xffff  }
0x151: {  	v0 =	vadd.s32 $0x5, v0;
	_ =	sdelay $0x2  }
0x152: {  	[tilespmem:s19+$0x6710] =	vst v39  }
0x153: {  	[tilespmem:s19+$0x6700] =	vst v2;
	v1 =	vld.idx.msk [tilespmem:v1+s2+$0x0], $0xffff  }
0x154: {  	v0 =	vld.idx.msk [tilespmem:v0+s2+$0x0], $0xffff;
	_ =	sdelay $0x3  }
0x155: {  	[tilespmem:s19+$0x6790] =	vst v1  }
0x156: {  	[tilespmem:s19+$0x6780] =	vst v0;
	v1 =	vld [tilespmem:s18+$0x1210]  }
0x157: {  	v0 =	vld [tilespmem:s18+$0x1200];
	_ =	sdelay $0x6  }
0x158: {  	v4 =	vld.idx.msk [tilespmem:v1+s2+$0x0], $0xffff  }
0x159: {  	v41 =	vadd.s32 $0x1, v1;
	v2 =	vld.idx.msk [tilespmem:v0+s2+$0x0], $0xffff  }
0x15a: {  	v40 =	vadd.s32 $0x1, v0;
	_ =	sdelay $0x2  }
0x15b: {  	[tilespmem:s19+$0x6810] =	vst v4  }
0x15c: {  	[tilespmem:s19+$0x6800] =	vst v2;
	v4 =	vld.idx.msk [tilespmem:v41+s2+$0x0], $0xffff  }
0x15d: {  	v43 =	vadd.s32 $0x2, v1;
	v2 =	vld.idx.msk [tilespmem:v40+s2+$0x0], $0xffff  }
0x15e: {  	v42 =	vadd.s32 $0x2, v0;
	_ =	sdelay $0x2  }
0x15f: {  	[tilespmem:s19+$0x6890] =	vst v4  }
0x160: {  	[tilespmem:s19+$0x6880] =	vst v2;
	v4 =	vld.idx.msk [tilespmem:v43+s2+$0x0], $0xffff  }
0x161: {  	v45 =	vadd.s32 $0x3, v1;
	v2 =	vld.idx.msk [tilespmem:v42+s2+$0x0], $0xffff  }
0x162: {  	v44 =	vadd.s32 $0x3, v0;
	_ =	sdelay $0x2  }
0x163: {  	v54 =	vld [tilespmem:s18+$0xE20];
	[tilespmem:s19+$0x6910] =	vst v4  }
0x164: {  	[tilespmem:s19+$0x6900] =	vst v2;
	v4 =	vld.idx.msk [tilespmem:v45+s2+$0x0], $0xffff  }
0x165: {  	v47 =	vadd.s32 $0x4, v1;
	v2 =	vld.idx.msk [tilespmem:v44+s2+$0x0], $0xffff  }
0x166: {  	v6 =	vld [tilespmem:s18+$0xE30];
	v46 =	vadd.s32 $0x4, v0  }
0x167: {  	v8 =	vld [tilespmem:s18+$0xE40]  }
0x168: {  	v9 =	vld [tilespmem:s18+$0xE50]  }
0x169: {  	v56 =	vld [tilespmem:s18+$0xE70];
	[tilespmem:s19+$0x6990] =	vst v4  }
0x16a: {  	[tilespmem:s19+$0x6980] =	vst v2;
	v48 =	vld.idx.msk [tilespmem:v47+s2+$0x0], $0xffff  }
0x16b: {  	v1 =	vadd.s32 $0x5, v1;
	v2 =	vld.idx.msk [tilespmem:v46+s2+$0x0], $0xffff  }
0x16c: {  	v10 =	vld [tilespmem:s18+$0xE60];
	v0 =	vadd.s32 $0x5, v0  }
0x16d: {  	v57 =	vld.idx.msk [tilespmem:v54+s2+$0x0], $0xffff  }
0x16e: {  	v12 =	vld.idx.msk [tilespmem:v6+s2+$0x0], $0xffff  }
0x16f: {  	v14 =	vld.idx.msk [tilespmem:v8+s2+$0x0], $0xffff;
	[tilespmem:s19+$0x7610] =	vst v48  }
0x170: {  	v13 =	vadd.s32 $0x1, v6;
	[tilespmem:s19+$0x7600] =	vst v2;
	v49 =	vld.idx.msk [tilespmem:v1+s2+$0x0], $0xffff  }
0x171: {  	v0 =	vld.idx.msk [tilespmem:v0+s2+$0x0], $0xffff  }
0x172: {  	v11 =	vadd.s32 $0x1, v54;
	v16 =	vld.idx.msk [tilespmem:v9+s2+$0x0], $0xffff  }
0x173: {  	v17 =	vadd.s32 $0x1, v9;
	v19 =	vld.idx.msk [tilespmem:v56+s2+$0x0], $0xffff;
	[tilespmem:s19+$0x5620] =	vst v57  }
0x174: {  	v59 =	vadd.s32 $0x1, v56;
	v18 =	vld.idx.msk [tilespmem:v10+s2+$0x0], $0xffff;
	[tilespmem:s19+$0x5630] =	vst v12  }
0x175: {  	v13 =	vld.idx.msk [tilespmem:v13+s2+$0x0], $0xffff;
	[tilespmem:s19+$0x7690] =	vst v49  }
0x176: {  	v61 =	vadd.s32 $0x2, v6;
	[tilespmem:s19+$0x7680] =	vst v0;
	v0 =	vld [tilespmem:s18+$0x1410]  }
0x177: {  	v15 =	vadd.s32 $0x1, v8;
	[tilespmem:s19+$0x5650] =	vst v16;
	v11 =	vld.idx.msk [tilespmem:v11+s2+$0x0], $0xffff  }
0x178: {  	v60 =	vadd.s32 $0x2, v54;
	[tilespmem:s19+$0x5670] =	vst v19;
	v17 =	vld.idx.msk [tilespmem:v17+s2+$0x0], $0xffff  }
0x179: {  	v12 =	vld.idx.msk [tilespmem:v59+s2+$0x0], $0xffff  }
0x17a: {  	v63 =	vadd.s32 $0x2, v9;
	[tilespmem:s19+$0x56B0] =	vst v13;
	v1 =	vld [tilespmem:s18+$0x1400]  }
0x17b: {  	v22 =	vadd.s32 $0x2, v56;
	[tilespmem:s19+$0x5640] =	vst v14;
	v16 =	vld.idx.msk [tilespmem:v61+s2+$0x0], $0xffff  }
0x17c: {  	v15 =	vld.idx.msk [tilespmem:v15+s2+$0x0], $0xffff;
	[tilespmem:s19+$0x56A0] =	vst v11;
	v24 =	vadd.s32 $0x3, v6  }
0x17d: {  	[tilespmem:s19+$0x5660] =	vst v18;
	v14 =	vld.idx.msk [tilespmem:v60+s2+$0x0], $0xffff  }
0x17e: {  	v62 =	vadd.s32 $0x2, v8;
	[tilespmem:s19+$0x56D0] =	vst v17;
	v4 =	vld.idx.msk [tilespmem:v0+s2+$0x0], $0xffff  }
0x17f: {  	[tilespmem:s19+$0x56F0] =	vst v12;
	v19 =	vld.idx.msk [tilespmem:v63+s2+$0x0], $0xffff;
	v52 =	vadd.s32 $0x1, v0  }
0x180: {  	v23 =	vadd.s32 $0x3, v54;
	v13 =	vld.idx.msk [tilespmem:v22+s2+$0x0], $0xffff;
	[tilespmem:s19+$0x5730] =	vst v16  }
0x181: {  	[tilespmem:s19+$0x56C0] =	vst v15;
	v17 =	vld.idx.msk [tilespmem:v24+s2+$0x0], $0xffff;
	v28 =	vadd.s32 $0x3, v56  }
0x182: {  	[tilespmem:s19+$0x5720] =	vst v14;
	v30 =	vadd.s32 $0x4, v6;
	v50 =	vld.idx.msk [tilespmem:v1+s2+$0x0], $0xffff  }
0x183: {  	v18 =	vld.idx.msk [tilespmem:v62+s2+$0x0], $0xffff;
	v51 =	vadd.s32 $0x1, v1;
	[tilespmem:s19+$0x7710] =	vst v4  }
0x184: {  	[tilespmem:s19+$0x5750] =	vst v19;
	v26 =	vadd.s32 $0x3, v9;
	v53 =	vld.idx.msk [tilespmem:v52+s2+$0x0], $0xffff  }
0x185: {  	[tilespmem:s19+$0x5770] =	vst v13;
	v15 =	vld.idx.msk [tilespmem:v23+s2+$0x0], $0xffff;
	v7 =	vadd.s32 $0x2, v0  }
0x186: {  	v58 =	vadd.s32 $0x1, v10;
	[tilespmem:s19+$0x57B0] =	vst v17;
	v16 =	vld.idx.msk [tilespmem:v28+s2+$0x0], $0xffff  }
0x187: {  	v19 =	vld.idx.msk [tilespmem:v30+s2+$0x0], $0xffff;
	v34 =	vadd.s32 $0x4, v56;
	[tilespmem:s19+$0x7700] =	vst v50  }
0x188: {  	v2 =	vld.idx.msk [tilespmem:v51+s2+$0x0], $0xffff  }
0x189: {  	v12 =	vld.idx.msk [tilespmem:v26+s2+$0x0], $0xffff;
	v6 =	vadd.s32 $0x5, v6;
	[tilespmem:s19+$0x7790] =	vst v53  }
0x18a: {  	[tilespmem:s19+$0x5740] =	vst v18;
	v29 =	vadd.s32 $0x4, v54;
	v3 =	vld.idx.msk [tilespmem:v7+s2+$0x0], $0xffff  }
0x18b: {  	[tilespmem:s19+$0x57F0] =	vst v16;
	v32 =	vadd.s32 $0x4, v9;
	v7 =	vld.idx.msk [tilespmem:v58+s2+$0x0], $0xffff  }
0x18c: {  	v21 =	vadd.s32 $0x2, v10;
	[tilespmem:s19+$0x5830] =	vst v19;
	v37 =	vld.idx.msk [tilespmem:v34+s2+$0x0], $0xffff  }
0x18d: {  	[tilespmem:s19+$0x7780] =	vst v2;
	v2 =	vadd.s32 $0x5, v56  }
0x18e: {  	v25 =	vadd.s32 $0x3, v8;
	[tilespmem:s19+$0x57A0] =	vst v15;
	v6 =	vld.idx.msk [tilespmem:v6+s2+$0x0], $0xffff  }
0x18f: {  	[tilespmem:s19+$0x57D0] =	vst v12;
	v18 =	vld.idx.msk [tilespmem:v29+s2+$0x0], $0xffff  }
0x190: {  	v35 =	vld.idx.msk [tilespmem:v32+s2+$0x0], $0xffff;
	[tilespmem:s19+$0x56E0] =	vst v7  }
0x191: {  	[tilespmem:s19+$0x5870] =	vst v37;
	v4 =	vadd.s32 $0x5, v54;
	v11 =	vld.idx.msk [tilespmem:v21+s2+$0x0], $0xffff  }
0x192: {  	v27 =	vadd.s32 $0x3, v10;
	v2 =	vld.idx.msk [tilespmem:v2+s2+$0x0], $0xffff  }
0x193: {  	[tilespmem:s19+$0x58B0] =	vst v6;
	v7 =	vld.idx.msk [tilespmem:v25+s2+$0x0], $0xffff  }
0x194: {  	v31 =	vadd.s32 $0x4, v8;
	v41 =	vld [tilespmem:s18+$0x1030]  }
0x195: {  	[tilespmem:s19+$0x5820] =	vst v18;
	v9 =	vadd.s32 $0x5, v9  }
0x196: {  	v4 =	vld.idx.msk [tilespmem:v4+s2+$0x0], $0xffff;
	[tilespmem:s19+$0x5760] =	vst v11  }
0x197: {  	[tilespmem:s19+$0x58F0] =	vst v2;
	v14 =	vld.idx.msk [tilespmem:v27+s2+$0x0], $0xffff  }
0x198: {  	v33 =	vadd.s32 $0x4, v10;
	[tilespmem:s19+$0x57C0] =	vst v7;
	v2 =	vld [tilespmem:s18+$0x1070]  }
0x199: {  	[tilespmem:s19+$0x5850] =	vst v35;
	v7 =	vld.idx.msk [tilespmem:v31+s2+$0x0], $0xffff  }
0x19a: {  	v8 =	vadd.s32 $0x5, v8;
	v38 =	vld.idx.msk [tilespmem:v9+s2+$0x0], $0xffff;
	_ =	sdelay $0x1  }
0x19b: {  	v46 =	vld.idx.msk [tilespmem:v41+s2+$0x0], $0xffff;
	[tilespmem:s19+$0x57E0] =	vst v14  }
0x19c: {  	v55 =	vadd.s32 $0x2, v1;
	[tilespmem:s19+$0x58A0] =	vst v4;
	v36 =	vld.idx.msk [tilespmem:v33+s2+$0x0], $0xffff  }
0x19d: {  	v10 =	vadd.s32 $0x5, v10;
	v4 =	vld [tilespmem:s18+$0x1020];
	[tilespmem:s19+$0x5840] =	vst v7  }
0x19e: {  	[tilespmem:s19+$0x58D0] =	vst v38;
	v47 =	vadd.s32 $0x1, v41;
	v7 =	vld.idx.msk [tilespmem:v8+s2+$0x0], $0xffff  }
0x19f: {  	v8 =	vld [tilespmem:s18+$0x1050]  }
0x1a0: {  	v54 =	vld.idx.msk [tilespmem:v2+s2+$0x0], $0xffff  }
0x1a1: {  	v5 =	vld.idx.msk [tilespmem:v55+s2+$0x0], $0xffff;
	v55 =	vadd.s32 $0x1, v2;
	[tilespmem:s19+$0x5860] =	vst v36  }
0x1a2: {  	[tilespmem:s19+$0x5930] =	vst v46;
	v39 =	vld.idx.msk [tilespmem:v10+s2+$0x0], $0xffff  }
0x1a3: {  	v13 =	vld.idx.msk [tilespmem:v47+s2+$0x0], $0xffff;
	[tilespmem:s19+$0x58C0] =	vst v7  }
0x1a4: {  	v43 =	vld [tilespmem:s18+$0x1040]  }
0x1a5: {  	v57 =	vadd.s32 $0x2, v41;
	v44 =	vld.idx.msk [tilespmem:v4+s2+$0x0], $0xffff;
	[tilespmem:s19+$0x5970] =	vst v54  }
0x1a6: {  	v45 =	vadd.s32 $0x1, v4;
	v12 =	vld.idx.msk [tilespmem:v55+s2+$0x0], $0xffff  }
0x1a7: {  	v50 =	vld.idx.msk [tilespmem:v8+s2+$0x0], $0xffff;
	[tilespmem:s19+$0x58E0] =	vst v39  }
0x1a8: {  	v61 =	vadd.s32 $0x2, v2;
	v9 =	vld [tilespmem:s18+$0x1060]  }
0x1a9: {  	[tilespmem:s19+$0x59B0] =	vst v13;
	v51 =	vadd.s32 $0x1, v8  }
0x1aa: {  	v16 =	vld.idx.msk [tilespmem:v57+s2+$0x0], $0xffff;
	[tilespmem:s19+$0x5920] =	vst v44  }
0x1ab: {  	v7 =	vld.idx.msk [tilespmem:v45+s2+$0x0], $0xffff  }
0x1ac: {  	v56 =	vadd.s32 $0x2, v4;
	[tilespmem:s19+$0x59F0] =	vst v12;
	v48 =	vld.idx.msk [tilespmem:v43+s2+$0x0], $0xffff  }
0x1ad: {  	v49 =	vadd.s32 $0x1, v43;
	[tilespmem:s19+$0x5950] =	vst v50;
	v13 =	vld.idx.msk [tilespmem:v61+s2+$0x0], $0xffff  }
0x1ae: {  	v63 =	vadd.s32 $0x3, v41;
	v17 =	vld.idx.msk [tilespmem:v51+s2+$0x0], $0xffff  }
0x1af: {  	[tilespmem:s19+$0x6630] =	vst v16;
	v24 =	vadd.s32 $0x3, v2  }
0x1b0: {  	v59 =	vadd.s32 $0x2, v8;
	[tilespmem:s19+$0x59A0] =	vst v7;
	v52 =	vld.idx.msk [tilespmem:v9+s2+$0x0], $0xffff  }
0x1b1: {  	v14 =	vld.idx.msk [tilespmem:v56+s2+$0x0], $0xffff;
	v53 =	vadd.s32 $0x1, v9;
	[tilespmem:s19+$0x5940] =	vst v48  }
0x1b2: {  	v62 =	vadd.s32 $0x3, v4;
	[tilespmem:s19+$0x6670] =	vst v13;
	v15 =	vld.idx.msk [tilespmem:v49+s2+$0x0], $0xffff  }
0x1b3: {  	v58 =	vadd.s32 $0x2, v43;
	[tilespmem:s19+$0x59D0] =	vst v17;
	v17 =	vld.idx.msk [tilespmem:v63+s2+$0x0], $0xffff  }
0x1b4: {  	v16 =	vld.idx.msk [tilespmem:v24+s2+$0x0], $0xffff  }
0x1b5: {  	v30 =	vadd.s32 $0x4, v2;
	v19 =	vld.idx.msk [tilespmem:v59+s2+$0x0], $0xffff;
	[tilespmem:s19+$0x5960] =	vst v52  }
0x1b6: {  	v22 =	vadd.s32 $0x3, v8;
	[tilespmem:s19+$0x6620] =	vst v14;
	v6 =	vld.idx.msk [tilespmem:v53+s2+$0x0], $0xffff  }
0x1b7: {  	v60 =	vadd.s32 $0x2, v9;
	[tilespmem:s19+$0x59C0] =	vst v15;
	v15 =	vld.idx.msk [tilespmem:v62+s2+$0x0], $0xffff  }
0x1b8: {  	v25 =	vadd.s32 $0x4, v4;
	[tilespmem:s19+$0x66B0] =	vst v17;
	v18 =	vld.idx.msk [tilespmem:v58+s2+$0x0], $0xffff  }
0x1b9: {  	v26 =	vadd.s32 $0x4, v41;
	[tilespmem:s19+$0x66F0] =	vst v16  }
0x1ba: {  	v21 =	vadd.s32 $0x3, v43;
	[tilespmem:s19+$0x6650] =	vst v19;
	v35 =	vld.idx.msk [tilespmem:v30+s2+$0x0], $0xffff  }
0x1bb: {  	v2 =	vadd.s32 $0x5, v2;
	v12 =	vld.idx.msk [tilespmem:v22+s2+$0x0], $0xffff;
	[tilespmem:s19+$0x59E0] =	vst v6  }
0x1bc: {  	v28 =	vadd.s32 $0x4, v8;
	[tilespmem:s19+$0x66A0] =	vst v15;
	v7 =	vld.idx.msk [tilespmem:v60+s2+$0x0], $0xffff  }
0x1bd: {  	v23 =	vadd.s32 $0x3, v9;
	[tilespmem:s19+$0x6640] =	vst v18;
	v18 =	vld.idx.msk [tilespmem:v25+s2+$0x0], $0xffff  }
0x1be: {  	v4 =	vadd.s32 $0x5, v4;
	v19 =	vld.idx.msk [tilespmem:v26+s2+$0x0], $0xffff  }
0x1bf: {  	v31 =	vadd.s32 $0x5, v41;
	[tilespmem:s19+$0x6770] =	vst v35;
	v6 =	vld.idx.msk [tilespmem:v21+s2+$0x0], $0xffff  }
0x1c0: {  	v27 =	vadd.s32 $0x4, v43;
	[tilespmem:s19+$0x66D0] =	vst v12;
	v2 =	vld.idx.msk [tilespmem:v2+s2+$0x0], $0xffff  }
0x1c1: {  	v33 =	vld.idx.msk [tilespmem:v28+s2+$0x0], $0xffff;
	[tilespmem:s19+$0x6660] =	vst v7  }
0x1c2: {  	v8 =	vadd.s32 $0x5, v8;
	[tilespmem:s19+$0x6720] =	vst v18;
	v14 =	vld.idx.msk [tilespmem:v23+s2+$0x0], $0xffff  }
0x1c3: {  	v29 =	vadd.s32 $0x4, v9;
	[tilespmem:s19+$0x6730] =	vst v19;
	v4 =	vld.idx.msk [tilespmem:v4+s2+$0x0], $0xffff  }
0x1c4: {  	[tilespmem:s19+$0x66C0] =	vst v6;
	v6 =	vld.idx.msk [tilespmem:v31+s2+$0x0], $0xffff  }
0x1c5: {  	[tilespmem:s19+$0x67F0] =	vst v2;
	v7 =	vld.idx.msk [tilespmem:v27+s2+$0x0], $0xffff  }
0x1c6: {  	v32 =	vadd.s32 $0x5, v43;
	[tilespmem:s19+$0x6750] =	vst v33;
	v2 =	vld [tilespmem:s18+$0x1270]  }
0x1c7: {  	v40 =	vadd.s32 $0x3, v1;
	v8 =	vld.idx.msk [tilespmem:v8+s2+$0x0], $0xffff;
	[tilespmem:s19+$0x66E0] =	vst v14  }
0x1c8: {  	[tilespmem:s19+$0x67A0] =	vst v4;
	v34 =	vld.idx.msk [tilespmem:v29+s2+$0x0], $0xffff  }
0x1c9: {  	v9 =	vadd.s32 $0x5, v9;
	[tilespmem:s19+$0x67B0] =	vst v6;
	v4 =	vld [tilespmem:s18+$0x1220]  }
0x1ca: {  	v42 =	vadd.s32 $0x3, v0;
	[tilespmem:s19+$0x6740] =	vst v7;
	v37 =	vld [tilespmem:s18+$0x1230]  }
0x1cb: {  	[tilespmem:s19+$0x7800] =	vst v5;
	v7 =	vld.idx.msk [tilespmem:v32+s2+$0x0], $0xffff  }
0x1cc: {  	v5 =	vld.idx.msk [tilespmem:v40+s2+$0x0], $0xffff;
	[tilespmem:s19+$0x67D0] =	vst v8  }
0x1cd: {  	v8 =	vld [tilespmem:s18+$0x1250];
	[tilespmem:s19+$0x6760] =	vst v34  }
0x1ce: {  	[tilespmem:s19+$0x7810] =	vst v3;
	v9 =	vld.idx.msk [tilespmem:v9+s2+$0x0], $0xffff  }
0x1cf: {  	v3 =	vld.idx.msk [tilespmem:v42+s2+$0x0], $0xffff  }
0x1d0: {  	v50 =	vld.idx.msk [tilespmem:v2+s2+$0x0], $0xffff;
	[tilespmem:s19+$0x67C0] =	vst v7  }
0x1d1: {  	v39 =	vld [tilespmem:s18+$0x1240]  }
0x1d2: {  	v51 =	vadd.s32 $0x1, v2;
	v42 =	vld.idx.msk [tilespmem:v37+s2+$0x0], $0xffff  }
0x1d3: {  	v43 =	vadd.s32 $0x1, v37;
	v40 =	vld.idx.msk [tilespmem:v4+s2+$0x0], $0xffff;
	[tilespmem:s19+$0x67E0] =	vst v9  }
0x1d4: {  	v9 =	vld [tilespmem:s18+$0x1260]  }
0x1d5: {  	v41 =	vadd.s32 $0x1, v4;
	v46 =	vld.idx.msk [tilespmem:v8+s2+$0x0], $0xffff  }
0x1d6: {  	v47 =	vadd.s32 $0x1, v8;
	[tilespmem:s19+$0x6870] =	vst v50  }
0x1d7: {  	v12 =	vld.idx.msk [tilespmem:v51+s2+$0x0], $0xffff;
	[tilespmem:s19+$0x6830] =	vst v42  }
0x1d8: {  	v57 =	vadd.s32 $0x2, v2;
	v13 =	vld.idx.msk [tilespmem:v43+s2+$0x0], $0xffff  }
0x1d9: {  	v53 =	vadd.s32 $0x2, v37;
	[tilespmem:s19+$0x6820] =	vst v40;
	v44 =	vld.idx.msk [tilespmem:v39+s2+$0x0], $0xffff  }
0x1da: {  	v45 =	vadd.s32 $0x1, v39;
	v7 =	vld.idx.msk [tilespmem:v41+s2+$0x0], $0xffff;
	[tilespmem:s19+$0x6850] =	vst v46  }
0x1db: {  	v52 =	vadd.s32 $0x2, v4;
	v17 =	vld.idx.msk [tilespmem:v47+s2+$0x0], $0xffff  }
0x1dc: {  	v55 =	vadd.s32 $0x2, v8;
	[tilespmem:s19+$0x68F0] =	vst v12;
	v48 =	vld.idx.msk [tilespmem:v9+s2+$0x0], $0xffff  }
0x1dd: {  	v49 =	vadd.s32 $0x1, v9;
	[tilespmem:s19+$0x68B0] =	vst v13;
	v13 =	vld.idx.msk [tilespmem:v57+s2+$0x0], $0xffff  }
0x1de: {  	v63 =	vadd.s32 $0x3, v2;
	[tilespmem:s19+$0x6840] =	vst v44;
	v16 =	vld.idx.msk [tilespmem:v53+s2+$0x0], $0xffff  }
0x1df: {  	v59 =	vadd.s32 $0x3, v37;
	[tilespmem:s19+$0x68A0] =	vst v7;
	v15 =	vld.idx.msk [tilespmem:v45+s2+$0x0], $0xffff  }
0x1e0: {  	v54 =	vadd.s32 $0x2, v39;
	v14 =	vld.idx.msk [tilespmem:v52+s2+$0x0], $0xffff;
	[tilespmem:s19+$0x68D0] =	vst v17  }
0x1e1: {  	v58 =	vadd.s32 $0x3, v4;
	v19 =	vld.idx.msk [tilespmem:v55+s2+$0x0], $0xffff;
	[tilespmem:s19+$0x6860] =	vst v48  }
0x1e2: {  	v61 =	vadd.s32 $0x3, v8;
	[tilespmem:s19+$0x6970] =	vst v13;
	v6 =	vld.idx.msk [tilespmem:v49+s2+$0x0], $0xffff  }
0x1e3: {  	v56 =	vadd.s32 $0x2, v9;
	[tilespmem:s19+$0x6930] =	vst v16;
	v16 =	vld.idx.msk [tilespmem:v63+s2+$0x0], $0xffff  }
0x1e4: {  	v26 =	vadd.s32 $0x4, v2;
	[tilespmem:s19+$0x68C0] =	vst v15;
	v17 =	vld.idx.msk [tilespmem:v59+s2+$0x0], $0xffff  }
0x1e5: {  	v22 =	vadd.s32 $0x4, v37;
	[tilespmem:s19+$0x6920] =	vst v14;
	v18 =	vld.idx.msk [tilespmem:v54+s2+$0x0], $0xffff  }
0x1e6: {  	v60 =	vadd.s32 $0x3, v39;
	v15 =	vld.idx.msk [tilespmem:v58+s2+$0x0], $0xffff;
	[tilespmem:s19+$0x6950] =	vst v19  }
0x1e7: {  	v21 =	vadd.s32 $0x4, v4;
	v12 =	vld.idx.msk [tilespmem:v61+s2+$0x0], $0xffff;
	[tilespmem:s19+$0x68E0] =	vst v6  }
0x1e8: {  	v24 =	vadd.s32 $0x4, v8;
	[tilespmem:s19+$0x69F0] =	vst v16;
	v7 =	vld.idx.msk [tilespmem:v56+s2+$0x0], $0xffff  }
0x1e9: {  	v62 =	vadd.s32 $0x3, v9;
	[tilespmem:s19+$0x69B0] =	vst v17;
	v29 =	vld.idx.msk [tilespmem:v26+s2+$0x0], $0xffff  }
0x1ea: {  	v2 =	vadd.s32 $0x5, v2;
	[tilespmem:s19+$0x6940] =	vst v18;
	v27 =	vld.idx.msk [tilespmem:v22+s2+$0x0], $0xffff  }
0x1eb: {  	v10 =	vadd.s32 $0x5, v37;
	[tilespmem:s19+$0x69A0] =	vst v15;
	v6 =	vld.idx.msk [tilespmem:v60+s2+$0x0], $0xffff  }
0x1ec: {  	v23 =	vadd.s32 $0x4, v39;
	v18 =	vld.idx.msk [tilespmem:v21+s2+$0x0], $0xffff;
	[tilespmem:s19+$0x69D0] =	vst v12  }
0x1ed: {  	v4 =	vadd.s32 $0x5, v4;
	v12 =	vld.idx.msk [tilespmem:v24+s2+$0x0], $0xffff;
	[tilespmem:s19+$0x6960] =	vst v7  }
0x1ee: {  	v8 =	vadd.s32 $0x5, v8;
	[tilespmem:s19+$0x7670] =	vst v29;
	v14 =	vld.idx.msk [tilespmem:v62+s2+$0x0], $0xffff  }
0x1ef: {  	v25 =	vadd.s32 $0x4, v9;
	[tilespmem:s19+$0x7630] =	vst v27;
	v2 =	vld.idx.msk [tilespmem:v2+s2+$0x0], $0xffff  }
0x1f0: {  	[tilespmem:s19+$0x69C0] =	vst v6;
	v6 =	vld.idx.msk [tilespmem:v10+s2+$0x0], $0xffff  }
0x1f1: {  	[tilespmem:s19+$0x7620] =	vst v18;
	v7 =	vld.idx.msk [tilespmem:v23+s2+$0x0], $0xffff  }
0x1f2: {  	v11 =	vadd.s32 $0x5, v39;
	v4 =	vld.idx.msk [tilespmem:v4+s2+$0x0], $0xffff;
	[tilespmem:s19+$0x7650] =	vst v12  }
0x1f3: {  	v38 =	vadd.s32 $0x4, v0;
	v8 =	vld.idx.msk [tilespmem:v8+s2+$0x0], $0xffff;
	[tilespmem:s19+$0x69E0] =	vst v14  }
0x1f4: {  	v36 =	vadd.s32 $0x4, v1;
	[tilespmem:s19+$0x76F0] =	vst v2;
	v28 =	vld.idx.msk [tilespmem:v25+s2+$0x0], $0xffff  }
0x1f5: {  	v9 =	vadd.s32 $0x5, v9;
	[tilespmem:s19+$0x76B0] =	vst v6;
	v2 =	vld [tilespmem:s18+$0x1470]  }
0x1f6: {  	[tilespmem:s19+$0x7640] =	vst v7;
	v6 =	vld [tilespmem:s18+$0x1430]  }
0x1f7: {  	[tilespmem:s19+$0x7890] =	vst v3;
	v7 =	vld.idx.msk [tilespmem:v11+s2+$0x0], $0xffff  }
0x1f8: {  	[tilespmem:s19+$0x7880] =	vst v5;
	v3 =	vld.idx.msk [tilespmem:v38+s2+$0x0], $0xffff  }
0x1f9: {  	v5 =	vld.idx.msk [tilespmem:v36+s2+$0x0], $0xffff;
	[tilespmem:s19+$0x7660] =	vst v28  }
0x1fa: {  	[tilespmem:s19+$0x76A0] =	vst v4;
	v9 =	vld.idx.msk [tilespmem:v9+s2+$0x0], $0xffff  }
0x1fb: {  	v4 =	vld [tilespmem:s18+$0x1420];
	[tilespmem:s19+$0x76D0] =	vst v8  }
0x1fc: {  	v0 =	vadd.s32 $0x5, v0;
	v8 =	vld [tilespmem:s18+$0x1450];
	[tilespmem:s19+$0x76C0] =	vst v7  }
0x1fd: {  	v1 =	vadd.s32 $0x5, v1;
	v7 =	vld [tilespmem:s18+$0x1440]  }
0x1fe: {  	v40 =	vld.idx.msk [tilespmem:v2+s2+$0x0], $0xffff  }
0x1ff: {  	v32 =	vld.idx.msk [tilespmem:v6+s2+$0x0], $0xffff;
	[tilespmem:s19+$0x76E0] =	vst v9  }
0x200: {  	[tilespmem:s19+$0x7910] =	vst v3;
	v41 =	vadd.s32 $0x1, v2;
	v9 =	vld [tilespmem:s18+$0x1460]  }
0x201: {  	v0 =	vld.idx.msk [tilespmem:v0+s2+$0x0], $0xffff;
	[tilespmem:s19+$0x7900] =	vst v5;
	v33 =	vadd.s32 $0x1, v6  }
0x202: {  	v1 =	vld.idx.msk [tilespmem:v1+s2+$0x0], $0xffff  }
0x203: {  	v30 =	vld.idx.msk [tilespmem:v4+s2+$0x0], $0xffff  }
0x204: {  	v31 =	vadd.s32 $0x1, v4;
	v36 =	vld.idx.msk [tilespmem:v8+s2+$0x0], $0xffff;
	[tilespmem:s19+$0x7770] =	vst v40  }
0x205: {  	v37 =	vadd.s32 $0x1, v8;
	[tilespmem:s19+$0x7730] =	vst v32;
	v10 =	vld.idx.msk [tilespmem:v41+s2+$0x0], $0xffff  }
0x206: {  	[tilespmem:s19+$0x7990] =	vst v0;
	v47 =	vadd.s32 $0x2, v2;
	v11 =	vld.idx.msk [tilespmem:v33+s2+$0x0], $0xffff  }
0x207: {  	[tilespmem:s19+$0x7980] =	vst v1;
	v43 =	vadd.s32 $0x2, v6;
	v34 =	vld.idx.msk [tilespmem:v7+s2+$0x0], $0xffff  }
0x208: {  	v35 =	vadd.s32 $0x1, v7;
	[tilespmem:s19+$0x7720] =	vst v30;
	v38 =	vld.idx.msk [tilespmem:v9+s2+$0x0], $0xffff  }
0x209: {  	v5 =	vld.idx.msk [tilespmem:v31+s2+$0x0], $0xffff;
	[tilespmem:s19+$0x7750] =	vst v36;
	v39 =	vadd.s32 $0x1, v9  }
0x20a: {  	v42 =	vadd.s32 $0x2, v4;
	v0 =	vld.idx.msk [tilespmem:v37+s2+$0x0], $0xffff;
	[tilespmem:s19+$0x77F0] =	vst v10  }
0x20b: {  	[tilespmem:s19+$0x77B0] =	vst v11;
	v11 =	vld.idx.msk [tilespmem:v47+s2+$0x0], $0xffff  }
0x20c: {  	v45 =	vadd.s32 $0x2, v8;
	[tilespmem:s19+$0x7740] =	vst v34;
	v13 =	vld.idx.msk [tilespmem:v43+s2+$0x0], $0xffff  }
0x20d: {  	v53 =	vadd.s32 $0x3, v2;
	v1 =	vld.idx.msk [tilespmem:v35+s2+$0x0], $0xffff;
	[tilespmem:s19+$0x7760] =	vst v38  }
0x20e: {  	v44 =	vadd.s32 $0x2, v7;
	[tilespmem:s19+$0x77A0] =	vst v5;
	v3 =	vld.idx.msk [tilespmem:v39+s2+$0x0], $0xffff  }
0x20f: {  	v46 =	vadd.s32 $0x2, v9;
	v12 =	vld.idx.msk [tilespmem:v42+s2+$0x0], $0xffff;
	[tilespmem:s19+$0x77D0] =	vst v0  }
0x210: {  	v48 =	vadd.s32 $0x3, v4;
	[tilespmem:s19+$0x7870] =	vst v11  }
0x211: {  	v49 =	vadd.s32 $0x3, v6;
	v15 =	vld.idx.msk [tilespmem:v45+s2+$0x0], $0xffff;
	[tilespmem:s19+$0x7830] =	vst v13  }
0x212: {  	v13 =	vld.idx.msk [tilespmem:v53+s2+$0x0], $0xffff;
	[tilespmem:s19+$0x77C0] =	vst v1  }
0x213: {  	v51 =	vadd.s32 $0x3, v8;
	v14 =	vld.idx.msk [tilespmem:v44+s2+$0x0], $0xffff;
	[tilespmem:s19+$0x77E0] =	vst v3  }
0x214: {  	v50 =	vadd.s32 $0x3, v7;
	[tilespmem:s19+$0x7820] =	vst v12;
	v5 =	vld.idx.msk [tilespmem:v46+s2+$0x0], $0xffff  }
0x215: {  	v52 =	vadd.s32 $0x3, v9;
	v1 =	vld.idx.msk [tilespmem:v48+s2+$0x0], $0xffff  }
0x216: {  	v59 =	vadd.s32 $0x4, v2;
	v0 =	vld.idx.msk [tilespmem:v49+s2+$0x0], $0xffff;
	[tilespmem:s19+$0x7850] =	vst v15  }
0x217: {  	v54 =	vadd.s32 $0x4, v4;
	[tilespmem:s19+$0x78F0] =	vst v13  }
0x218: {  	v55 =	vadd.s32 $0x4, v6;
	v10 =	vld.idx.msk [tilespmem:v51+s2+$0x0], $0xffff;
	[tilespmem:s19+$0x7840] =	vst v14  }
0x219: {  	v57 =	vadd.s32 $0x4, v8;
	v3 =	vld.idx.msk [tilespmem:v50+s2+$0x0], $0xffff;
	[tilespmem:s19+$0x7860] =	vst v5  }
0x21a: {  	v56 =	vadd.s32 $0x4, v7;
	[tilespmem:s19+$0x78A0] =	vst v1;
	v12 =	vld.idx.msk [tilespmem:v52+s2+$0x0], $0xffff  }
0x21b: {  	v58 =	vadd.s32 $0x4, v9;
	[tilespmem:s19+$0x78B0] =	vst v0;
	v0 =	vld.idx.msk [tilespmem:v59+s2+$0x0], $0xffff  }
0x21c: {  	v2 =	vadd.s32 $0x5, v2;
	v14 =	vld.idx.msk [tilespmem:v54+s2+$0x0], $0xffff  }
0x21d: {  	v60 =	vadd.s32 $0x5, v4;
	v61 =	vld.idx.msk [tilespmem:v55+s2+$0x0], $0xffff;
	[tilespmem:s19+$0x78D0] =	vst v10  }
0x21e: {  	v6 =	vadd.s32 $0x5, v6;
	v10 =	vld.idx.msk [tilespmem:v57+s2+$0x0], $0xffff;
	[tilespmem:s19+$0x78C0] =	vst v3  }
0x21f: {  	v8 =	vadd.s32 $0x5, v8;
	v5 =	vld.idx.msk [tilespmem:v56+s2+$0x0], $0xffff;
	[tilespmem:s19+$0x78E0] =	vst v12  }
0x220: {  	v7 =	vadd.s32 $0x5, v7;
	[tilespmem:s19+$0x7970] =	vst v0;
	v1 =	vld.idx.msk [tilespmem:v58+s2+$0x0], $0xffff  }
0x221: {  	v9 =	vadd.s32 $0x5, v9;
	[tilespmem:s19+$0x7920] =	vst v14;
	v2 =	vld.idx.msk [tilespmem:v2+s2+$0x0], $0xffff  }
0x222: {  	[tilespmem:s19+$0x7930] =	vst v61;
	v3 =	vld.idx.msk [tilespmem:v60+s2+$0x0], $0xffff  }
0x223: {  	v4 =	vld.idx.msk [tilespmem:v6+s2+$0x0], $0xffff;
	[tilespmem:s19+$0x7950] =	vst v10  }
0x224: {  	v62 =	vld.idx.msk [tilespmem:v8+s2+$0x0], $0xffff;
	[tilespmem:s19+$0x7940] =	vst v5  }
0x225: {  	v5 =	vld.idx.msk [tilespmem:v7+s2+$0x0], $0xffff;
	[tilespmem:s19+$0x7960] =	vst v1  }
0x226: {  	p0 =	slt.u32 s18, $0x180;
	[tilespmem:s19+$0x79F0] =	vst v2;
	v63 =	vld.idx.msk [tilespmem:v9+s2+$0x0], $0xffff  }
.Ltmp1:
0x227: {  	[tilespmem:s19+$0x79A0] =	vst v3;
	(pc) =	sbr.rel @p0 .LBB2_4-.Ltmp1, $4  }
0x228: {  	[tilespmem:s19+$0x79B0] =	vst v4  }
0x229: {  	[tilespmem:s19+$0x79D0] =	vst v62  }
0x22a: {  	[tilespmem:s19+$0x79C0] =	vst v5  }
0x22b: {  	s18 =	sadd.s32 $0x80, s18;
	[tilespmem:s19+$0x79E0] =	vst v63  }
0x22c: {  	s18 =	simm.s32 $0x0  }
0x22d: {  	[hbm4b:s6+s18] =	stream.linear.scatter [tilespmem:s13], [sflag:$0x1], $0x3000, $0x38;
	[tilespmem:$0xE600] =	vst v63  }
.LBB2_6:
0x22e: {  	v1 =	vld [tilespmem:s18+$0x1610]  }
0x22f: {  	v0 =	vld [tilespmem:s18+$0x1600];
	_ =	sdelay $0x6  }
0x230: {  	v4 =	vld.idx.msk [tilespmem:v1+s2+$0x0], $0xffff  }
0x231: {  	v5 =	vadd.s32 $0x1, v1;
	v2 =	vld.idx.msk [tilespmem:v0+s2+$0x0], $0xffff  }
0x232: {  	v3 =	vadd.s32 $0x1, v0  }
0x233: {  	s19 =	sshll.u32 s18, $0x3  }
0x234: {  	s19 =	sand.u32 $0x3FFFFFF8, s19  }
0x235: {  	[tilespmem:s19+$0x8610] =	vst v4  }
0x236: {  	[tilespmem:s19+$0x8600] =	vst v2;
	v4 =	vld.idx.msk [tilespmem:v5+s2+$0x0], $0xffff  }
0x237: {  	v25 =	vadd.s32 $0x2, v1;
	v2 =	vld.idx.msk [tilespmem:v3+s2+$0x0], $0xffff  }
0x238: {  	v24 =	vadd.s32 $0x2, v0;
	_ =	sdelay $0x2  }
0x239: {  	[tilespmem:s19+$0x8690] =	vst v4  }
0x23a: {  	[tilespmem:s19+$0x8680] =	vst v2;
	v4 =	vld.idx.msk [tilespmem:v25+s2+$0x0], $0xffff  }
0x23b: {  	v27 =	vadd.s32 $0x3, v1;
	v2 =	vld.idx.msk [tilespmem:v24+s2+$0x0], $0xffff  }
0x23c: {  	v26 =	vadd.s32 $0x3, v0;
	_ =	sdelay $0x2  }
0x23d: {  	[tilespmem:s19+$0x8710] =	vst v4  }
0x23e: {  	[tilespmem:s19+$0x8700] =	vst v2;
	v4 =	vld.idx.msk [tilespmem:v27+s2+$0x0], $0xffff  }
0x23f: {  	v29 =	vadd.s32 $0x4, v1;
	v2 =	vld.idx.msk [tilespmem:v26+s2+$0x0], $0xffff  }
0x240: {  	v28 =	vadd.s32 $0x4, v0;
	_ =	sdelay $0x2  }
0x241: {  	[tilespmem:s19+$0x8790] =	vst v4  }
0x242: {  	[tilespmem:s19+$0x8780] =	vst v2;
	v30 =	vld.idx.msk [tilespmem:v29+s2+$0x0], $0xffff  }
0x243: {  	v1 =	vadd.s32 $0x5, v1;
	v2 =	vld.idx.msk [tilespmem:v28+s2+$0x0], $0xffff  }
0x244: {  	v0 =	vadd.s32 $0x5, v0;
	_ =	sdelay $0x2  }
0x245: {  	[tilespmem:s19+$0x8810] =	vst v30  }
0x246: {  	[tilespmem:s19+$0x8800] =	vst v2;
	v1 =	vld.idx.msk [tilespmem:v1+s2+$0x0], $0xffff  }
0x247: {  	v0 =	vld.idx.msk [tilespmem:v0+s2+$0x0], $0xffff;
	_ =	sdelay $0x3  }
0x248: {  	[tilespmem:s19+$0x8890] =	vst v1  }
0x249: {  	[tilespmem:s19+$0x8880] =	vst v0;
	v1 =	vld [tilespmem:s18+$0x1810]  }
0x24a: {  	v0 =	vld [tilespmem:s18+$0x1800];
	_ =	sdelay $0x6  }
0x24b: {  	v4 =	vld.idx.msk [tilespmem:v1+s2+$0x0], $0xffff  }
0x24c: {  	v32 =	vadd.s32 $0x1, v1;
	v2 =	vld.idx.msk [tilespmem:v0+s2+$0x0], $0xffff  }
0x24d: {  	v31 =	vadd.s32 $0x1, v0;
	_ =	sdelay $0x2  }
0x24e: {  	[tilespmem:s19+$0x8910] =	vst v4  }
0x24f: {  	[tilespmem:s19+$0x8900] =	vst v2;
	v4 =	vld.idx.msk [tilespmem:v32+s2+$0x0], $0xffff  }
0x250: {  	v34 =	vadd.s32 $0x2, v1;
	v2 =	vld.idx.msk [tilespmem:v31+s2+$0x0], $0xffff  }
0x251: {  	v33 =	vadd.s32 $0x2, v0;
	_ =	sdelay $0x2  }
0x252: {  	[tilespmem:s19+$0x8990] =	vst v4  }
0x253: {  	[tilespmem:s19+$0x8980] =	vst v2;
	v4 =	vld.idx.msk [tilespmem:v34+s2+$0x0], $0xffff  }
0x254: {  	v36 =	vadd.s32 $0x3, v1;
	v2 =	vld.idx.msk [tilespmem:v33+s2+$0x0], $0xffff  }
0x255: {  	v35 =	vadd.s32 $0x3, v0;
	_ =	sdelay $0x2  }
0x256: {  	[tilespmem:s19+$0x9610] =	vst v4  }
0x257: {  	[tilespmem:s19+$0x9600] =	vst v2;
	v4 =	vld.idx.msk [tilespmem:v36+s2+$0x0], $0xffff  }
0x258: {  	v38 =	vadd.s32 $0x4, v1;
	v2 =	vld.idx.msk [tilespmem:v35+s2+$0x0], $0xffff  }
0x259: {  	v37 =	vadd.s32 $0x4, v0;
	_ =	sdelay $0x2  }
0x25a: {  	[tilespmem:s19+$0x9690] =	vst v4  }
0x25b: {  	[tilespmem:s19+$0x9680] =	vst v2;
	v39 =	vld.idx.msk [tilespmem:v38+s2+$0x0], $0xffff  }
0x25c: {  	v1 =	vadd.s32 $0x5, v1;
	v2 =	vld.idx.msk [tilespmem:v37+s2+$0x0], $0xffff  }
0x25d: {  	v0 =	vadd.s32 $0x5, v0;
	_ =	sdelay $0x2  }
0x25e: {  	[tilespmem:s19+$0x9710] =	vst v39  }
0x25f: {  	[tilespmem:s19+$0x9700] =	vst v2;
	v1 =	vld.idx.msk [tilespmem:v1+s2+$0x0], $0xffff  }
0x260: {  	v0 =	vld.idx.msk [tilespmem:v0+s2+$0x0], $0xffff;
	_ =	sdelay $0x3  }
0x261: {  	[tilespmem:s19+$0x9790] =	vst v1  }
0x262: {  	[tilespmem:s19+$0x9780] =	vst v0;
	v1 =	vld [tilespmem:s18+$0x1A10]  }
0x263: {  	v0 =	vld [tilespmem:s18+$0x1A00];
	_ =	sdelay $0x6  }
0x264: {  	v4 =	vld.idx.msk [tilespmem:v1+s2+$0x0], $0xffff  }
0x265: {  	v41 =	vadd.s32 $0x1, v1;
	v2 =	vld.idx.msk [tilespmem:v0+s2+$0x0], $0xffff  }
0x266: {  	v40 =	vadd.s32 $0x1, v0;
	_ =	sdelay $0x2  }
0x267: {  	[tilespmem:s19+$0x9810] =	vst v4  }
0x268: {  	[tilespmem:s19+$0x9800] =	vst v2;
	v4 =	vld.idx.msk [tilespmem:v41+s2+$0x0], $0xffff  }
0x269: {  	v43 =	vadd.s32 $0x2, v1;
	v2 =	vld.idx.msk [tilespmem:v40+s2+$0x0], $0xffff  }
0x26a: {  	v42 =	vadd.s32 $0x2, v0;
	_ =	sdelay $0x2  }
0x26b: {  	[tilespmem:s19+$0x9890] =	vst v4  }
0x26c: {  	[tilespmem:s19+$0x9880] =	vst v2;
	v4 =	vld.idx.msk [tilespmem:v43+s2+$0x0], $0xffff  }
0x26d: {  	v45 =	vadd.s32 $0x3, v1;
	v2 =	vld.idx.msk [tilespmem:v42+s2+$0x0], $0xffff  }
0x26e: {  	v44 =	vadd.s32 $0x3, v0;
	_ =	sdelay $0x2  }
0x26f: {  	v54 =	vld [tilespmem:s18+$0x1620];
	[tilespmem:s19+$0x9910] =	vst v4  }
0x270: {  	[tilespmem:s19+$0x9900] =	vst v2;
	v4 =	vld.idx.msk [tilespmem:v45+s2+$0x0], $0xffff  }
0x271: {  	v47 =	vadd.s32 $0x4, v1;
	v2 =	vld.idx.msk [tilespmem:v44+s2+$0x0], $0xffff  }
0x272: {  	v6 =	vld [tilespmem:s18+$0x1630];
	v46 =	vadd.s32 $0x4, v0  }
0x273: {  	v8 =	vld [tilespmem:s18+$0x1640]  }
0x274: {  	v9 =	vld [tilespmem:s18+$0x1650]  }
0x275: {  	v56 =	vld [tilespmem:s18+$0x1670];
	[tilespmem:s19+$0x9990] =	vst v4  }
0x276: {  	[tilespmem:s19+$0x9980] =	vst v2;
	v48 =	vld.idx.msk [tilespmem:v47+s2+$0x0], $0xffff  }
0x277: {  	v1 =	vadd.s32 $0x5, v1;
	v2 =	vld.idx.msk [tilespmem:v46+s2+$0x0], $0xffff  }
0x278: {  	v10 =	vld [tilespmem:s18+$0x1660];
	v0 =	vadd.s32 $0x5, v0  }
0x279: {  	v57 =	vld.idx.msk [tilespmem:v54+s2+$0x0], $0xffff  }
0x27a: {  	v12 =	vld.idx.msk [tilespmem:v6+s2+$0x0], $0xffff  }
0x27b: {  	v14 =	vld.idx.msk [tilespmem:v8+s2+$0x0], $0xffff;
	[tilespmem:s19+$0xA610] =	vst v48  }
0x27c: {  	v13 =	vadd.s32 $0x1, v6;
	[tilespmem:s19+$0xA600] =	vst v2;
	v49 =	vld.idx.msk [tilespmem:v1+s2+$0x0], $0xffff  }
0x27d: {  	v0 =	vld.idx.msk [tilespmem:v0+s2+$0x0], $0xffff  }
0x27e: {  	v11 =	vadd.s32 $0x1, v54;
	v16 =	vld.idx.msk [tilespmem:v9+s2+$0x0], $0xffff  }
0x27f: {  	v17 =	vadd.s32 $0x1, v9;
	v19 =	vld.idx.msk [tilespmem:v56+s2+$0x0], $0xffff;
	[tilespmem:s19+$0x8620] =	vst v57  }
0x280: {  	v59 =	vadd.s32 $0x1, v56;
	v18 =	vld.idx.msk [tilespmem:v10+s2+$0x0], $0xffff;
	[tilespmem:s19+$0x8630] =	vst v12  }
0x281: {  	v13 =	vld.idx.msk [tilespmem:v13+s2+$0x0], $0xffff;
	[tilespmem:s19+$0xA690] =	vst v49  }
0x282: {  	v61 =	vadd.s32 $0x2, v6;
	[tilespmem:s19+$0xA680] =	vst v0;
	v0 =	vld [tilespmem:s18+$0x1C10]  }
0x283: {  	v15 =	vadd.s32 $0x1, v8;
	[tilespmem:s19+$0x8650] =	vst v16;
	v11 =	vld.idx.msk [tilespmem:v11+s2+$0x0], $0xffff  }
0x284: {  	v60 =	vadd.s32 $0x2, v54;
	[tilespmem:s19+$0x8670] =	vst v19;
	v17 =	vld.idx.msk [tilespmem:v17+s2+$0x0], $0xffff  }
0x285: {  	v12 =	vld.idx.msk [tilespmem:v59+s2+$0x0], $0xffff  }
0x286: {  	v63 =	vadd.s32 $0x2, v9;
	[tilespmem:s19+$0x86B0] =	vst v13;
	v1 =	vld [tilespmem:s18+$0x1C00]  }
0x287: {  	v22 =	vadd.s32 $0x2, v56;
	[tilespmem:s19+$0x8640] =	vst v14;
	v16 =	vld.idx.msk [tilespmem:v61+s2+$0x0], $0xffff  }
0x288: {  	v15 =	vld.idx.msk [tilespmem:v15+s2+$0x0], $0xffff;
	[tilespmem:s19+$0x86A0] =	vst v11;
	v24 =	vadd.s32 $0x3, v6  }
0x289: {  	[tilespmem:s19+$0x8660] =	vst v18;
	v14 =	vld.idx.msk [tilespmem:v60+s2+$0x0], $0xffff  }
0x28a: {  	v62 =	vadd.s32 $0x2, v8;
	[tilespmem:s19+$0x86D0] =	vst v17;
	v4 =	vld.idx.msk [tilespmem:v0+s2+$0x0], $0xffff  }
0x28b: {  	[tilespmem:s19+$0x86F0] =	vst v12;
	v19 =	vld.idx.msk [tilespmem:v63+s2+$0x0], $0xffff;
	v52 =	vadd.s32 $0x1, v0  }
0x28c: {  	v23 =	vadd.s32 $0x3, v54;
	v13 =	vld.idx.msk [tilespmem:v22+s2+$0x0], $0xffff;
	[tilespmem:s19+$0x8730] =	vst v16  }
0x28d: {  	[tilespmem:s19+$0x86C0] =	vst v15;
	v17 =	vld.idx.msk [tilespmem:v24+s2+$0x0], $0xffff;
	v28 =	vadd.s32 $0x3, v56  }
0x28e: {  	[tilespmem:s19+$0x8720] =	vst v14;
	v30 =	vadd.s32 $0x4, v6;
	v50 =	vld.idx.msk [tilespmem:v1+s2+$0x0], $0xffff  }
0x28f: {  	v18 =	vld.idx.msk [tilespmem:v62+s2+$0x0], $0xffff;
	v51 =	vadd.s32 $0x1, v1;
	[tilespmem:s19+$0xA710] =	vst v4  }
0x290: {  	[tilespmem:s19+$0x8750] =	vst v19;
	v26 =	vadd.s32 $0x3, v9;
	v53 =	vld.idx.msk [tilespmem:v52+s2+$0x0], $0xffff  }
0x291: {  	[tilespmem:s19+$0x8770] =	vst v13;
	v15 =	vld.idx.msk [tilespmem:v23+s2+$0x0], $0xffff;
	v7 =	vadd.s32 $0x2, v0  }
0x292: {  	v58 =	vadd.s32 $0x1, v10;
	[tilespmem:s19+$0x87B0] =	vst v17;
	v16 =	vld.idx.msk [tilespmem:v28+s2+$0x0], $0xffff  }
0x293: {  	v19 =	vld.idx.msk [tilespmem:v30+s2+$0x0], $0xffff;
	v34 =	vadd.s32 $0x4, v56;
	[tilespmem:s19+$0xA700] =	vst v50  }
0x294: {  	v2 =	vld.idx.msk [tilespmem:v51+s2+$0x0], $0xffff  }
0x295: {  	v12 =	vld.idx.msk [tilespmem:v26+s2+$0x0], $0xffff;
	v6 =	vadd.s32 $0x5, v6;
	[tilespmem:s19+$0xA790] =	vst v53  }
0x296: {  	[tilespmem:s19+$0x8740] =	vst v18;
	v29 =	vadd.s32 $0x4, v54;
	v3 =	vld.idx.msk [tilespmem:v7+s2+$0x0], $0xffff  }
0x297: {  	[tilespmem:s19+$0x87F0] =	vst v16;
	v32 =	vadd.s32 $0x4, v9;
	v7 =	vld.idx.msk [tilespmem:v58+s2+$0x0], $0xffff  }
0x298: {  	v21 =	vadd.s32 $0x2, v10;
	[tilespmem:s19+$0x8830] =	vst v19;
	v37 =	vld.idx.msk [tilespmem:v34+s2+$0x0], $0xffff  }
0x299: {  	[tilespmem:s19+$0xA780] =	vst v2;
	v2 =	vadd.s32 $0x5, v56  }
0x29a: {  	v25 =	vadd.s32 $0x3, v8;
	[tilespmem:s19+$0x87A0] =	vst v15;
	v6 =	vld.idx.msk [tilespmem:v6+s2+$0x0], $0xffff  }
0x29b: {  	[tilespmem:s19+$0x87D0] =	vst v12;
	v18 =	vld.idx.msk [tilespmem:v29+s2+$0x0], $0xffff  }
0x29c: {  	v35 =	vld.idx.msk [tilespmem:v32+s2+$0x0], $0xffff;
	[tilespmem:s19+$0x86E0] =	vst v7  }
0x29d: {  	[tilespmem:s19+$0x8870] =	vst v37;
	v4 =	vadd.s32 $0x5, v54;
	v11 =	vld.idx.msk [tilespmem:v21+s2+$0x0], $0xffff  }
0x29e: {  	v27 =	vadd.s32 $0x3, v10;
	v2 =	vld.idx.msk [tilespmem:v2+s2+$0x0], $0xffff  }
0x29f: {  	[tilespmem:s19+$0x88B0] =	vst v6;
	v7 =	vld.idx.msk [tilespmem:v25+s2+$0x0], $0xffff  }
0x2a0: {  	v31 =	vadd.s32 $0x4, v8;
	v41 =	vld [tilespmem:s18+$0x1830]  }
0x2a1: {  	[tilespmem:s19+$0x8820] =	vst v18;
	v9 =	vadd.s32 $0x5, v9  }
0x2a2: {  	v4 =	vld.idx.msk [tilespmem:v4+s2+$0x0], $0xffff;
	[tilespmem:s19+$0x8760] =	vst v11  }
0x2a3: {  	[tilespmem:s19+$0x88F0] =	vst v2;
	v14 =	vld.idx.msk [tilespmem:v27+s2+$0x0], $0xffff  }
0x2a4: {  	v33 =	vadd.s32 $0x4, v10;
	[tilespmem:s19+$0x87C0] =	vst v7;
	v2 =	vld [tilespmem:s18+$0x1870]  }
0x2a5: {  	[tilespmem:s19+$0x8850] =	vst v35;
	v7 =	vld.idx.msk [tilespmem:v31+s2+$0x0], $0xffff  }
0x2a6: {  	v8 =	vadd.s32 $0x5, v8;
	v38 =	vld.idx.msk [tilespmem:v9+s2+$0x0], $0xffff;
	_ =	sdelay $0x1  }
0x2a7: {  	v46 =	vld.idx.msk [tilespmem:v41+s2+$0x0], $0xffff;
	[tilespmem:s19+$0x87E0] =	vst v14  }
0x2a8: {  	v55 =	vadd.s32 $0x2, v1;
	[tilespmem:s19+$0x88A0] =	vst v4;
	v36 =	vld.idx.msk [tilespmem:v33+s2+$0x0], $0xffff  }
0x2a9: {  	v10 =	vadd.s32 $0x5, v10;
	v4 =	vld [tilespmem:s18+$0x1820];
	[tilespmem:s19+$0x8840] =	vst v7  }
0x2aa: {  	[tilespmem:s19+$0x88D0] =	vst v38;
	v47 =	vadd.s32 $0x1, v41;
	v7 =	vld.idx.msk [tilespmem:v8+s2+$0x0], $0xffff  }
0x2ab: {  	v8 =	vld [tilespmem:s18+$0x1850]  }
0x2ac: {  	v54 =	vld.idx.msk [tilespmem:v2+s2+$0x0], $0xffff  }
0x2ad: {  	v5 =	vld.idx.msk [tilespmem:v55+s2+$0x0], $0xffff;
	v55 =	vadd.s32 $0x1, v2;
	[tilespmem:s19+$0x8860] =	vst v36  }
0x2ae: {  	[tilespmem:s19+$0x8930] =	vst v46;
	v39 =	vld.idx.msk [tilespmem:v10+s2+$0x0], $0xffff  }
0x2af: {  	v13 =	vld.idx.msk [tilespmem:v47+s2+$0x0], $0xffff;
	[tilespmem:s19+$0x88C0] =	vst v7  }
0x2b0: {  	v43 =	vld [tilespmem:s18+$0x1840]  }
0x2b1: {  	v57 =	vadd.s32 $0x2, v41;
	v44 =	vld.idx.msk [tilespmem:v4+s2+$0x0], $0xffff;
	[tilespmem:s19+$0x8970] =	vst v54  }
0x2b2: {  	v45 =	vadd.s32 $0x1, v4;
	v12 =	vld.idx.msk [tilespmem:v55+s2+$0x0], $0xffff  }
0x2b3: {  	v50 =	vld.idx.msk [tilespmem:v8+s2+$0x0], $0xffff;
	[tilespmem:s19+$0x88E0] =	vst v39  }
0x2b4: {  	v61 =	vadd.s32 $0x2, v2;
	v9 =	vld [tilespmem:s18+$0x1860]  }
0x2b5: {  	[tilespmem:s19+$0x89B0] =	vst v13;
	v51 =	vadd.s32 $0x1, v8  }
0x2b6: {  	v16 =	vld.idx.msk [tilespmem:v57+s2+$0x0], $0xffff;
	[tilespmem:s19+$0x8920] =	vst v44  }
0x2b7: {  	v7 =	vld.idx.msk [tilespmem:v45+s2+$0x0], $0xffff  }
0x2b8: {  	v56 =	vadd.s32 $0x2, v4;
	[tilespmem:s19+$0x89F0] =	vst v12;
	v48 =	vld.idx.msk [tilespmem:v43+s2+$0x0], $0xffff  }
0x2b9: {  	v49 =	vadd.s32 $0x1, v43;
	[tilespmem:s19+$0x8950] =	vst v50;
	v13 =	vld.idx.msk [tilespmem:v61+s2+$0x0], $0xffff  }
0x2ba: {  	v63 =	vadd.s32 $0x3, v41;
	v17 =	vld.idx.msk [tilespmem:v51+s2+$0x0], $0xffff  }
0x2bb: {  	[tilespmem:s19+$0x9630] =	vst v16;
	v24 =	vadd.s32 $0x3, v2  }
0x2bc: {  	v59 =	vadd.s32 $0x2, v8;
	[tilespmem:s19+$0x89A0] =	vst v7;
	v52 =	vld.idx.msk [tilespmem:v9+s2+$0x0], $0xffff  }
0x2bd: {  	v14 =	vld.idx.msk [tilespmem:v56+s2+$0x0], $0xffff;
	v53 =	vadd.s32 $0x1, v9;
	[tilespmem:s19+$0x8940] =	vst v48  }
0x2be: {  	v62 =	vadd.s32 $0x3, v4;
	[tilespmem:s19+$0x9670] =	vst v13;
	v15 =	vld.idx.msk [tilespmem:v49+s2+$0x0], $0xffff  }
0x2bf: {  	v58 =	vadd.s32 $0x2, v43;
	[tilespmem:s19+$0x89D0] =	vst v17;
	v17 =	vld.idx.msk [tilespmem:v63+s2+$0x0], $0xffff  }
0x2c0: {  	v16 =	vld.idx.msk [tilespmem:v24+s2+$0x0], $0xffff  }
0x2c1: {  	v30 =	vadd.s32 $0x4, v2;
	v19 =	vld.idx.msk [tilespmem:v59+s2+$0x0], $0xffff;
	[tilespmem:s19+$0x8960] =	vst v52  }
0x2c2: {  	v22 =	vadd.s32 $0x3, v8;
	[tilespmem:s19+$0x9620] =	vst v14;
	v6 =	vld.idx.msk [tilespmem:v53+s2+$0x0], $0xffff  }
0x2c3: {  	v60 =	vadd.s32 $0x2, v9;
	[tilespmem:s19+$0x89C0] =	vst v15;
	v15 =	vld.idx.msk [tilespmem:v62+s2+$0x0], $0xffff  }
0x2c4: {  	v25 =	vadd.s32 $0x4, v4;
	[tilespmem:s19+$0x96B0] =	vst v17;
	v18 =	vld.idx.msk [tilespmem:v58+s2+$0x0], $0xffff  }
0x2c5: {  	v26 =	vadd.s32 $0x4, v41;
	[tilespmem:s19+$0x96F0] =	vst v16  }
0x2c6: {  	v21 =	vadd.s32 $0x3, v43;
	[tilespmem:s19+$0x9650] =	vst v19;
	v35 =	vld.idx.msk [tilespmem:v30+s2+$0x0], $0xffff  }
0x2c7: {  	v2 =	vadd.s32 $0x5, v2;
	v12 =	vld.idx.msk [tilespmem:v22+s2+$0x0], $0xffff;
	[tilespmem:s19+$0x89E0] =	vst v6  }
0x2c8: {  	v28 =	vadd.s32 $0x4, v8;
	[tilespmem:s19+$0x96A0] =	vst v15;
	v7 =	vld.idx.msk [tilespmem:v60+s2+$0x0], $0xffff  }
0x2c9: {  	v23 =	vadd.s32 $0x3, v9;
	[tilespmem:s19+$0x9640] =	vst v18;
	v18 =	vld.idx.msk [tilespmem:v25+s2+$0x0], $0xffff  }
0x2ca: {  	v4 =	vadd.s32 $0x5, v4;
	v19 =	vld.idx.msk [tilespmem:v26+s2+$0x0], $0xffff  }
0x2cb: {  	v31 =	vadd.s32 $0x5, v41;
	[tilespmem:s19+$0x9770] =	vst v35;
	v6 =	vld.idx.msk [tilespmem:v21+s2+$0x0], $0xffff  }
0x2cc: {  	v27 =	vadd.s32 $0x4, v43;
	[tilespmem:s19+$0x96D0] =	vst v12;
	v2 =	vld.idx.msk [tilespmem:v2+s2+$0x0], $0xffff  }
0x2cd: {  	v33 =	vld.idx.msk [tilespmem:v28+s2+$0x0], $0xffff;
	[tilespmem:s19+$0x9660] =	vst v7  }
0x2ce: {  	v8 =	vadd.s32 $0x5, v8;
	[tilespmem:s19+$0x9720] =	vst v18;
	v14 =	vld.idx.msk [tilespmem:v23+s2+$0x0], $0xffff  }
0x2cf: {  	v29 =	vadd.s32 $0x4, v9;
	[tilespmem:s19+$0x9730] =	vst v19;
	v4 =	vld.idx.msk [tilespmem:v4+s2+$0x0], $0xffff  }
0x2d0: {  	[tilespmem:s19+$0x96C0] =	vst v6;
	v6 =	vld.idx.msk [tilespmem:v31+s2+$0x0], $0xffff  }
0x2d1: {  	[tilespmem:s19+$0x97F0] =	vst v2;
	v7 =	vld.idx.msk [tilespmem:v27+s2+$0x0], $0xffff  }
0x2d2: {  	v32 =	vadd.s32 $0x5, v43;
	[tilespmem:s19+$0x9750] =	vst v33;
	v2 =	vld [tilespmem:s18+$0x1A70]  }
0x2d3: {  	v40 =	vadd.s32 $0x3, v1;
	v8 =	vld.idx.msk [tilespmem:v8+s2+$0x0], $0xffff;
	[tilespmem:s19+$0x96E0] =	vst v14  }
0x2d4: {  	[tilespmem:s19+$0x97A0] =	vst v4;
	v34 =	vld.idx.msk [tilespmem:v29+s2+$0x0], $0xffff  }
0x2d5: {  	v9 =	vadd.s32 $0x5, v9;
	[tilespmem:s19+$0x97B0] =	vst v6;
	v4 =	vld [tilespmem:s18+$0x1A20]  }
0x2d6: {  	v42 =	vadd.s32 $0x3, v0;
	[tilespmem:s19+$0x9740] =	vst v7;
	v37 =	vld [tilespmem:s18+$0x1A30]  }
0x2d7: {  	[tilespmem:s19+$0xA800] =	vst v5;
	v7 =	vld.idx.msk [tilespmem:v32+s2+$0x0], $0xffff  }
0x2d8: {  	v5 =	vld.idx.msk [tilespmem:v40+s2+$0x0], $0xffff;
	[tilespmem:s19+$0x97D0] =	vst v8  }
0x2d9: {  	v8 =	vld [tilespmem:s18+$0x1A50];
	[tilespmem:s19+$0x9760] =	vst v34  }
0x2da: {  	[tilespmem:s19+$0xA810] =	vst v3;
	v9 =	vld.idx.msk [tilespmem:v9+s2+$0x0], $0xffff  }
0x2db: {  	v3 =	vld.idx.msk [tilespmem:v42+s2+$0x0], $0xffff  }
0x2dc: {  	v50 =	vld.idx.msk [tilespmem:v2+s2+$0x0], $0xffff;
	[tilespmem:s19+$0x97C0] =	vst v7  }
0x2dd: {  	v39 =	vld [tilespmem:s18+$0x1A40]  }
0x2de: {  	v51 =	vadd.s32 $0x1, v2;
	v42 =	vld.idx.msk [tilespmem:v37+s2+$0x0], $0xffff  }
0x2df: {  	v43 =	vadd.s32 $0x1, v37;
	v40 =	vld.idx.msk [tilespmem:v4+s2+$0x0], $0xffff;
	[tilespmem:s19+$0x97E0] =	vst v9  }
0x2e0: {  	v9 =	vld [tilespmem:s18+$0x1A60]  }
0x2e1: {  	v41 =	vadd.s32 $0x1, v4;
	v46 =	vld.idx.msk [tilespmem:v8+s2+$0x0], $0xffff  }
0x2e2: {  	v47 =	vadd.s32 $0x1, v8;
	[tilespmem:s19+$0x9870] =	vst v50  }
0x2e3: {  	v12 =	vld.idx.msk [tilespmem:v51+s2+$0x0], $0xffff;
	[tilespmem:s19+$0x9830] =	vst v42  }
0x2e4: {  	v57 =	vadd.s32 $0x2, v2;
	v13 =	vld.idx.msk [tilespmem:v43+s2+$0x0], $0xffff  }
0x2e5: {  	v53 =	vadd.s32 $0x2, v37;
	[tilespmem:s19+$0x9820] =	vst v40;
	v44 =	vld.idx.msk [tilespmem:v39+s2+$0x0], $0xffff  }
0x2e6: {  	v45 =	vadd.s32 $0x1, v39;
	v7 =	vld.idx.msk [tilespmem:v41+s2+$0x0], $0xffff;
	[tilespmem:s19+$0x9850] =	vst v46  }
0x2e7: {  	v52 =	vadd.s32 $0x2, v4;
	v17 =	vld.idx.msk [tilespmem:v47+s2+$0x0], $0xffff  }
0x2e8: {  	v55 =	vadd.s32 $0x2, v8;
	[tilespmem:s19+$0x98F0] =	vst v12;
	v48 =	vld.idx.msk [tilespmem:v9+s2+$0x0], $0xffff  }
0x2e9: {  	v49 =	vadd.s32 $0x1, v9;
	[tilespmem:s19+$0x98B0] =	vst v13;
	v13 =	vld.idx.msk [tilespmem:v57+s2+$0x0], $0xffff  }
0x2ea: {  	v63 =	vadd.s32 $0x3, v2;
	[tilespmem:s19+$0x9840] =	vst v44;
	v16 =	vld.idx.msk [tilespmem:v53+s2+$0x0], $0xffff  }
0x2eb: {  	v59 =	vadd.s32 $0x3, v37;
	[tilespmem:s19+$0x98A0] =	vst v7;
	v15 =	vld.idx.msk [tilespmem:v45+s2+$0x0], $0xffff  }
0x2ec: {  	v54 =	vadd.s32 $0x2, v39;
	v14 =	vld.idx.msk [tilespmem:v52+s2+$0x0], $0xffff;
	[tilespmem:s19+$0x98D0] =	vst v17  }
0x2ed: {  	v58 =	vadd.s32 $0x3, v4;
	v19 =	vld.idx.msk [tilespmem:v55+s2+$0x0], $0xffff;
	[tilespmem:s19+$0x9860] =	vst v48  }
0x2ee: {  	v61 =	vadd.s32 $0x3, v8;
	[tilespmem:s19+$0x9970] =	vst v13;
	v6 =	vld.idx.msk [tilespmem:v49+s2+$0x0], $0xffff  }
0x2ef: {  	v56 =	vadd.s32 $0x2, v9;
	[tilespmem:s19+$0x9930] =	vst v16;
	v16 =	vld.idx.msk [tilespmem:v63+s2+$0x0], $0xffff  }
0x2f0: {  	v26 =	vadd.s32 $0x4, v2;
	[tilespmem:s19+$0x98C0] =	vst v15;
	v17 =	vld.idx.msk [tilespmem:v59+s2+$0x0], $0xffff  }
0x2f1: {  	v22 =	vadd.s32 $0x4, v37;
	[tilespmem:s19+$0x9920] =	vst v14;
	v18 =	vld.idx.msk [tilespmem:v54+s2+$0x0], $0xffff  }
0x2f2: {  	v60 =	vadd.s32 $0x3, v39;
	v15 =	vld.idx.msk [tilespmem:v58+s2+$0x0], $0xffff;
	[tilespmem:s19+$0x9950] =	vst v19  }
0x2f3: {  	v21 =	vadd.s32 $0x4, v4;
	v12 =	vld.idx.msk [tilespmem:v61+s2+$0x0], $0xffff;
	[tilespmem:s19+$0x98E0] =	vst v6  }
0x2f4: {  	v24 =	vadd.s32 $0x4, v8;
	[tilespmem:s19+$0x99F0] =	vst v16;
	v7 =	vld.idx.msk [tilespmem:v56+s2+$0x0], $0xffff  }
0x2f5: {  	v62 =	vadd.s32 $0x3, v9;
	[tilespmem:s19+$0x99B0] =	vst v17;
	v29 =	vld.idx.msk [tilespmem:v26+s2+$0x0], $0xffff  }
0x2f6: {  	v2 =	vadd.s32 $0x5, v2;
	[tilespmem:s19+$0x9940] =	vst v18;
	v27 =	vld.idx.msk [tilespmem:v22+s2+$0x0], $0xffff  }
0x2f7: {  	v10 =	vadd.s32 $0x5, v37;
	[tilespmem:s19+$0x99A0] =	vst v15;
	v6 =	vld.idx.msk [tilespmem:v60+s2+$0x0], $0xffff  }
0x2f8: {  	v23 =	vadd.s32 $0x4, v39;
	v18 =	vld.idx.msk [tilespmem:v21+s2+$0x0], $0xffff;
	[tilespmem:s19+$0x99D0] =	vst v12  }
0x2f9: {  	v4 =	vadd.s32 $0x5, v4;
	v12 =	vld.idx.msk [tilespmem:v24+s2+$0x0], $0xffff;
	[tilespmem:s19+$0x9960] =	vst v7  }
0x2fa: {  	v8 =	vadd.s32 $0x5, v8;
	[tilespmem:s19+$0xA670] =	vst v29;
	v14 =	vld.idx.msk [tilespmem:v62+s2+$0x0], $0xffff  }
0x2fb: {  	v25 =	vadd.s32 $0x4, v9;
	[tilespmem:s19+$0xA630] =	vst v27;
	v2 =	vld.idx.msk [tilespmem:v2+s2+$0x0], $0xffff  }
0x2fc: {  	[tilespmem:s19+$0x99C0] =	vst v6;
	v6 =	vld.idx.msk [tilespmem:v10+s2+$0x0], $0xffff  }
0x2fd: {  	[tilespmem:s19+$0xA620] =	vst v18;
	v7 =	vld.idx.msk [tilespmem:v23+s2+$0x0], $0xffff  }
0x2fe: {  	v11 =	vadd.s32 $0x5, v39;
	v4 =	vld.idx.msk [tilespmem:v4+s2+$0x0], $0xffff;
	[tilespmem:s19+$0xA650] =	vst v12  }
0x2ff: {  	v38 =	vadd.s32 $0x4, v0;
	v8 =	vld.idx.msk [tilespmem:v8+s2+$0x0], $0xffff;
	[tilespmem:s19+$0x99E0] =	vst v14  }
0x300: {  	v36 =	vadd.s32 $0x4, v1;
	[tilespmem:s19+$0xA6F0] =	vst v2;
	v28 =	vld.idx.msk [tilespmem:v25+s2+$0x0], $0xffff  }
0x301: {  	v9 =	vadd.s32 $0x5, v9;
	[tilespmem:s19+$0xA6B0] =	vst v6;
	v2 =	vld [tilespmem:s18+$0x1C70]  }
0x302: {  	[tilespmem:s19+$0xA640] =	vst v7;
	v6 =	vld [tilespmem:s18+$0x1C30]  }
0x303: {  	[tilespmem:s19+$0xA890] =	vst v3;
	v7 =	vld.idx.msk [tilespmem:v11+s2+$0x0], $0xffff  }
0x304: {  	[tilespmem:s19+$0xA880] =	vst v5;
	v3 =	vld.idx.msk [tilespmem:v38+s2+$0x0], $0xffff  }
0x305: {  	v5 =	vld.idx.msk [tilespmem:v36+s2+$0x0], $0xffff;
	[tilespmem:s19+$0xA660] =	vst v28  }
0x306: {  	[tilespmem:s19+$0xA6A0] =	vst v4;
	v9 =	vld.idx.msk [tilespmem:v9+s2+$0x0], $0xffff  }
0x307: {  	v4 =	vld [tilespmem:s18+$0x1C20];
	[tilespmem:s19+$0xA6D0] =	vst v8  }
0x308: {  	v0 =	vadd.s32 $0x5, v0;
	v8 =	vld [tilespmem:s18+$0x1C50];
	[tilespmem:s19+$0xA6C0] =	vst v7  }
0x309: {  	v1 =	vadd.s32 $0x5, v1;
	v7 =	vld [tilespmem:s18+$0x1C40]  }
0x30a: {  	v40 =	vld.idx.msk [tilespmem:v2+s2+$0x0], $0xffff  }
0x30b: {  	v32 =	vld.idx.msk [tilespmem:v6+s2+$0x0], $0xffff;
	[tilespmem:s19+$0xA6E0] =	vst v9  }
0x30c: {  	[tilespmem:s19+$0xA910] =	vst v3;
	v41 =	vadd.s32 $0x1, v2;
	v9 =	vld [tilespmem:s18+$0x1C60]  }
0x30d: {  	v0 =	vld.idx.msk [tilespmem:v0+s2+$0x0], $0xffff;
	[tilespmem:s19+$0xA900] =	vst v5;
	v33 =	vadd.s32 $0x1, v6  }
0x30e: {  	v1 =	vld.idx.msk [tilespmem:v1+s2+$0x0], $0xffff  }
0x30f: {  	v30 =	vld.idx.msk [tilespmem:v4+s2+$0x0], $0xffff  }
0x310: {  	v31 =	vadd.s32 $0x1, v4;
	v36 =	vld.idx.msk [tilespmem:v8+s2+$0x0], $0xffff;
	[tilespmem:s19+$0xA770] =	vst v40  }
0x311: {  	v37 =	vadd.s32 $0x1, v8;
	[tilespmem:s19+$0xA730] =	vst v32;
	v10 =	vld.idx.msk [tilespmem:v41+s2+$0x0], $0xffff  }
0x312: {  	[tilespmem:s19+$0xA990] =	vst v0;
	v47 =	vadd.s32 $0x2, v2;
	v11 =	vld.idx.msk [tilespmem:v33+s2+$0x0], $0xffff  }
0x313: {  	[tilespmem:s19+$0xA980] =	vst v1;
	v43 =	vadd.s32 $0x2, v6;
	v34 =	vld.idx.msk [tilespmem:v7+s2+$0x0], $0xffff  }
0x314: {  	v35 =	vadd.s32 $0x1, v7;
	[tilespmem:s19+$0xA720] =	vst v30;
	v38 =	vld.idx.msk [tilespmem:v9+s2+$0x0], $0xffff  }
0x315: {  	v5 =	vld.idx.msk [tilespmem:v31+s2+$0x0], $0xffff;
	[tilespmem:s19+$0xA750] =	vst v36;
	v39 =	vadd.s32 $0x1, v9  }
0x316: {  	v42 =	vadd.s32 $0x2, v4;
	v0 =	vld.idx.msk [tilespmem:v37+s2+$0x0], $0xffff;
	[tilespmem:s19+$0xA7F0] =	vst v10  }
0x317: {  	[tilespmem:s19+$0xA7B0] =	vst v11;
	v11 =	vld.idx.msk [tilespmem:v47+s2+$0x0], $0xffff  }
0x318: {  	v45 =	vadd.s32 $0x2, v8;
	[tilespmem:s19+$0xA740] =	vst v34;
	v13 =	vld.idx.msk [tilespmem:v43+s2+$0x0], $0xffff  }
0x319: {  	v53 =	vadd.s32 $0x3, v2;
	v1 =	vld.idx.msk [tilespmem:v35+s2+$0x0], $0xffff;
	[tilespmem:s19+$0xA760] =	vst v38  }
0x31a: {  	v44 =	vadd.s32 $0x2, v7;
	[tilespmem:s19+$0xA7A0] =	vst v5;
	v3 =	vld.idx.msk [tilespmem:v39+s2+$0x0], $0xffff  }
0x31b: {  	v46 =	vadd.s32 $0x2, v9;
	v12 =	vld.idx.msk [tilespmem:v42+s2+$0x0], $0xffff;
	[tilespmem:s19+$0xA7D0] =	vst v0  }
0x31c: {  	v48 =	vadd.s32 $0x3, v4;
	[tilespmem:s19+$0xA870] =	vst v11  }
0x31d: {  	v49 =	vadd.s32 $0x3, v6;
	v15 =	vld.idx.msk [tilespmem:v45+s2+$0x0], $0xffff;
	[tilespmem:s19+$0xA830] =	vst v13  }
0x31e: {  	v13 =	vld.idx.msk [tilespmem:v53+s2+$0x0], $0xffff;
	[tilespmem:s19+$0xA7C0] =	vst v1  }
0x31f: {  	v51 =	vadd.s32 $0x3, v8;
	v14 =	vld.idx.msk [tilespmem:v44+s2+$0x0], $0xffff;
	[tilespmem:s19+$0xA7E0] =	vst v3  }
0x320: {  	v50 =	vadd.s32 $0x3, v7;
	[tilespmem:s19+$0xA820] =	vst v12;
	v5 =	vld.idx.msk [tilespmem:v46+s2+$0x0], $0xffff  }
0x321: {  	v52 =	vadd.s32 $0x3, v9;
	v1 =	vld.idx.msk [tilespmem:v48+s2+$0x0], $0xffff  }
0x322: {  	v59 =	vadd.s32 $0x4, v2;
	v0 =	vld.idx.msk [tilespmem:v49+s2+$0x0], $0xffff;
	[tilespmem:s19+$0xA850] =	vst v15  }
0x323: {  	v54 =	vadd.s32 $0x4, v4;
	[tilespmem:s19+$0xA8F0] =	vst v13  }
0x324: {  	v55 =	vadd.s32 $0x4, v6;
	v10 =	vld.idx.msk [tilespmem:v51+s2+$0x0], $0xffff;
	[tilespmem:s19+$0xA840] =	vst v14  }
0x325: {  	v57 =	vadd.s32 $0x4, v8;
	v3 =	vld.idx.msk [tilespmem:v50+s2+$0x0], $0xffff;
	[tilespmem:s19+$0xA860] =	vst v5  }
0x326: {  	v56 =	vadd.s32 $0x4, v7;
	[tilespmem:s19+$0xA8A0] =	vst v1;
	v12 =	vld.idx.msk [tilespmem:v52+s2+$0x0], $0xffff  }
0x327: {  	v58 =	vadd.s32 $0x4, v9;
	[tilespmem:s19+$0xA8B0] =	vst v0;
	v0 =	vld.idx.msk [tilespmem:v59+s2+$0x0], $0xffff  }
0x328: {  	v2 =	vadd.s32 $0x5, v2;
	v14 =	vld.idx.msk [tilespmem:v54+s2+$0x0], $0xffff  }
0x329: {  	v60 =	vadd.s32 $0x5, v4;
	v61 =	vld.idx.msk [tilespmem:v55+s2+$0x0], $0xffff;
	[tilespmem:s19+$0xA8D0] =	vst v10  }
0x32a: {  	v6 =	vadd.s32 $0x5, v6;
	v10 =	vld.idx.msk [tilespmem:v57+s2+$0x0], $0xffff;
	[tilespmem:s19+$0xA8C0] =	vst v3  }
0x32b: {  	v8 =	vadd.s32 $0x5, v8;
	v5 =	vld.idx.msk [tilespmem:v56+s2+$0x0], $0xffff;
	[tilespmem:s19+$0xA8E0] =	vst v12  }
0x32c: {  	v7 =	vadd.s32 $0x5, v7;
	[tilespmem:s19+$0xA970] =	vst v0;
	v1 =	vld.idx.msk [tilespmem:v58+s2+$0x0], $0xffff  }
0x32d: {  	v9 =	vadd.s32 $0x5, v9;
	[tilespmem:s19+$0xA920] =	vst v14;
	v2 =	vld.idx.msk [tilespmem:v2+s2+$0x0], $0xffff  }
0x32e: {  	[tilespmem:s19+$0xA930] =	vst v61;
	v3 =	vld.idx.msk [tilespmem:v60+s2+$0x0], $0xffff  }
0x32f: {  	v4 =	vld.idx.msk [tilespmem:v6+s2+$0x0], $0xffff;
	[tilespmem:s19+$0xA950] =	vst v10  }
0x330: {  	v62 =	vld.idx.msk [tilespmem:v8+s2+$0x0], $0xffff;
	[tilespmem:s19+$0xA940] =	vst v5  }
0x331: {  	v5 =	vld.idx.msk [tilespmem:v7+s2+$0x0], $0xffff;
	[tilespmem:s19+$0xA960] =	vst v1  }
0x332: {  	p0 =	slt.u32 s18, $0x180;
	[tilespmem:s19+$0xA9F0] =	vst v2;
	v63 =	vld.idx.msk [tilespmem:v9+s2+$0x0], $0xffff  }
.Ltmp2:
0x333: {  	[tilespmem:s19+$0xA9A0] =	vst v3;
	(pc) =	sbr.rel @p0 .LBB2_6-.Ltmp2, $4  }
0x334: {  	[tilespmem:s19+$0xA9B0] =	vst v4  }
0x335: {  	[tilespmem:s19+$0xA9D0] =	vst v62  }
0x336: {  	[tilespmem:s19+$0xA9C0] =	vst v5  }
0x337: {  	s18 =	sadd.s32 $0x80, s18;
	[tilespmem:s19+$0xA9E0] =	vst v63  }
0x338: {  	s18 =	simm.s32 $0x0  }
0x339: {  	[hbm4b:s7+s18] =	stream.linear.scatter [tilespmem:s14], [sflag:$0x1], $0x3000, $0x38;
	[tilespmem:$0xE600] =	vst v63  }
.LBB2_8:
0x33a: {  	v1 =	vld [tilespmem:s18+$0x1E10]  }
0x33b: {  	v0 =	vld [tilespmem:s18+$0x1E00];
	_ =	sdelay $0x6  }
0x33c: {  	v4 =	vld.idx.msk [tilespmem:v1+s2+$0x0], $0xffff  }
0x33d: {  	v5 =	vadd.s32 $0x1, v1;
	v2 =	vld.idx.msk [tilespmem:v0+s2+$0x0], $0xffff  }
0x33e: {  	v3 =	vadd.s32 $0x1, v0  }
0x33f: {  	s19 =	sshll.u32 s18, $0x3  }
0x340: {  	s19 =	sand.u32 $0x3FFFFFF8, s19  }
0x341: {  	[tilespmem:s19+$0xB610] =	vst v4  }
0x342: {  	[tilespmem:s19+$0xB600] =	vst v2;
	v4 =	vld.idx.msk [tilespmem:v5+s2+$0x0], $0xffff  }
0x343: {  	v25 =	vadd.s32 $0x2, v1;
	v2 =	vld.idx.msk [tilespmem:v3+s2+$0x0], $0xffff  }
0x344: {  	v24 =	vadd.s32 $0x2, v0;
	_ =	sdelay $0x2  }
0x345: {  	[tilespmem:s19+$0xB690] =	vst v4  }
0x346: {  	[tilespmem:s19+$0xB680] =	vst v2;
	v4 =	vld.idx.msk [tilespmem:v25+s2+$0x0], $0xffff  }
0x347: {  	v27 =	vadd.s32 $0x3, v1;
	v2 =	vld.idx.msk [tilespmem:v24+s2+$0x0], $0xffff  }
0x348: {  	v26 =	vadd.s32 $0x3, v0;
	_ =	sdelay $0x2  }
0x349: {  	[tilespmem:s19+$0xB710] =	vst v4  }
0x34a: {  	[tilespmem:s19+$0xB700] =	vst v2;
	v4 =	vld.idx.msk [tilespmem:v27+s2+$0x0], $0xffff  }
0x34b: {  	v29 =	vadd.s32 $0x4, v1;
	v2 =	vld.idx.msk [tilespmem:v26+s2+$0x0], $0xffff  }
0x34c: {  	v28 =	vadd.s32 $0x4, v0;
	_ =	sdelay $0x2  }
0x34d: {  	[tilespmem:s19+$0xB790] =	vst v4  }
0x34e: {  	[tilespmem:s19+$0xB780] =	vst v2;
	v30 =	vld.idx.msk [tilespmem:v29+s2+$0x0], $0xffff  }
0x34f: {  	v1 =	vadd.s32 $0x5, v1;
	v2 =	vld.idx.msk [tilespmem:v28+s2+$0x0], $0xffff  }
0x350: {  	v0 =	vadd.s32 $0x5, v0;
	_ =	sdelay $0x2  }
0x351: {  	[tilespmem:s19+$0xB810] =	vst v30  }
0x352: {  	[tilespmem:s19+$0xB800] =	vst v2;
	v1 =	vld.idx.msk [tilespmem:v1+s2+$0x0], $0xffff  }
0x353: {  	v0 =	vld.idx.msk [tilespmem:v0+s2+$0x0], $0xffff;
	_ =	sdelay $0x3  }
0x354: {  	[tilespmem:s19+$0xB890] =	vst v1  }
0x355: {  	[tilespmem:s19+$0xB880] =	vst v0;
	v1 =	vld [tilespmem:s18+$0x2010]  }
0x356: {  	v0 =	vld [tilespmem:s18+$0x2000];
	_ =	sdelay $0x6  }
0x357: {  	v4 =	vld.idx.msk [tilespmem:v1+s2+$0x0], $0xffff  }
0x358: {  	v32 =	vadd.s32 $0x1, v1;
	v2 =	vld.idx.msk [tilespmem:v0+s2+$0x0], $0xffff  }
0x359: {  	v31 =	vadd.s32 $0x1, v0;
	_ =	sdelay $0x2  }
0x35a: {  	[tilespmem:s19+$0xB910] =	vst v4  }
0x35b: {  	[tilespmem:s19+$0xB900] =	vst v2;
	v4 =	vld.idx.msk [tilespmem:v32+s2+$0x0], $0xffff  }
0x35c: {  	v34 =	vadd.s32 $0x2, v1;
	v2 =	vld.idx.msk [tilespmem:v31+s2+$0x0], $0xffff  }
0x35d: {  	v33 =	vadd.s32 $0x2, v0;
	_ =	sdelay $0x2  }
0x35e: {  	[tilespmem:s19+$0xB990] =	vst v4  }
0x35f: {  	[tilespmem:s19+$0xB980] =	vst v2;
	v4 =	vld.idx.msk [tilespmem:v34+s2+$0x0], $0xffff  }
0x360: {  	v36 =	vadd.s32 $0x3, v1;
	v2 =	vld.idx.msk [tilespmem:v33+s2+$0x0], $0xffff  }
0x361: {  	v35 =	vadd.s32 $0x3, v0;
	_ =	sdelay $0x2  }
0x362: {  	[tilespmem:s19+$0xC610] =	vst v4  }
0x363: {  	[tilespmem:s19+$0xC600] =	vst v2;
	v4 =	vld.idx.msk [tilespmem:v36+s2+$0x0], $0xffff  }
0x364: {  	v38 =	vadd.s32 $0x4, v1;
	v2 =	vld.idx.msk [tilespmem:v35+s2+$0x0], $0xffff  }
0x365: {  	v37 =	vadd.s32 $0x4, v0;
	_ =	sdelay $0x2  }
0x366: {  	[tilespmem:s19+$0xC690] =	vst v4  }
0x367: {  	[tilespmem:s19+$0xC680] =	vst v2;
	v39 =	vld.idx.msk [tilespmem:v38+s2+$0x0], $0xffff  }
0x368: {  	v1 =	vadd.s32 $0x5, v1;
	v2 =	vld.idx.msk [tilespmem:v37+s2+$0x0], $0xffff  }
0x369: {  	v0 =	vadd.s32 $0x5, v0;
	_ =	sdelay $0x2  }
0x36a: {  	[tilespmem:s19+$0xC710] =	vst v39  }
0x36b: {  	[tilespmem:s19+$0xC700] =	vst v2;
	v1 =	vld.idx.msk [tilespmem:v1+s2+$0x0], $0xffff  }
0x36c: {  	v0 =	vld.idx.msk [tilespmem:v0+s2+$0x0], $0xffff;
	_ =	sdelay $0x3  }
0x36d: {  	[tilespmem:s19+$0xC790] =	vst v1  }
0x36e: {  	[tilespmem:s19+$0xC780] =	vst v0;
	v1 =	vld [tilespmem:s18+$0x2210]  }
0x36f: {  	v0 =	vld [tilespmem:s18+$0x2200];
	_ =	sdelay $0x6  }
0x370: {  	v4 =	vld.idx.msk [tilespmem:v1+s2+$0x0], $0xffff  }
0x371: {  	v41 =	vadd.s32 $0x1, v1;
	v2 =	vld.idx.msk [tilespmem:v0+s2+$0x0], $0xffff  }
0x372: {  	v40 =	vadd.s32 $0x1, v0;
	_ =	sdelay $0x2  }
0x373: {  	[tilespmem:s19+$0xC810] =	vst v4  }
0x374: {  	[tilespmem:s19+$0xC800] =	vst v2;
	v4 =	vld.idx.msk [tilespmem:v41+s2+$0x0], $0xffff  }
0x375: {  	v43 =	vadd.s32 $0x2, v1;
	v2 =	vld.idx.msk [tilespmem:v40+s2+$0x0], $0xffff  }
0x376: {  	v42 =	vadd.s32 $0x2, v0;
	_ =	sdelay $0x2  }
0x377: {  	[tilespmem:s19+$0xC890] =	vst v4  }
0x378: {  	[tilespmem:s19+$0xC880] =	vst v2;
	v4 =	vld.idx.msk [tilespmem:v43+s2+$0x0], $0xffff  }
0x379: {  	v45 =	vadd.s32 $0x3, v1;
	v2 =	vld.idx.msk [tilespmem:v42+s2+$0x0], $0xffff  }
0x37a: {  	v44 =	vadd.s32 $0x3, v0;
	_ =	sdelay $0x2  }
0x37b: {  	v54 =	vld [tilespmem:s18+$0x1E20];
	[tilespmem:s19+$0xC910] =	vst v4  }
0x37c: {  	[tilespmem:s19+$0xC900] =	vst v2;
	v4 =	vld.idx.msk [tilespmem:v45+s2+$0x0], $0xffff  }
0x37d: {  	v47 =	vadd.s32 $0x4, v1;
	v2 =	vld.idx.msk [tilespmem:v44+s2+$0x0], $0xffff  }
0x37e: {  	v6 =	vld [tilespmem:s18+$0x1E30];
	v46 =	vadd.s32 $0x4, v0  }
0x37f: {  	v8 =	vld [tilespmem:s18+$0x1E40]  }
0x380: {  	v9 =	vld [tilespmem:s18+$0x1E50]  }
0x381: {  	v56 =	vld [tilespmem:s18+$0x1E70];
	[tilespmem:s19+$0xC990] =	vst v4  }
0x382: {  	[tilespmem:s19+$0xC980] =	vst v2;
	v48 =	vld.idx.msk [tilespmem:v47+s2+$0x0], $0xffff  }
0x383: {  	v1 =	vadd.s32 $0x5, v1;
	v2 =	vld.idx.msk [tilespmem:v46+s2+$0x0], $0xffff  }
0x384: {  	v10 =	vld [tilespmem:s18+$0x1E60];
	v0 =	vadd.s32 $0x5, v0  }
0x385: {  	v57 =	vld.idx.msk [tilespmem:v54+s2+$0x0], $0xffff  }
0x386: {  	v12 =	vld.idx.msk [tilespmem:v6+s2+$0x0], $0xffff  }
0x387: {  	v14 =	vld.idx.msk [tilespmem:v8+s2+$0x0], $0xffff;
	[tilespmem:s19+$0xD610] =	vst v48  }
0x388: {  	v13 =	vadd.s32 $0x1, v6;
	[tilespmem:s19+$0xD600] =	vst v2;
	v49 =	vld.idx.msk [tilespmem:v1+s2+$0x0], $0xffff  }
0x389: {  	v0 =	vld.idx.msk [tilespmem:v0+s2+$0x0], $0xffff  }
0x38a: {  	v11 =	vadd.s32 $0x1, v54;
	v16 =	vld.idx.msk [tilespmem:v9+s2+$0x0], $0xffff  }
0x38b: {  	v17 =	vadd.s32 $0x1, v9;
	v19 =	vld.idx.msk [tilespmem:v56+s2+$0x0], $0xffff;
	[tilespmem:s19+$0xB620] =	vst v57  }
0x38c: {  	v59 =	vadd.s32 $0x1, v56;
	v18 =	vld.idx.msk [tilespmem:v10+s2+$0x0], $0xffff;
	[tilespmem:s19+$0xB630] =	vst v12  }
0x38d: {  	v13 =	vld.idx.msk [tilespmem:v13+s2+$0x0], $0xffff;
	[tilespmem:s19+$0xD690] =	vst v49  }
0x38e: {  	v61 =	vadd.s32 $0x2, v6;
	[tilespmem:s19+$0xD680] =	vst v0;
	v0 =	vld [tilespmem:s18+$0x2410]  }
0x38f: {  	v15 =	vadd.s32 $0x1, v8;
	[tilespmem:s19+$0xB650] =	vst v16;
	v11 =	vld.idx.msk [tilespmem:v11+s2+$0x0], $0xffff  }
0x390: {  	v60 =	vadd.s32 $0x2, v54;
	[tilespmem:s19+$0xB670] =	vst v19;
	v17 =	vld.idx.msk [tilespmem:v17+s2+$0x0], $0xffff  }
0x391: {  	v12 =	vld.idx.msk [tilespmem:v59+s2+$0x0], $0xffff  }
0x392: {  	v63 =	vadd.s32 $0x2, v9;
	[tilespmem:s19+$0xB6B0] =	vst v13;
	v1 =	vld [tilespmem:s18+$0x2400]  }
0x393: {  	v22 =	vadd.s32 $0x2, v56;
	[tilespmem:s19+$0xB640] =	vst v14;
	v16 =	vld.idx.msk [tilespmem:v61+s2+$0x0], $0xffff  }
0x394: {  	v15 =	vld.idx.msk [tilespmem:v15+s2+$0x0], $0xffff;
	[tilespmem:s19+$0xB6A0] =	vst v11;
	v24 =	vadd.s32 $0x3, v6  }
0x395: {  	[tilespmem:s19+$0xB660] =	vst v18;
	v14 =	vld.idx.msk [tilespmem:v60+s2+$0x0], $0xffff  }
0x396: {  	v62 =	vadd.s32 $0x2, v8;
	[tilespmem:s19+$0xB6D0] =	vst v17;
	v4 =	vld.idx.msk [tilespmem:v0+s2+$0x0], $0xffff  }
0x397: {  	[tilespmem:s19+$0xB6F0] =	vst v12;
	v19 =	vld.idx.msk [tilespmem:v63+s2+$0x0], $0xffff;
	v52 =	vadd.s32 $0x1, v0  }
0x398: {  	v23 =	vadd.s32 $0x3, v54;
	v13 =	vld.idx.msk [tilespmem:v22+s2+$0x0], $0xffff;
	[tilespmem:s19+$0xB730] =	vst v16  }
0x399: {  	[tilespmem:s19+$0xB6C0] =	vst v15;
	v17 =	vld.idx.msk [tilespmem:v24+s2+$0x0], $0xffff;
	v28 =	vadd.s32 $0x3, v56  }
0x39a: {  	[tilespmem:s19+$0xB720] =	vst v14;
	v30 =	vadd.s32 $0x4, v6;
	v50 =	vld.idx.msk [tilespmem:v1+s2+$0x0], $0xffff  }
0x39b: {  	v18 =	vld.idx.msk [tilespmem:v62+s2+$0x0], $0xffff;
	v51 =	vadd.s32 $0x1, v1;
	[tilespmem:s19+$0xD710] =	vst v4  }
0x39c: {  	[tilespmem:s19+$0xB750] =	vst v19;
	v26 =	vadd.s32 $0x3, v9;
	v53 =	vld.idx.msk [tilespmem:v52+s2+$0x0], $0xffff  }
0x39d: {  	[tilespmem:s19+$0xB770] =	vst v13;
	v15 =	vld.idx.msk [tilespmem:v23+s2+$0x0], $0xffff;
	v7 =	vadd.s32 $0x2, v0  }
0x39e: {  	v58 =	vadd.s32 $0x1, v10;
	[tilespmem:s19+$0xB7B0] =	vst v17;
	v16 =	vld.idx.msk [tilespmem:v28+s2+$0x0], $0xffff  }
0x39f: {  	v19 =	vld.idx.msk [tilespmem:v30+s2+$0x0], $0xffff;
	v34 =	vadd.s32 $0x4, v56;
	[tilespmem:s19+$0xD700] =	vst v50  }
0x3a0: {  	v2 =	vld.idx.msk [tilespmem:v51+s2+$0x0], $0xffff  }
0x3a1: {  	v12 =	vld.idx.msk [tilespmem:v26+s2+$0x0], $0xffff;
	v6 =	vadd.s32 $0x5, v6;
	[tilespmem:s19+$0xD790] =	vst v53  }
0x3a2: {  	[tilespmem:s19+$0xB740] =	vst v18;
	v29 =	vadd.s32 $0x4, v54;
	v3 =	vld.idx.msk [tilespmem:v7+s2+$0x0], $0xffff  }
0x3a3: {  	[tilespmem:s19+$0xB7F0] =	vst v16;
	v32 =	vadd.s32 $0x4, v9;
	v7 =	vld.idx.msk [tilespmem:v58+s2+$0x0], $0xffff  }
0x3a4: {  	v21 =	vadd.s32 $0x2, v10;
	[tilespmem:s19+$0xB830] =	vst v19;
	v37 =	vld.idx.msk [tilespmem:v34+s2+$0x0], $0xffff  }
0x3a5: {  	[tilespmem:s19+$0xD780] =	vst v2;
	v2 =	vadd.s32 $0x5, v56  }
0x3a6: {  	v25 =	vadd.s32 $0x3, v8;
	[tilespmem:s19+$0xB7A0] =	vst v15;
	v6 =	vld.idx.msk [tilespmem:v6+s2+$0x0], $0xffff  }
0x3a7: {  	[tilespmem:s19+$0xB7D0] =	vst v12;
	v18 =	vld.idx.msk [tilespmem:v29+s2+$0x0], $0xffff  }
0x3a8: {  	v35 =	vld.idx.msk [tilespmem:v32+s2+$0x0], $0xffff;
	[tilespmem:s19+$0xB6E0] =	vst v7  }
0x3a9: {  	[tilespmem:s19+$0xB870] =	vst v37;
	v4 =	vadd.s32 $0x5, v54;
	v11 =	vld.idx.msk [tilespmem:v21+s2+$0x0], $0xffff  }
0x3aa: {  	v27 =	vadd.s32 $0x3, v10;
	v2 =	vld.idx.msk [tilespmem:v2+s2+$0x0], $0xffff  }
0x3ab: {  	[tilespmem:s19+$0xB8B0] =	vst v6;
	v7 =	vld.idx.msk [tilespmem:v25+s2+$0x0], $0xffff  }
0x3ac: {  	v31 =	vadd.s32 $0x4, v8;
	v41 =	vld [tilespmem:s18+$0x2030]  }
0x3ad: {  	[tilespmem:s19+$0xB820] =	vst v18;
	v9 =	vadd.s32 $0x5, v9  }
0x3ae: {  	v4 =	vld.idx.msk [tilespmem:v4+s2+$0x0], $0xffff;
	[tilespmem:s19+$0xB760] =	vst v11  }
0x3af: {  	[tilespmem:s19+$0xB8F0] =	vst v2;
	v14 =	vld.idx.msk [tilespmem:v27+s2+$0x0], $0xffff  }
0x3b0: {  	v33 =	vadd.s32 $0x4, v10;
	[tilespmem:s19+$0xB7C0] =	vst v7;
	v2 =	vld [tilespmem:s18+$0x2070]  }
0x3b1: {  	[tilespmem:s19+$0xB850] =	vst v35;
	v7 =	vld.idx.msk [tilespmem:v31+s2+$0x0], $0xffff  }
0x3b2: {  	v8 =	vadd.s32 $0x5, v8;
	v38 =	vld.idx.msk [tilespmem:v9+s2+$0x0], $0xffff;
	_ =	sdelay $0x1  }
0x3b3: {  	v46 =	vld.idx.msk [tilespmem:v41+s2+$0x0], $0xffff;
	[tilespmem:s19+$0xB7E0] =	vst v14  }
0x3b4: {  	v55 =	vadd.s32 $0x2, v1;
	[tilespmem:s19+$0xB8A0] =	vst v4;
	v36 =	vld.idx.msk [tilespmem:v33+s2+$0x0], $0xffff  }
0x3b5: {  	v10 =	vadd.s32 $0x5, v10;
	v4 =	vld [tilespmem:s18+$0x2020];
	[tilespmem:s19+$0xB840] =	vst v7  }
0x3b6: {  	[tilespmem:s19+$0xB8D0] =	vst v38;
	v47 =	vadd.s32 $0x1, v41;
	v7 =	vld.idx.msk [tilespmem:v8+s2+$0x0], $0xffff  }
0x3b7: {  	v8 =	vld [tilespmem:s18+$0x2050]  }
0x3b8: {  	v54 =	vld.idx.msk [tilespmem:v2+s2+$0x0], $0xffff  }
0x3b9: {  	v5 =	vld.idx.msk [tilespmem:v55+s2+$0x0], $0xffff;
	v55 =	vadd.s32 $0x1, v2;
	[tilespmem:s19+$0xB860] =	vst v36  }
0x3ba: {  	[tilespmem:s19+$0xB930] =	vst v46;
	v39 =	vld.idx.msk [tilespmem:v10+s2+$0x0], $0xffff  }
0x3bb: {  	v13 =	vld.idx.msk [tilespmem:v47+s2+$0x0], $0xffff;
	[tilespmem:s19+$0xB8C0] =	vst v7  }
0x3bc: {  	v43 =	vld [tilespmem:s18+$0x2040]  }
0x3bd: {  	v57 =	vadd.s32 $0x2, v41;
	v44 =	vld.idx.msk [tilespmem:v4+s2+$0x0], $0xffff;
	[tilespmem:s19+$0xB970] =	vst v54  }
0x3be: {  	v45 =	vadd.s32 $0x1, v4;
	v12 =	vld.idx.msk [tilespmem:v55+s2+$0x0], $0xffff  }
0x3bf: {  	v50 =	vld.idx.msk [tilespmem:v8+s2+$0x0], $0xffff;
	[tilespmem:s19+$0xB8E0] =	vst v39  }
0x3c0: {  	v61 =	vadd.s32 $0x2, v2;
	v9 =	vld [tilespmem:s18+$0x2060]  }
0x3c1: {  	[tilespmem:s19+$0xB9B0] =	vst v13;
	v51 =	vadd.s32 $0x1, v8  }
0x3c2: {  	v16 =	vld.idx.msk [tilespmem:v57+s2+$0x0], $0xffff;
	[tilespmem:s19+$0xB920] =	vst v44  }
0x3c3: {  	v7 =	vld.idx.msk [tilespmem:v45+s2+$0x0], $0xffff  }
0x3c4: {  	v56 =	vadd.s32 $0x2, v4;
	[tilespmem:s19+$0xB9F0] =	vst v12;
	v48 =	vld.idx.msk [tilespmem:v43+s2+$0x0], $0xffff  }
0x3c5: {  	v49 =	vadd.s32 $0x1, v43;
	[tilespmem:s19+$0xB950] =	vst v50;
	v13 =	vld.idx.msk [tilespmem:v61+s2+$0x0], $0xffff  }
0x3c6: {  	v63 =	vadd.s32 $0x3, v41;
	v17 =	vld.idx.msk [tilespmem:v51+s2+$0x0], $0xffff  }
0x3c7: {  	[tilespmem:s19+$0xC630] =	vst v16;
	v24 =	vadd.s32 $0x3, v2  }
0x3c8: {  	v59 =	vadd.s32 $0x2, v8;
	[tilespmem:s19+$0xB9A0] =	vst v7;
	v52 =	vld.idx.msk [tilespmem:v9+s2+$0x0], $0xffff  }
0x3c9: {  	v14 =	vld.idx.msk [tilespmem:v56+s2+$0x0], $0xffff;
	v53 =	vadd.s32 $0x1, v9;
	[tilespmem:s19+$0xB940] =	vst v48  }
0x3ca: {  	v62 =	vadd.s32 $0x3, v4;
	[tilespmem:s19+$0xC670] =	vst v13;
	v15 =	vld.idx.msk [tilespmem:v49+s2+$0x0], $0xffff  }
0x3cb: {  	v58 =	vadd.s32 $0x2, v43;
	[tilespmem:s19+$0xB9D0] =	vst v17;
	v17 =	vld.idx.msk [tilespmem:v63+s2+$0x0], $0xffff  }
0x3cc: {  	v16 =	vld.idx.msk [tilespmem:v24+s2+$0x0], $0xffff  }
0x3cd: {  	v30 =	vadd.s32 $0x4, v2;
	v19 =	vld.idx.msk [tilespmem:v59+s2+$0x0], $0xffff;
	[tilespmem:s19+$0xB960] =	vst v52  }
0x3ce: {  	v22 =	vadd.s32 $0x3, v8;
	[tilespmem:s19+$0xC620] =	vst v14;
	v6 =	vld.idx.msk [tilespmem:v53+s2+$0x0], $0xffff  }
0x3cf: {  	v60 =	vadd.s32 $0x2, v9;
	[tilespmem:s19+$0xB9C0] =	vst v15;
	v15 =	vld.idx.msk [tilespmem:v62+s2+$0x0], $0xffff  }
0x3d0: {  	v25 =	vadd.s32 $0x4, v4;
	[tilespmem:s19+$0xC6B0] =	vst v17;
	v18 =	vld.idx.msk [tilespmem:v58+s2+$0x0], $0xffff  }
0x3d1: {  	v26 =	vadd.s32 $0x4, v41;
	[tilespmem:s19+$0xC6F0] =	vst v16  }
0x3d2: {  	v21 =	vadd.s32 $0x3, v43;
	[tilespmem:s19+$0xC650] =	vst v19;
	v35 =	vld.idx.msk [tilespmem:v30+s2+$0x0], $0xffff  }
0x3d3: {  	v2 =	vadd.s32 $0x5, v2;
	v12 =	vld.idx.msk [tilespmem:v22+s2+$0x0], $0xffff;
	[tilespmem:s19+$0xB9E0] =	vst v6  }
0x3d4: {  	v28 =	vadd.s32 $0x4, v8;
	[tilespmem:s19+$0xC6A0] =	vst v15;
	v7 =	vld.idx.msk [tilespmem:v60+s2+$0x0], $0xffff  }
0x3d5: {  	v23 =	vadd.s32 $0x3, v9;
	[tilespmem:s19+$0xC640] =	vst v18;
	v18 =	vld.idx.msk [tilespmem:v25+s2+$0x0], $0xffff  }
0x3d6: {  	v4 =	vadd.s32 $0x5, v4;
	v19 =	vld.idx.msk [tilespmem:v26+s2+$0x0], $0xffff  }
0x3d7: {  	v31 =	vadd.s32 $0x5, v41;
	[tilespmem:s19+$0xC770] =	vst v35;
	v6 =	vld.idx.msk [tilespmem:v21+s2+$0x0], $0xffff  }
0x3d8: {  	v27 =	vadd.s32 $0x4, v43;
	[tilespmem:s19+$0xC6D0] =	vst v12;
	v2 =	vld.idx.msk [tilespmem:v2+s2+$0x0], $0xffff  }
0x3d9: {  	v33 =	vld.idx.msk [tilespmem:v28+s2+$0x0], $0xffff;
	[tilespmem:s19+$0xC660] =	vst v7  }
0x3da: {  	v8 =	vadd.s32 $0x5, v8;
	[tilespmem:s19+$0xC720] =	vst v18;
	v14 =	vld.idx.msk [tilespmem:v23+s2+$0x0], $0xffff  }
0x3db: {  	v29 =	vadd.s32 $0x4, v9;
	[tilespmem:s19+$0xC730] =	vst v19;
	v4 =	vld.idx.msk [tilespmem:v4+s2+$0x0], $0xffff  }
0x3dc: {  	[tilespmem:s19+$0xC6C0] =	vst v6;
	v6 =	vld.idx.msk [tilespmem:v31+s2+$0x0], $0xffff  }
0x3dd: {  	[tilespmem:s19+$0xC7F0] =	vst v2;
	v7 =	vld.idx.msk [tilespmem:v27+s2+$0x0], $0xffff  }
0x3de: {  	v32 =	vadd.s32 $0x5, v43;
	[tilespmem:s19+$0xC750] =	vst v33;
	v2 =	vld [tilespmem:s18+$0x2270]  }
0x3df: {  	v40 =	vadd.s32 $0x3, v1;
	v8 =	vld.idx.msk [tilespmem:v8+s2+$0x0], $0xffff;
	[tilespmem:s19+$0xC6E0] =	vst v14  }
0x3e0: {  	[tilespmem:s19+$0xC7A0] =	vst v4;
	v34 =	vld.idx.msk [tilespmem:v29+s2+$0x0], $0xffff  }
0x3e1: {  	v9 =	vadd.s32 $0x5, v9;
	[tilespmem:s19+$0xC7B0] =	vst v6;
	v4 =	vld [tilespmem:s18+$0x2220]  }
0x3e2: {  	v42 =	vadd.s32 $0x3, v0;
	[tilespmem:s19+$0xC740] =	vst v7;
	v37 =	vld [tilespmem:s18+$0x2230]  }
0x3e3: {  	[tilespmem:s19+$0xD800] =	vst v5;
	v7 =	vld.idx.msk [tilespmem:v32+s2+$0x0], $0xffff  }
0x3e4: {  	v5 =	vld.idx.msk [tilespmem:v40+s2+$0x0], $0xffff;
	[tilespmem:s19+$0xC7D0] =	vst v8  }
0x3e5: {  	v8 =	vld [tilespmem:s18+$0x2250];
	[tilespmem:s19+$0xC760] =	vst v34  }
0x3e6: {  	[tilespmem:s19+$0xD810] =	vst v3;
	v9 =	vld.idx.msk [tilespmem:v9+s2+$0x0], $0xffff  }
0x3e7: {  	v3 =	vld.idx.msk [tilespmem:v42+s2+$0x0], $0xffff  }
0x3e8: {  	v50 =	vld.idx.msk [tilespmem:v2+s2+$0x0], $0xffff;
	[tilespmem:s19+$0xC7C0] =	vst v7  }
0x3e9: {  	v39 =	vld [tilespmem:s18+$0x2240]  }
0x3ea: {  	v51 =	vadd.s32 $0x1, v2;
	v42 =	vld.idx.msk [tilespmem:v37+s2+$0x0], $0xffff  }
0x3eb: {  	v43 =	vadd.s32 $0x1, v37;
	v40 =	vld.idx.msk [tilespmem:v4+s2+$0x0], $0xffff;
	[tilespmem:s19+$0xC7E0] =	vst v9  }
0x3ec: {  	v9 =	vld [tilespmem:s18+$0x2260]  }
0x3ed: {  	v41 =	vadd.s32 $0x1, v4;
	v46 =	vld.idx.msk [tilespmem:v8+s2+$0x0], $0xffff  }
0x3ee: {  	v47 =	vadd.s32 $0x1, v8;
	[tilespmem:s19+$0xC870] =	vst v50  }
0x3ef: {  	v12 =	vld.idx.msk [tilespmem:v51+s2+$0x0], $0xffff;
	[tilespmem:s19+$0xC830] =	vst v42  }
0x3f0: {  	v57 =	vadd.s32 $0x2, v2;
	v13 =	vld.idx.msk [tilespmem:v43+s2+$0x0], $0xffff  }
0x3f1: {  	v53 =	vadd.s32 $0x2, v37;
	[tilespmem:s19+$0xC820] =	vst v40;
	v44 =	vld.idx.msk [tilespmem:v39+s2+$0x0], $0xffff  }
0x3f2: {  	v45 =	vadd.s32 $0x1, v39;
	v7 =	vld.idx.msk [tilespmem:v41+s2+$0x0], $0xffff;
	[tilespmem:s19+$0xC850] =	vst v46  }
0x3f3: {  	v52 =	vadd.s32 $0x2, v4;
	v17 =	vld.idx.msk [tilespmem:v47+s2+$0x0], $0xffff  }
0x3f4: {  	v55 =	vadd.s32 $0x2, v8;
	[tilespmem:s19+$0xC8F0] =	vst v12;
	v48 =	vld.idx.msk [tilespmem:v9+s2+$0x0], $0xffff  }
0x3f5: {  	v49 =	vadd.s32 $0x1, v9;
	[tilespmem:s19+$0xC8B0] =	vst v13;
	v13 =	vld.idx.msk [tilespmem:v57+s2+$0x0], $0xffff  }
0x3f6: {  	v63 =	vadd.s32 $0x3, v2;
	[tilespmem:s19+$0xC840] =	vst v44;
	v16 =	vld.idx.msk [tilespmem:v53+s2+$0x0], $0xffff  }
0x3f7: {  	v59 =	vadd.s32 $0x3, v37;
	[tilespmem:s19+$0xC8A0] =	vst v7;
	v15 =	vld.idx.msk [tilespmem:v45+s2+$0x0], $0xffff  }
0x3f8: {  	v54 =	vadd.s32 $0x2, v39;
	v14 =	vld.idx.msk [tilespmem:v52+s2+$0x0], $0xffff;
	[tilespmem:s19+$0xC8D0] =	vst v17  }
0x3f9: {  	v58 =	vadd.s32 $0x3, v4;
	v19 =	vld.idx.msk [tilespmem:v55+s2+$0x0], $0xffff;
	[tilespmem:s19+$0xC860] =	vst v48  }
0x3fa: {  	v61 =	vadd.s32 $0x3, v8;
	[tilespmem:s19+$0xC970] =	vst v13;
	v6 =	vld.idx.msk [tilespmem:v49+s2+$0x0], $0xffff  }
0x3fb: {  	v56 =	vadd.s32 $0x2, v9;
	[tilespmem:s19+$0xC930] =	vst v16;
	v16 =	vld.idx.msk [tilespmem:v63+s2+$0x0], $0xffff  }
0x3fc: {  	v26 =	vadd.s32 $0x4, v2;
	[tilespmem:s19+$0xC8C0] =	vst v15;
	v17 =	vld.idx.msk [tilespmem:v59+s2+$0x0], $0xffff  }
0x3fd: {  	v22 =	vadd.s32 $0x4, v37;
	[tilespmem:s19+$0xC920] =	vst v14;
	v18 =	vld.idx.msk [tilespmem:v54+s2+$0x0], $0xffff  }
0x3fe: {  	v60 =	vadd.s32 $0x3, v39;
	v15 =	vld.idx.msk [tilespmem:v58+s2+$0x0], $0xffff;
	[tilespmem:s19+$0xC950] =	vst v19  }
0x3ff: {  	v21 =	vadd.s32 $0x4, v4;
	v12 =	vld.idx.msk [tilespmem:v61+s2+$0x0], $0xffff;
	[tilespmem:s19+$0xC8E0] =	vst v6  }
0x400: {  	v24 =	vadd.s32 $0x4, v8;
	[tilespmem:s19+$0xC9F0] =	vst v16;
	v7 =	vld.idx.msk [tilespmem:v56+s2+$0x0], $0xffff  }
0x401: {  	v62 =	vadd.s32 $0x3, v9;
	[tilespmem:s19+$0xC9B0] =	vst v17;
	v29 =	vld.idx.msk [tilespmem:v26+s2+$0x0], $0xffff  }
0x402: {  	v2 =	vadd.s32 $0x5, v2;
	[tilespmem:s19+$0xC940] =	vst v18;
	v27 =	vld.idx.msk [tilespmem:v22+s2+$0x0], $0xffff  }
0x403: {  	v10 =	vadd.s32 $0x5, v37;
	[tilespmem:s19+$0xC9A0] =	vst v15;
	v6 =	vld.idx.msk [tilespmem:v60+s2+$0x0], $0xffff  }
0x404: {  	v23 =	vadd.s32 $0x4, v39;
	v18 =	vld.idx.msk [tilespmem:v21+s2+$0x0], $0xffff;
	[tilespmem:s19+$0xC9D0] =	vst v12  }
0x405: {  	v4 =	vadd.s32 $0x5, v4;
	v12 =	vld.idx.msk [tilespmem:v24+s2+$0x0], $0xffff;
	[tilespmem:s19+$0xC960] =	vst v7  }
0x406: {  	v8 =	vadd.s32 $0x5, v8;
	[tilespmem:s19+$0xD670] =	vst v29;
	v14 =	vld.idx.msk [tilespmem:v62+s2+$0x0], $0xffff  }
0x407: {  	v25 =	vadd.s32 $0x4, v9;
	[tilespmem:s19+$0xD630] =	vst v27;
	v2 =	vld.idx.msk [tilespmem:v2+s2+$0x0], $0xffff  }
0x408: {  	[tilespmem:s19+$0xC9C0] =	vst v6;
	v6 =	vld.idx.msk [tilespmem:v10+s2+$0x0], $0xffff  }
0x409: {  	[tilespmem:s19+$0xD620] =	vst v18;
	v7 =	vld.idx.msk [tilespmem:v23+s2+$0x0], $0xffff  }
0x40a: {  	v11 =	vadd.s32 $0x5, v39;
	v4 =	vld.idx.msk [tilespmem:v4+s2+$0x0], $0xffff;
	[tilespmem:s19+$0xD650] =	vst v12  }
0x40b: {  	v38 =	vadd.s32 $0x4, v0;
	v8 =	vld.idx.msk [tilespmem:v8+s2+$0x0], $0xffff;
	[tilespmem:s19+$0xC9E0] =	vst v14  }
0x40c: {  	v36 =	vadd.s32 $0x4, v1;
	[tilespmem:s19+$0xD6F0] =	vst v2;
	v28 =	vld.idx.msk [tilespmem:v25+s2+$0x0], $0xffff  }
0x40d: {  	v9 =	vadd.s32 $0x5, v9;
	[tilespmem:s19+$0xD6B0] =	vst v6;
	v2 =	vld [tilespmem:s18+$0x2470]  }
0x40e: {  	[tilespmem:s19+$0xD640] =	vst v7;
	v6 =	vld [tilespmem:s18+$0x2430]  }
0x40f: {  	[tilespmem:s19+$0xD890] =	vst v3;
	v7 =	vld.idx.msk [tilespmem:v11+s2+$0x0], $0xffff  }
0x410: {  	[tilespmem:s19+$0xD880] =	vst v5;
	v3 =	vld.idx.msk [tilespmem:v38+s2+$0x0], $0xffff  }
0x411: {  	v5 =	vld.idx.msk [tilespmem:v36+s2+$0x0], $0xffff;
	[tilespmem:s19+$0xD660] =	vst v28  }
0x412: {  	[tilespmem:s19+$0xD6A0] =	vst v4;
	v9 =	vld.idx.msk [tilespmem:v9+s2+$0x0], $0xffff  }
0x413: {  	v4 =	vld [tilespmem:s18+$0x2420];
	[tilespmem:s19+$0xD6D0] =	vst v8  }
0x414: {  	v0 =	vadd.s32 $0x5, v0;
	v8 =	vld [tilespmem:s18+$0x2450];
	[tilespmem:s19+$0xD6C0] =	vst v7  }
0x415: {  	v1 =	vadd.s32 $0x5, v1;
	v7 =	vld [tilespmem:s18+$0x2440]  }
0x416: {  	v40 =	vld.idx.msk [tilespmem:v2+s2+$0x0], $0xffff  }
0x417: {  	v32 =	vld.idx.msk [tilespmem:v6+s2+$0x0], $0xffff;
	[tilespmem:s19+$0xD6E0] =	vst v9  }
0x418: {  	[tilespmem:s19+$0xD910] =	vst v3;
	v41 =	vadd.s32 $0x1, v2;
	v9 =	vld [tilespmem:s18+$0x2460]  }
0x419: {  	v0 =	vld.idx.msk [tilespmem:v0+s2+$0x0], $0xffff;
	[tilespmem:s19+$0xD900] =	vst v5;
	v33 =	vadd.s32 $0x1, v6  }
0x41a: {  	v1 =	vld.idx.msk [tilespmem:v1+s2+$0x0], $0xffff  }
0x41b: {  	v30 =	vld.idx.msk [tilespmem:v4+s2+$0x0], $0xffff  }
0x41c: {  	v31 =	vadd.s32 $0x1, v4;
	v36 =	vld.idx.msk [tilespmem:v8+s2+$0x0], $0xffff;
	[tilespmem:s19+$0xD770] =	vst v40  }
0x41d: {  	v37 =	vadd.s32 $0x1, v8;
	[tilespmem:s19+$0xD730] =	vst v32;
	v10 =	vld.idx.msk [tilespmem:v41+s2+$0x0], $0xffff  }
0x41e: {  	[tilespmem:s19+$0xD990] =	vst v0;
	v47 =	vadd.s32 $0x2, v2;
	v11 =	vld.idx.msk [tilespmem:v33+s2+$0x0], $0xffff  }
0x41f: {  	[tilespmem:s19+$0xD980] =	vst v1;
	v43 =	vadd.s32 $0x2, v6;
	v34 =	vld.idx.msk [tilespmem:v7+s2+$0x0], $0xffff  }
0x420: {  	v35 =	vadd.s32 $0x1, v7;
	[tilespmem:s19+$0xD720] =	vst v30;
	v38 =	vld.idx.msk [tilespmem:v9+s2+$0x0], $0xffff  }
0x421: {  	v5 =	vld.idx.msk [tilespmem:v31+s2+$0x0], $0xffff;
	[tilespmem:s19+$0xD750] =	vst v36;
	v39 =	vadd.s32 $0x1, v9  }
0x422: {  	v42 =	vadd.s32 $0x2, v4;
	v0 =	vld.idx.msk [tilespmem:v37+s2+$0x0], $0xffff;
	[tilespmem:s19+$0xD7F0] =	vst v10  }
0x423: {  	[tilespmem:s19+$0xD7B0] =	vst v11;
	v11 =	vld.idx.msk [tilespmem:v47+s2+$0x0], $0xffff  }
0x424: {  	v45 =	vadd.s32 $0x2, v8;
	[tilespmem:s19+$0xD740] =	vst v34;
	v13 =	vld.idx.msk [tilespmem:v43+s2+$0x0], $0xffff  }
0x425: {  	v53 =	vadd.s32 $0x3, v2;
	v1 =	vld.idx.msk [tilespmem:v35+s2+$0x0], $0xffff;
	[tilespmem:s19+$0xD760] =	vst v38  }
0x426: {  	v44 =	vadd.s32 $0x2, v7;
	[tilespmem:s19+$0xD7A0] =	vst v5;
	v3 =	vld.idx.msk [tilespmem:v39+s2+$0x0], $0xffff  }
0x427: {  	v46 =	vadd.s32 $0x2, v9;
	v12 =	vld.idx.msk [tilespmem:v42+s2+$0x0], $0xffff;
	[tilespmem:s19+$0xD7D0] =	vst v0  }
0x428: {  	v48 =	vadd.s32 $0x3, v4;
	[tilespmem:s19+$0xD870] =	vst v11  }
0x429: {  	v49 =	vadd.s32 $0x3, v6;
	v15 =	vld.idx.msk [tilespmem:v45+s2+$0x0], $0xffff;
	[tilespmem:s19+$0xD830] =	vst v13  }
0x42a: {  	v13 =	vld.idx.msk [tilespmem:v53+s2+$0x0], $0xffff;
	[tilespmem:s19+$0xD7C0] =	vst v1  }
0x42b: {  	v51 =	vadd.s32 $0x3, v8;
	v14 =	vld.idx.msk [tilespmem:v44+s2+$0x0], $0xffff;
	[tilespmem:s19+$0xD7E0] =	vst v3  }
0x42c: {  	v50 =	vadd.s32 $0x3, v7;
	[tilespmem:s19+$0xD820] =	vst v12;
	v5 =	vld.idx.msk [tilespmem:v46+s2+$0x0], $0xffff  }
0x42d: {  	v52 =	vadd.s32 $0x3, v9;
	v1 =	vld.idx.msk [tilespmem:v48+s2+$0x0], $0xffff  }
0x42e: {  	v59 =	vadd.s32 $0x4, v2;
	v0 =	vld.idx.msk [tilespmem:v49+s2+$0x0], $0xffff;
	[tilespmem:s19+$0xD850] =	vst v15  }
0x42f: {  	v54 =	vadd.s32 $0x4, v4;
	[tilespmem:s19+$0xD8F0] =	vst v13  }
0x430: {  	v55 =	vadd.s32 $0x4, v6;
	v10 =	vld.idx.msk [tilespmem:v51+s2+$0x0], $0xffff;
	[tilespmem:s19+$0xD840] =	vst v14  }
0x431: {  	v57 =	vadd.s32 $0x4, v8;
	v3 =	vld.idx.msk [tilespmem:v50+s2+$0x0], $0xffff;
	[tilespmem:s19+$0xD860] =	vst v5  }
0x432: {  	v56 =	vadd.s32 $0x4, v7;
	[tilespmem:s19+$0xD8A0] =	vst v1;
	v12 =	vld.idx.msk [tilespmem:v52+s2+$0x0], $0xffff  }
0x433: {  	v58 =	vadd.s32 $0x4, v9;
	[tilespmem:s19+$0xD8B0] =	vst v0;
	v0 =	vld.idx.msk [tilespmem:v59+s2+$0x0], $0xffff  }
0x434: {  	v2 =	vadd.s32 $0x5, v2;
	v14 =	vld.idx.msk [tilespmem:v54+s2+$0x0], $0xffff  }
0x435: {  	v60 =	vadd.s32 $0x5, v4;
	v61 =	vld.idx.msk [tilespmem:v55+s2+$0x0], $0xffff;
	[tilespmem:s19+$0xD8D0] =	vst v10  }
0x436: {  	v6 =	vadd.s32 $0x5, v6;
	v10 =	vld.idx.msk [tilespmem:v57+s2+$0x0], $0xffff;
	[tilespmem:s19+$0xD8C0] =	vst v3  }
0x437: {  	v8 =	vadd.s32 $0x5, v8;
	v5 =	vld.idx.msk [tilespmem:v56+s2+$0x0], $0xffff;
	[tilespmem:s19+$0xD8E0] =	vst v12  }
0x438: {  	v7 =	vadd.s32 $0x5, v7;
	[tilespmem:s19+$0xD970] =	vst v0;
	v1 =	vld.idx.msk [tilespmem:v58+s2+$0x0], $0xffff  }
0x439: {  	v9 =	vadd.s32 $0x5, v9;
	[tilespmem:s19+$0xD920] =	vst v14;
	v2 =	vld.idx.msk [tilespmem:v2+s2+$0x0], $0xffff  }
0x43a: {  	[tilespmem:s19+$0xD930] =	vst v61;
	v3 =	vld.idx.msk [tilespmem:v60+s2+$0x0], $0xffff  }
0x43b: {  	v4 =	vld.idx.msk [tilespmem:v6+s2+$0x0], $0xffff;
	[tilespmem:s19+$0xD950] =	vst v10  }
0x43c: {  	v62 =	vld.idx.msk [tilespmem:v8+s2+$0x0], $0xffff;
	[tilespmem:s19+$0xD940] =	vst v5  }
0x43d: {  	v5 =	vld.idx.msk [tilespmem:v7+s2+$0x0], $0xffff;
	[tilespmem:s19+$0xD960] =	vst v1  }
0x43e: {  	p0 =	slt.u32 s18, $0x180;
	[tilespmem:s19+$0xD9F0] =	vst v2;
	v63 =	vld.idx.msk [tilespmem:v9+s2+$0x0], $0xffff  }
.Ltmp3:
0x43f: {  	[tilespmem:s19+$0xD9A0] =	vst v3;
	(pc) =	sbr.rel @p0 .LBB2_8-.Ltmp3, $4  }
0x440: {  	[tilespmem:s19+$0xD9B0] =	vst v4  }
0x441: {  	[tilespmem:s19+$0xD9D0] =	vst v62  }
0x442: {  	[tilespmem:s19+$0xD9C0] =	vst v5  }
0x443: {  	s18 =	sadd.s32 $0x80, s18;
	[tilespmem:s19+$0xD9E0] =	vst v63  }
0x444: {  	[hbm4b:s8+s2] =	stream.linear.scatter [tilespmem:s15], [sflag:$0x1], $0x3000, $0x38;
	[tilespmem:$0xE600] =	vst v63  }
0x445: {  	_ =	swait.ge [sflag:s16], $0x3000  }
0x446: {  	[sflag:s16] =	ssyncset.done $0x0  }
0x447: {  	[sflag:s16] =	ssyncadd.s32 $0xFFFFD000  }
0x448: {  	_ =	swait.ge [sflag:s16], $0x3000  }
0x449: {  	[sflag:s16] =	ssyncset.done $0x0  }
0x44a: {  	s17 =	sadd.s32 $0x1, s17;
	[sflag:s16] =	ssyncadd.s32 $0xFFFFD000  }
0x44b: {  	p0 =	sne.s32 s17, s9;
	_ =	swait.ge [sflag:s16], $0x3000  }
.Ltmp4:
0x44c: {  	[sflag:s16] =	ssyncset.done $0x0;
	(pc) =	sbr.rel @p0 .LBB2_1-.Ltmp4, $4  }
0x44d: {  	[sflag:s16] =	ssyncadd.s32 $0xFFFFD000  }
0x44e: {  	_ =	swait.ge [sflag:s16], $0x3000  }
0x44f: {  	[sflag:s16] =	ssyncset.done $0x0  }
0x450: {  	[sflag:s16] =	ssyncadd.s32 $0xFFFFD000  }
0x451: {  	_ =	sfence.sel $0x180000  }
0x452: {  	[bflag:$0x0] =	sbarrier.arrive $0xFFFF  }
0x453: {  	p0 =	sne.s32 s1, $0x0;
	_ =	strace $0x90000047  }
0x454: {  	s0 =	sadd.s32 @!p0 $0x100000, s0;
	[bflag:$0x2] =	sbarrier.arrive $0xFFFF  }
0x455: {  	[sflag:s0] =	ssyncadd.tile.s32 @!p0 $0x1;
	_ =	shalt  }
.Lfunc_end2:
_tile_overlayer_lowered:
.L_overlay_start_2:
0x456: {  	(tag) =	ssettag $0x2  }
0x457: {  	s0 =	rddreg [dreg:$0x0];
	s2 =	stileid.u32  }
0x458: {  	s1 =	rddreg [dreg:$0x1];
	p0 =	sne.s32 s2, $0x0  }
0x459: {  	s3 =	rddreg [dreg:$0x2];
	[bflag:$0x3] =	sbarrier.arrive $0xFFFF;
	s2 =	simm.s32 @!p0 $0x1C02  }
0x45a: {  	[timem:s3], [sflag:s2] =	dma.local @!p0 [hbm:s0], s1  }
0x45b: {  	s0 =	simm.s32 @!p0 $0x2  }
0x45c: {  	_ =	swait.ge @!p0 [sflag:s0], s1  }
0x45d: {  	s1 =	ssub.s32 @!p0 $0x0, s1;
	[sflag:s0] =	ssyncset.done @!p0 $0x0  }
0x45e: {  	[sflag:s0] =	ssyncadd.s32 @!p0 s1  }
0x45f: {  	[bflag:$0x3] =	sbarrier.arrive $0xFFFF  }
0x460: {  	_ =	shalt  }

</sc_bundles>
